<compile_context>
chip_gen: v7x
topology: tpu7x:2x2x1
jax: 0.10.2.dev20260603
libtpu: 0.0.44.dev20260713+nightly
codegen_flags: <defaults>
</compile_context>

<pallas_src>
import functools

import jax
import jax.numpy as jnp
from jax import lax
from jax.experimental import pallas as pl
from jax.experimental.pallas import tpu as pltpu
from jax.experimental.pallas import tpu_sc as plsc

B = 1024
CTX = 20
D = 16
MAX_NORM = 1.0

NC = 2
NS = 16
NW = NC * NS
B_PER_W = B // NW
ROWS_PER_W = B_PER_W * CTX
IDX_CHUNK = 128
N_CHUNKS = ROWS_PER_W // IDX_CHUNK


def _sc_gather_mean(idx_flat, emb_table):
  mesh = plsc.VectorSubcoreMesh(core_axis_name="c", subcore_axis_name="s")

  @functools.partial(
      pl.kernel,
      out_type=jax.ShapeDtypeStruct((B, D), jnp.float32),
      mesh=mesh,
      compiler_params=pltpu.CompilerParams(
          needs_layout_passes=False, use_tc_tiling_on_sc=False),
      scratch_types=[
          pltpu.VMEM((ROWS_PER_W,), jnp.int32),
          pltpu.VMEM((ROWS_PER_W, D), jnp.float32),
          pltpu.VMEM((B_PER_W, D), jnp.float32),
          pltpu.SemaphoreType.DMA,
      ],
  )
  def body(idx_hbm, table_hbm, out_hbm, idx_v, rows_v, x_v, sem):
    wid = lax.axis_index("s") * NC + lax.axis_index("c")
    pltpu.sync_copy(idx_hbm.at[pl.ds(wid * ROWS_PER_W, ROWS_PER_W)], idx_v)
    copies = []
    for j in range(N_CHUNKS):
      copies.append(
          pltpu.async_copy(
              table_hbm.at[idx_v.at[pl.ds(j * IDX_CHUNK, IDX_CHUNK)]],
              rows_v.at[pl.ds(j * IDX_CHUNK, IDX_CHUNK)],
              sem,
          ))

    inv_ctx = jnp.float32(1.0 / CTX)
    lanes = lax.iota(jnp.int32, D)
    perms = [lanes ^ sh for sh in (8, 4, 2, 1)]

    def lane_sum(v):
      for p in perms:
        v = v + v.at[p].get(mode="promise_in_bounds")
      return v

    def item_body(i, _):
      base = i * CTX
      acc = jnp.zeros((D,), jnp.float32)
      for j in range(CTX):
        row = rows_v[base + j]
        n2 = lane_sum(row * row)
        yi = plsc.bitcast(n2, jnp.int32)
        yi = jnp.int32(0x5F3759DF) - (yi >> 1)
        y = plsc.bitcast(yi, jnp.float32)
        h = jnp.float32(0.5) * n2
        for _ in range(3):
          y = y * (jnp.float32(1.5) - h * y * y)
        scale = jnp.where(n2 > MAX_NORM * MAX_NORM, y * MAX_NORM,
                          jnp.float32(1.0))
        acc = acc + row * scale
      x_v[i] = acc * inv_ctx
      return 0

    for c in copies:
      c.wait()
    lax.fori_loop(0, B_PER_W, item_body, 0)
    pltpu.sync_copy(x_v, out_hbm.at[pl.ds(wid * B_PER_W, B_PER_W)])

  return body(idx_flat, emb_table)


def _tc_project(x_aug, W_aug):
  DA, V = W_aug.shape
  VT = 2048
  grid = (V + VT - 1) // VT

  def mm_body(x_ref, w_ref, o_ref):
    o_ref[...] = lax.dot_general(
        w_ref[...], x_ref[...],
        dimension_numbers=(((0,), (1,)), ((), ())),
        preferred_element_type=jnp.float32,
    )

  return pl.pallas_call(
      mm_body,
      grid=(grid,),
      in_specs=[
          pl.BlockSpec((B, DA), lambda v: (0, 0)),
          pl.BlockSpec((DA, VT), lambda v: (0, v)),
      ],
      out_specs=pl.BlockSpec((VT, B), lambda v: (v, 0)),
      out_shape=jax.ShapeDtypeStruct((V, B), jnp.float32),
      compiler_params=pltpu.CompilerParams(
          vmem_limit_bytes=110 * 1024 * 1024),
  )(x_aug, W_aug)


@jax.jit
def kernel(inputs_, emb_table, W, b):
  idx_flat = inputs_.astype(jnp.int32).reshape(B * CTX)
  x = _sc_gather_mean(idx_flat, emb_table)
  x_aug = jnp.concatenate([x, jnp.ones((B, 1), jnp.float32)], axis=1)
  W_aug_t = jnp.concatenate([W.T, b[None, :]], axis=0)
  return _tc_project(x_aug, W_aug_t).T

# --- scband reference (transcript-rebuilt; emitter-appended) ---
"""Pipeline reference for scband-word2-vectcbow-62869731279352 (READ-ONLY COPY).

The authoritative reference and input builder live on the scoring server;
editing this copy changes nothing except your own understanding.
"""

import jax, jax.numpy as jnp
import numpy as np

VOCAB = 100000
EMBED_DIMENSION = 16
EMBED_MAX_NORM = 1.0
BATCH = 1024
CTX = 20


def setup_inputs(seed: int = 0) -> dict:
    key = jax.random.key(seed)
    k1, k2, k3 = jax.random.split(key, 3)
    inputs_ = jax.random.randint(k1, (BATCH, CTX), 0, VOCAB)
    emb_table = jax.random.normal(k2, (VOCAB, EMBED_DIMENSION), dtype=jnp.float32)
    W = jax.random.normal(k3, (VOCAB, EMBED_DIMENSION), dtype=jnp.float32) * 0.02  # torch Linear weight layout [out, in]
    b = jnp.zeros((VOCAB,), dtype=jnp.float32)
    return {"inputs_": inputs_, "emb_table": emb_table, "W": W, "b": b}


def reference(inputs_, emb_table, W, b):
    # nn.Embedding with max_norm: rows accessed are renormalized so that ||row|| <= max_norm
    e = jnp.take(emb_table, inputs_, axis=0)  # [B, CTX, D] gather
    norms = jnp.linalg.norm(e, axis=-1, keepdims=True)
    scale = jnp.where(norms > EMBED_MAX_NORM, EMBED_MAX_NORM / (norms + 1e-7), 1.0)
    e = e * scale
    # CBOW: mean over context window
    x = e.mean(axis=1)  # [B, D]
    # Linear projection to vocab
    logits = x @ W.T + b  # [B, VOCAB]
    return logits

if __name__ == "__main__":
    import jax
    _d = setup_inputs()
    print(jax.jit(kernel)(*tuple(_d.values())))

</pallas_src>

<mosaic_0001>
#map = affine_map<(d0, d1) -> (0)>
#map1 = affine_map<(d0, d1) -> (0, 0)>
module attributes {stable_mosaic.version = 14 : i64} {
  func.func @body(%arg0: i32, %arg1: i32, %arg2: memref<20480xi32, #tpu.memory_space<hbm>>, %arg3: memref<100000x16xf32, #tpu.memory_space<hbm>>, %arg4: memref<1024x16xf32, #tpu.memory_space<hbm>>, %arg5: memref<640xi32, #tpu.memory_space<vmem>>, %arg6: memref<640x16xf32, #tpu.memory_space<vmem>>, %arg7: memref<32x16xf32, #tpu.memory_space<vmem>>, %arg8: memref<!tpu.dma_semaphore, #tpu.memory_space<semaphore_mem>>) attributes {dimension_semantics = [#tpu.dimension_semantics<core_parallel>, #tpu.dimension_semantics<subcore_parallel>], iteration_bounds = array<i64: 2, 16>, scalar_prefetch = 0 : i64, scratch_operands = 4 : i64, tpu.core_type = #tpu.core_type<sc_vector_subcore>, window_params = [{transform_indices = #map}, {transform_indices = #map1}, {transform_indices = #map1}]} {
    %mul3A = arith.constant 2 : i32
    %mul3A_0 = arith.muli %arg1, %mul3A : i32
    %add3A = arith.addi %mul3A_0, %arg0 : i32
    %mul3A_1 = arith.constant 640 : i32
    %mul3A_2 = arith.muli %add3A, %mul3A_1 : i32
    "tpu.region"() ({
      %run_scoped3A = tpu.sem_alloc : memref<!tpu.dma_semaphore, #tpu.memory_space<semaphore_mem>>
      %dma_start3A_101 = tpu.memref_slice %arg2[%mul3A_2] : memref<20480xi32, #tpu.memory_space<hbm>> -> memref<640xi32, #tpu.memory_space<hbm>>
      %dma_start3A_102 = tpu.memref_slice %arg2[%mul3A_2] : memref<20480xi32, #tpu.memory_space<hbm>> -> memref<640xi32, #tpu.memory_space<hbm>>
      tpu.enqueue_dma source(%dma_start3A_102 : memref<640xi32, #tpu.memory_space<hbm>>) target(%arg5 : memref<640xi32, #tpu.memory_space<vmem>>) target_semaphore(%run_scoped3A : memref<!tpu.dma_semaphore, #tpu.memory_space<semaphore_mem>>)
      %dma_wait3A_103 = tpu.memref_slice %arg2[%mul3A_2] : memref<20480xi32, #tpu.memory_space<hbm>> -> memref<640xi32, #tpu.memory_space<hbm>>
      %dma_wait3A_104 = tpu.memref_slice %arg2[%mul3A_2] : memref<20480xi32, #tpu.memory_space<hbm>> -> memref<640xi32, #tpu.memory_space<hbm>>
      tpu.wait_dma2 semaphore(%run_scoped3A : memref<!tpu.dma_semaphore, #tpu.memory_space<semaphore_mem>>) src(%dma_wait3A_104 : memref<640xi32, #tpu.memory_space<hbm>>) dst(%arg5 : memref<640xi32, #tpu.memory_space<vmem>>)
      tpu.yield
    }) : () -> ()
    %dma_start3A = arith.constant 0 : i32
    %dma_start3A_3 = arith.constant 0 : i32
    %dma_start3A_4 = tpu.memref_slice %arg6[%dma_start3A, %dma_start3A_3] : memref<640x16xf32, #tpu.memory_space<vmem>> -> memref<128x16xf32, #tpu.memory_space<vmem>>
    %dma_start3A_5 = arith.constant 0 : i32
    %dma_start3A_6 = tpu.memref_slice %arg5[%dma_start3A_5] : memref<640xi32, #tpu.memory_space<vmem>> -> memref<128xi32, #tpu.memory_space<vmem>>
    %dma_start3A_7 = arith.constant 0 : i32
    %dma_start3A_8 = arith.constant 0 : i32
    %dma_start3A_9 = tpu.memref_slice %arg3[%dma_start3A_7, %dma_start3A_8] : memref<100000x16xf32, #tpu.memory_space<hbm>> -> memref<100000x16xf32, #tpu.memory_space<hbm>>
    tpu.enqueue_indirect_dma source(%dma_start3A_9 : memref<100000x16xf32, #tpu.memory_space<hbm>>) target(%dma_start3A_4 : memref<128x16xf32, #tpu.memory_space<vmem>>) offsets(%dma_start3A_6 : memref<128xi32, #tpu.memory_space<vmem>>) semaphore(%arg8 : memref<!tpu.dma_semaphore, #tpu.memory_space<semaphore_mem>>)
    %dma_start3A_10 = arith.constant 128 : i32
    %dma_start3A_11 = arith.constant 0 : i32
    %dma_start3A_12 = tpu.memref_slice %arg6[%dma_start3A_10, %dma_start3A_11] : memref<640x16xf32, #tpu.memory_space<vmem>> -> memref<128x16xf32, #tpu.memory_space<vmem>>
    %dma_start3A_13 = arith.constant 128 : i32
    %dma_start3A_14 = tpu.memref_slice %arg5[%dma_start3A_13] : memref<640xi32, #tpu.memory_space<vmem>> -> memref<128xi32, #tpu.memory_space<vmem>>
    %dma_start3A_15 = arith.constant 0 : i32
    %dma_start3A_16 = arith.constant 0 : i32
    %dma_start3A_17 = tpu.memref_slice %arg3[%dma_start3A_15, %dma_start3A_16] : memref<100000x16xf32, #tpu.memory_space<hbm>> -> memref<100000x16xf32, #tpu.memory_space<hbm>>
    tpu.enqueue_indirect_dma source(%dma_start3A_17 : memref<100000x16xf32, #tpu.memory_space<hbm>>) target(%dma_start3A_12 : memref<128x16xf32, #tpu.memory_space<vmem>>) offsets(%dma_start3A_14 : memref<128xi32, #tpu.memory_space<vmem>>) semaphore(%arg8 : memref<!tpu.dma_semaphore, #tpu.memory_space<semaphore_mem>>)
    %dma_start3A_18 = arith.constant 256 : i32
    %dma_start3A_19 = arith.constant 0 : i32
    %dma_start3A_20 = tpu.memref_slice %arg6[%dma_start3A_18, %dma_start3A_19] : memref<640x16xf32, #tpu.memory_space<vmem>> -> memref<128x16xf32, #tpu.memory_space<vmem>>
    %dma_start3A_21 = arith.constant 256 : i32
    %dma_start3A_22 = tpu.memref_slice %arg5[%dma_start3A_21] : memref<640xi32, #tpu.memory_space<vmem>> -> memref<128xi32, #tpu.memory_space<vmem>>
    %dma_start3A_23 = arith.constant 0 : i32
    %dma_start3A_24 = arith.constant 0 : i32
    %dma_start3A_25 = tpu.memref_slice %arg3[%dma_start3A_23, %dma_start3A_24] : memref<100000x16xf32, #tpu.memory_space<hbm>> -> memref<100000x16xf32, #tpu.memory_space<hbm>>
    tpu.enqueue_indirect_dma source(%dma_start3A_25 : memref<100000x16xf32, #tpu.memory_space<hbm>>) target(%dma_start3A_20 : memref<128x16xf32, #tpu.memory_space<vmem>>) offsets(%dma_start3A_22 : memref<128xi32, #tpu.memory_space<vmem>>) semaphore(%arg8 : memref<!tpu.dma_semaphore, #tpu.memory_space<semaphore_mem>>)
    %dma_start3A_26 = arith.constant 384 : i32
    %dma_start3A_27 = arith.constant 0 : i32
    %dma_start3A_28 = tpu.memref_slice %arg6[%dma_start3A_26, %dma_start3A_27] : memref<640x16xf32, #tpu.memory_space<vmem>> -> memref<128x16xf32, #tpu.memory_space<vmem>>
    %dma_start3A_29 = arith.constant 384 : i32
    %dma_start3A_30 = tpu.memref_slice %arg5[%dma_start3A_29] : memref<640xi32, #tpu.memory_space<vmem>> -> memref<128xi32, #tpu.memory_space<vmem>>
    %dma_start3A_31 = arith.constant 0 : i32
    %dma_start3A_32 = arith.constant 0 : i32
    %dma_start3A_33 = tpu.memref_slice %arg3[%dma_start3A_31, %dma_start3A_32] : memref<100000x16xf32, #tpu.memory_space<hbm>> -> memref<100000x16xf32, #tpu.memory_space<hbm>>
    tpu.enqueue_indirect_dma source(%dma_start3A_33 : memref<100000x16xf32, #tpu.memory_space<hbm>>) target(%dma_start3A_28 : memref<128x16xf32, #tpu.memory_space<vmem>>) offsets(%dma_start3A_30 : memref<128xi32, #tpu.memory_space<vmem>>) semaphore(%arg8 : memref<!tpu.dma_semaphore, #tpu.memory_space<semaphore_mem>>)
    %dma_start3A_34 = arith.constant 512 : i32
    %dma_start3A_35 = arith.constant 0 : i32
    %dma_start3A_36 = tpu.memref_slice %arg6[%dma_start3A_34, %dma_start3A_35] : memref<640x16xf32, #tpu.memory_space<vmem>> -> memref<128x16xf32, #tpu.memory_space<vmem>>
    %dma_start3A_37 = arith.constant 512 : i32
    %dma_start3A_38 = tpu.memref_slice %arg5[%dma_start3A_37] : memref<640xi32, #tpu.memory_space<vmem>> -> memref<128xi32, #tpu.memory_space<vmem>>
    %dma_start3A_39 = arith.constant 0 : i32
    %dma_start3A_40 = arith.constant 0 : i32
    %dma_start3A_41 = tpu.memref_slice %arg3[%dma_start3A_39, %dma_start3A_40] : memref<100000x16xf32, #tpu.memory_space<hbm>> -> memref<100000x16xf32, #tpu.memory_space<hbm>>
    tpu.enqueue_indirect_dma source(%dma_start3A_41 : memref<100000x16xf32, #tpu.memory_space<hbm>>) target(%dma_start3A_36 : memref<128x16xf32, #tpu.memory_space<vmem>>) offsets(%dma_start3A_38 : memref<128xi32, #tpu.memory_space<vmem>>) semaphore(%arg8 : memref<!tpu.dma_semaphore, #tpu.memory_space<semaphore_mem>>)
    %iota3A = tpu.iota {dimensions = array<i32: 0>} : vector<16xi32>
    %xor3A = arith.constant 8 : i32
    %xor3A_42 = vector.broadcast %xor3A : i32 to vector<16xi32>
    %xor3A_43 = arith.xori %iota3A, %xor3A_42 : vector<16xi32>
    %xor3A_44 = arith.constant 4 : i32
    %xor3A_45 = vector.broadcast %xor3A_44 : i32 to vector<16xi32>
    %xor3A_46 = arith.xori %iota3A, %xor3A_45 : vector<16xi32>
    %xor3A_47 = arith.constant 2 : i32
    %xor3A_48 = vector.broadcast %xor3A_47 : i32 to vector<16xi32>
    %xor3A_49 = arith.xori %iota3A, %xor3A_48 : vector<16xi32>
    %xor3A_50 = arith.constant 1 : i32
    %xor3A_51 = vector.broadcast %xor3A_50 : i32 to vector<16xi32>
    %xor3A_52 = arith.xori %iota3A, %xor3A_51 : vector<16xi32>
    %dma_wait3A = arith.constant 0 : i32
    %dma_wait3A_53 = arith.constant 0 : i32
    %dma_wait3A_54 = tpu.memref_slice %arg6[%dma_wait3A, %dma_wait3A_53] : memref<640x16xf32, #tpu.memory_space<vmem>> -> memref<128x16xf32, #tpu.memory_space<vmem>>
    %dma_wait3A_55 = arith.constant 0 : i32
    %dma_wait3A_56 = tpu.memref_slice %arg5[%dma_wait3A_55] : memref<640xi32, #tpu.memory_space<vmem>> -> memref<128xi32, #tpu.memory_space<vmem>>
    %dma_wait3A_57 = arith.constant 0 : i32
    %dma_wait3A_58 = arith.constant 0 : i32
    %dma_wait3A_59 = tpu.memref_slice %arg3[%dma_wait3A_57, %dma_wait3A_58] : memref<100000x16xf32, #tpu.memory_space<hbm>> -> memref<100000x16xf32, #tpu.memory_space<hbm>>
    tpu.wait_indirect_dma semaphore(%arg8 : memref<!tpu.dma_semaphore, #tpu.memory_space<semaphore_mem>>) src(%dma_wait3A_59 : memref<100000x16xf32, #tpu.memory_space<hbm>>) dst(%dma_wait3A_54 : memref<128x16xf32, #tpu.memory_space<vmem>>)
    %dma_wait3A_60 = arith.constant 128 : i32
    %dma_wait3A_61 = arith.constant 0 : i32
    %dma_wait3A_62 = tpu.memref_slice %arg6[%dma_wait3A_60, %dma_wait3A_61] : memref<640x16xf32, #tpu.memory_space<vmem>> -> memref<128x16xf32, #tpu.memory_space<vmem>>
    %dma_wait3A_63 = arith.constant 128 : i32
    %dma_wait3A_64 = tpu.memref_slice %arg5[%dma_wait3A_63] : memref<640xi32, #tpu.memory_space<vmem>> -> memref<128xi32, #tpu.memory_space<vmem>>
    %dma_wait3A_65 = arith.constant 0 : i32
    %dma_wait3A_66 = arith.constant 0 : i32
    %dma_wait3A_67 = tpu.memref_slice %arg3[%dma_wait3A_65, %dma_wait3A_66] : memref<100000x16xf32, #tpu.memory_space<hbm>> -> memref<100000x16xf32, #tpu.memory_space<hbm>>
    tpu.wait_indirect_dma semaphore(%arg8 : memref<!tpu.dma_semaphore, #tpu.memory_space<semaphore_mem>>) src(%dma_wait3A_67 : memref<100000x16xf32, #tpu.memory_space<hbm>>) dst(%dma_wait3A_62 : memref<128x16xf32, #tpu.memory_space<vmem>>)
    %dma_wait3A_68 = arith.constant 256 : i32
    %dma_wait3A_69 = arith.constant 0 : i32
    %dma_wait3A_70 = tpu.memref_slice %arg6[%dma_wait3A_68, %dma_wait3A_69] : memref<640x16xf32, #tpu.memory_space<vmem>> -> memref<128x16xf32, #tpu.memory_space<vmem>>
    %dma_wait3A_71 = arith.constant 256 : i32
    %dma_wait3A_72 = tpu.memref_slice %arg5[%dma_wait3A_71] : memref<640xi32, #tpu.memory_space<vmem>> -> memref<128xi32, #tpu.memory_space<vmem>>
    %dma_wait3A_73 = arith.constant 0 : i32
    %dma_wait3A_74 = arith.constant 0 : i32
    %dma_wait3A_75 = tpu.memref_slice %arg3[%dma_wait3A_73, %dma_wait3A_74] : memref<100000x16xf32, #tpu.memory_space<hbm>> -> memref<100000x16xf32, #tpu.memory_space<hbm>>
    tpu.wait_indirect_dma semaphore(%arg8 : memref<!tpu.dma_semaphore, #tpu.memory_space<semaphore_mem>>) src(%dma_wait3A_75 : memref<100000x16xf32, #tpu.memory_space<hbm>>) dst(%dma_wait3A_70 : memref<128x16xf32, #tpu.memory_space<vmem>>)
    %dma_wait3A_76 = arith.constant 384 : i32
    %dma_wait3A_77 = arith.constant 0 : i32
    %dma_wait3A_78 = tpu.memref_slice %arg6[%dma_wait3A_76, %dma_wait3A_77] : memref<640x16xf32, #tpu.memory_space<vmem>> -> memref<128x16xf32, #tpu.memory_space<vmem>>
    %dma_wait3A_79 = arith.constant 384 : i32
    %dma_wait3A_80 = tpu.memref_slice %arg5[%dma_wait3A_79] : memref<640xi32, #tpu.memory_space<vmem>> -> memref<128xi32, #tpu.memory_space<vmem>>
    %dma_wait3A_81 = arith.constant 0 : i32
    %dma_wait3A_82 = arith.constant 0 : i32
    %dma_wait3A_83 = tpu.memref_slice %arg3[%dma_wait3A_81, %dma_wait3A_82] : memref<100000x16xf32, #tpu.memory_space<hbm>> -> memref<100000x16xf32, #tpu.memory_space<hbm>>
    tpu.wait_indirect_dma semaphore(%arg8 : memref<!tpu.dma_semaphore, #tpu.memory_space<semaphore_mem>>) src(%dma_wait3A_83 : memref<100000x16xf32, #tpu.memory_space<hbm>>) dst(%dma_wait3A_78 : memref<128x16xf32, #tpu.memory_space<vmem>>)
    %dma_wait3A_84 = arith.constant 512 : i32
    %dma_wait3A_85 = arith.constant 0 : i32
    %dma_wait3A_86 = tpu.memref_slice %arg6[%dma_wait3A_84, %dma_wait3A_85] : memref<640x16xf32, #tpu.memory_space<vmem>> -> memref<128x16xf32, #tpu.memory_space<vmem>>
    %dma_wait3A_87 = arith.constant 512 : i32
    %dma_wait3A_88 = tpu.memref_slice %arg5[%dma_wait3A_87] : memref<640xi32, #tpu.memory_space<vmem>> -> memref<128xi32, #tpu.memory_space<vmem>>
    %dma_wait3A_89 = arith.constant 0 : i32
    %dma_wait3A_90 = arith.constant 0 : i32
    %dma_wait3A_91 = tpu.memref_slice %arg3[%dma_wait3A_89, %dma_wait3A_90] : memref<100000x16xf32, #tpu.memory_space<hbm>> -> memref<100000x16xf32, #tpu.memory_space<hbm>>
    tpu.wait_indirect_dma semaphore(%arg8 : memref<!tpu.dma_semaphore, #tpu.memory_space<semaphore_mem>>) src(%dma_wait3A_91 : memref<100000x16xf32, #tpu.memory_space<hbm>>) dst(%dma_wait3A_86 : memref<128x16xf32, #tpu.memory_space<vmem>>)
    %scan3A = arith.constant 5.000000e-02 : f32
    %scan3A_92 = arith.constant 0 : i32
    %scan3A_93 = arith.constant 0 : i32
    %scan3A_94 = arith.constant 32 : i32
    %scan3A_95 = arith.addi %scan3A_93, %scan3A_94 : i32
    %scan3A_96 = arith.constant 1 : i32
    %scan3A_97 = scf.for %scan3A_101 = %scan3A_93 to %scan3A_95 step %scan3A_96 iter_args(%scan3A_102 = %scan3A_92) -> (i32)  : i32 {
      %mul3A_103 = arith.constant 20 : i32
      %mul3A_104 = arith.muli %scan3A_101, %mul3A_103 : i32
      %broadcast_in_dim3A = arith.constant 0.000000e+00 : f32
      %broadcast_in_dim3A_105 = vector.broadcast %broadcast_in_dim3A : f32 to vector<16xf32>
      %add3A_106 = arith.constant 0 : i32
      %add3A_107 = arith.addi %mul3A_104, %add3A_106 : i32
      %get3A = arith.index_cast %add3A_107 : i32 to index
      %get3A_108 = arith.constant 0 : index
      %get3A_109 = tpu.vector_load %arg6[%get3A, %get3A_108] {strides = array<i32>} : memref<640x16xf32, #tpu.memory_space<vmem>>, vector<16xf32>,
      %mul3A_110 = arith.mulf %get3A_109, %get3A_109 : vector<16xf32>
      %lt3A = arith.constant 0 : i32
      %lt3A_111 = vector.broadcast %lt3A : i32 to vector<16xi32>
      %lt3A_112 = arith.cmpi slt, %xor3A_43, %lt3A_111 : vector<16xi32>
      %add3A_113 = arith.constant 16 : i32
      %add3A_114 = vector.broadcast %add3A_113 : i32 to vector<16xi32>
      %add3A_115 = arith.addi %xor3A_43, %add3A_114 : vector<16xi32>
      %select_n3A = arith.select %lt3A_112, %add3A_115, %xor3A_43 : vector<16xi1>, vector<16xi32>
      %broadcast_in_dim3A_116 = vector.shape_cast %select_n3A : vector<16xi32> to vector<16x1xi32>
      %gather3A = vector.shape_cast %broadcast_in_dim3A_116 : vector<16x1xi32> to vector<16xi32>
      %gather3A_117 = tpu.dynamic_gather %mul3A_110[%gather3A] in [0] : vector<16xf32>, vector<16xi32> -> vector<16xf32>
      %add3A_118 = arith.addf %mul3A_110, %gather3A_117 : vector<16xf32>
      %lt3A_119 = arith.constant 0 : i32
      %lt3A_120 = vector.broadcast %lt3A_119 : i32 to vector<16xi32>
      %lt3A_121 = arith.cmpi slt, %xor3A_46, %lt3A_120 : vector<16xi32>
      %add3A_122 = arith.constant 16 : i32
      %add3A_123 = vector.broadcast %add3A_122 : i32 to vector<16xi32>
      %add3A_124 = arith.addi %xor3A_46, %add3A_123 : vector<16xi32>
      %select_n3A_125 = arith.select %lt3A_121, %add3A_124, %xor3A_46 : vector<16xi1>, vector<16xi32>
      %broadcast_in_dim3A_126 = vector.shape_cast %select_n3A_125 : vector<16xi32> to vector<16x1xi32>
      %gather3A_127 = vector.shape_cast %broadcast_in_dim3A_126 : vector<16x1xi32> to vector<16xi32>
      %gather3A_128 = tpu.dynamic_gather %add3A_118[%gather3A_127] in [0] : vector<16xf32>, vector<16xi32> -> vector<16xf32>
      %add3A_129 = arith.addf %add3A_118, %gather3A_128 : vector<16xf32>
      %lt3A_130 = arith.constant 0 : i32
      %lt3A_131 = vector.broadcast %lt3A_130 : i32 to vector<16xi32>
      %lt3A_132 = arith.cmpi slt, %xor3A_49, %lt3A_131 : vector<16xi32>
      %add3A_133 = arith.constant 16 : i32
      %add3A_134 = vector.broadcast %add3A_133 : i32 to vector<16xi32>
      %add3A_135 = arith.addi %xor3A_49, %add3A_134 : vector<16xi32>
      %select_n3A_136 = arith.select %lt3A_132, %add3A_135, %xor3A_49 : vector<16xi1>, vector<16xi32>
      %broadcast_in_dim3A_137 = vector.shape_cast %select_n3A_136 : vector<16xi32> to vector<16x1xi32>
      %gather3A_138 = vector.shape_cast %broadcast_in_dim3A_137 : vector<16x1xi32> to vector<16xi32>
      %gather3A_139 = tpu.dynamic_gather %add3A_129[%gather3A_138] in [0] : vector<16xf32>, vector<16xi32> -> vector<16xf32>
      %add3A_140 = arith.addf %add3A_129, %gather3A_139 : vector<16xf32>
      %lt3A_141 = arith.constant 0 : i32
      %lt3A_142 = vector.broadcast %lt3A_141 : i32 to vector<16xi32>
      %lt3A_143 = arith.cmpi slt, %xor3A_52, %lt3A_142 : vector<16xi32>
      %add3A_144 = arith.constant 16 : i32
      %add3A_145 = vector.broadcast %add3A_144 : i32 to vector<16xi32>
      %add3A_146 = arith.addi %xor3A_52, %add3A_145 : vector<16xi32>
      %select_n3A_147 = arith.select %lt3A_143, %add3A_146, %xor3A_52 : vector<16xi1>, vector<16xi32>
      %broadcast_in_dim3A_148 = vector.shape_cast %select_n3A_147 : vector<16xi32> to vector<16x1xi32>
      %gather3A_149 = vector.shape_cast %broadcast_in_dim3A_148 : vector<16x1xi32> to vector<16xi32>
      %gather3A_150 = tpu.dynamic_gather %add3A_140[%gather3A_149] in [0] : vector<16xf32>, vector<16xi32> -> vector<16xf32>
      %add3A_151 = arith.addf %add3A_140, %gather3A_150 : vector<16xf32>
      %bitcast3A = vector.bitcast %add3A_151 : vector<16xf32> to vector<16xi32>
      %shift_right_arithmetic3A = arith.constant 1 : i32
      %shift_right_arithmetic3A_152 = vector.broadcast %shift_right_arithmetic3A : i32 to vector<16xi32>
      %shift_right_arithmetic3A_153 = arith.shrsi %bitcast3A, %shift_right_arithmetic3A_152 : vector<16xi32>
      %sub3A = arith.constant 1597463007 : i32
      %sub3A_154 = vector.broadcast %sub3A : i32 to vector<16xi32>
      %sub3A_155 = arith.subi %sub3A_154, %shift_right_arithmetic3A_153 : vector<16xi32>
      %bitcast3A_156 = vector.bitcast %sub3A_155 : vector<16xi32> to vector<16xf32>
      %mul3A_157 = arith.constant 5.000000e-01 : f32
      %mul3A_158 = vector.broadcast %mul3A_157 : f32 to vector<16xf32>
      %mul3A_159 = arith.mulf %mul3A_158, %add3A_151 : vector<16xf32>
      %mul3A_160 = arith.mulf %mul3A_159, %bitcast3A_156 : vector<16xf32>
      %mul3A_161 = arith.mulf %mul3A_160, %bitcast3A_156 : vector<16xf32>
      %sub3A_162 = arith.constant 1.500000e+00 : f32
      %sub3A_163 = vector.broadcast %sub3A_162 : f32 to vector<16xf32>
      %sub3A_164 = arith.subf %sub3A_163, %mul3A_161 : vector<16xf32>
      %mul3A_165 = arith.mulf %bitcast3A_156, %sub3A_164 : vector<16xf32>
      %mul3A_166 = arith.mulf %mul3A_159, %mul3A_165 : vector<16xf32>
      %mul3A_167 = arith.mulf %mul3A_166, %mul3A_165 : vector<16xf32>
      %sub3A_168 = arith.constant 1.500000e+00 : f32
      %sub3A_169 = vector.broadcast %sub3A_168 : f32 to vector<16xf32>
      %sub3A_170 = arith.subf %sub3A_169, %mul3A_167 : vector<16xf32>
      %mul3A_171 = arith.mulf %mul3A_165, %sub3A_170 : vector<16xf32>
      %mul3A_172 = arith.mulf %mul3A_159, %mul3A_171 : vector<16xf32>
      %mul3A_173 = arith.mulf %mul3A_172, %mul3A_171 : vector<16xf32>
      %sub3A_174 = arith.constant 1.500000e+00 : f32
      %sub3A_175 = vector.broadcast %sub3A_174 : f32 to vector<16xf32>
      %sub3A_176 = arith.subf %sub3A_175, %mul3A_173 : vector<16xf32>
      %mul3A_177 = arith.mulf %mul3A_171, %sub3A_176 : vector<16xf32>
      %gt3A = arith.constant 1.000000e+00 : f32
      %gt3A_178 = vector.broadcast %gt3A : f32 to vector<16xf32>
      %gt3A_179 = arith.cmpf ogt, %add3A_151, %gt3A_178 : vector<16xf32>
      %mul3A_180 = arith.constant 1.000000e+00 : f32
      %mul3A_181 = vector.broadcast %mul3A_180 : f32 to vector<16xf32>
      %mul3A_182 = arith.mulf %mul3A_177, %mul3A_181 : vector<16xf32>
      %jit3A = arith.constant 1.000000e+00 : f32
      %broadcast_in_dim3A_183 = vector.broadcast %jit3A : f32 to vector<16xf32>
      %select_n3A_184 = arith.select %gt3A_179, %mul3A_182, %broadcast_in_dim3A_183 : vector<16xi1>, vector<16xf32>
      %mul3A_185 = arith.mulf %get3A_109, %select_n3A_184 : vector<16xf32>
      %add3A_186 = arith.addf %broadcast_in_dim3A_105, %mul3A_185 : vector<16xf32>
      %add3A_187 = arith.constant 1 : i32
      %add3A_188 = arith.addi %mul3A_104, %add3A_187 : i32
      %get3A_189 = arith.index_cast %add3A_188 : i32 to index
      %get3A_190 = arith.constant 0 : index
      %get3A_191 = tpu.vector_load %arg6[%get3A_189, %get3A_190] {strides = array<i32>} : memref<640x16xf32, #tpu.memory_space<vmem>>, vector<16xf32>,
      %mul3A_192 = arith.mulf %get3A_191, %get3A_191 : vector<16xf32>
      %lt3A_193 = arith.constant 0 : i32
      %lt3A_194 = vector.broadcast %lt3A_193 : i32 to vector<16xi32>
      %lt3A_195 = arith.cmpi slt, %xor3A_43, %lt3A_194 : vector<16xi32>
      %add3A_196 = arith.constant 16 : i32
      %add3A_197 = vector.broadcast %add3A_196 : i32 to vector<16xi32>
      %add3A_198 = arith.addi %xor3A_43, %add3A_197 : vector<16xi32>
      %select_n3A_199 = arith.select %lt3A_195, %add3A_198, %xor3A_43 : vector<16xi1>, vector<16xi32>
      %broadcast_in_dim3A_200 = vector.shape_cast %select_n3A_199 : vector<16xi32> to vector<16x1xi32>
      %gather3A_201 = vector.shape_cast %broadcast_in_dim3A_200 : vector<16x1xi32> to vector<16xi32>
      %gather3A_202 = tpu.dynamic_gather %mul3A_192[%gather3A_201] in [0] : vector<16xf32>, vector<16xi32> -> vector<16xf32>
      %add3A_203 = arith.addf %mul3A_192, %gather3A_202 : vector<16xf32>
      %lt3A_204 = arith.constant 0 : i32
      %lt3A_205 = vector.broadcast %lt3A_204 : i32 to vector<16xi32>
      %lt3A_206 = arith.cmpi slt, %xor3A_46, %lt3A_205 : vector<16xi32>
      %add3A_207 = arith.constant 16 : i32
      %add3A_208 = vector.broadcast %add3A_207 : i32 to vector<16xi32>
      %add3A_209 = arith.addi %xor3A_46, %add3A_208 : vector<16xi32>
      %select_n3A_210 = arith.select %lt3A_206, %add3A_209, %xor3A_46 : vector<16xi1>, vector<16xi32>
      %broadcast_in_dim3A_211 = vector.shape_cast %select_n3A_210 : vector<16xi32> to vector<16x1xi32>
      %gather3A_212 = vector.shape_cast %broadcast_in_dim3A_211 : vector<16x1xi32> to vector<16xi32>
      %gather3A_213 = tpu.dynamic_gather %add3A_203[%gather3A_212] in [0] : vector<16xf32>, vector<16xi32> -> vector<16xf32>
      %add3A_214 = arith.addf %add3A_203, %gather3A_213 : vector<16xf32>
      %lt3A_215 = arith.constant 0 : i32
      %lt3A_216 = vector.broadcast %lt3A_215 : i32 to vector<16xi32>
      %lt3A_217 = arith.cmpi slt, %xor3A_49, %lt3A_216 : vector<16xi32>
      %add3A_218 = arith.constant 16 : i32
      %add3A_219 = vector.broadcast %add3A_218 : i32 to vector<16xi32>
      %add3A_220 = arith.addi %xor3A_49, %add3A_219 : vector<16xi32>
      %select_n3A_221 = arith.select %lt3A_217, %add3A_220, %xor3A_49 : vector<16xi1>, vector<16xi32>
      %broadcast_in_dim3A_222 = vector.shape_cast %select_n3A_221 : vector<16xi32> to vector<16x1xi32>
      %gather3A_223 = vector.shape_cast %broadcast_in_dim3A_222 : vector<16x1xi32> to vector<16xi32>
      %gather3A_224 = tpu.dynamic_gather %add3A_214[%gather3A_223] in [0] : vector<16xf32>, vector<16xi32> -> vector<16xf32>
      %add3A_225 = arith.addf %add3A_214, %gather3A_224 : vector<16xf32>
      %lt3A_226 = arith.constant 0 : i32
      %lt3A_227 = vector.broadcast %lt3A_226 : i32 to vector<16xi32>
      %lt3A_228 = arith.cmpi slt, %xor3A_52, %lt3A_227 : vector<16xi32>
      %add3A_229 = arith.constant 16 : i32
      %add3A_230 = vector.broadcast %add3A_229 : i32 to vector<16xi32>
      %add3A_231 = arith.addi %xor3A_52, %add3A_230 : vector<16xi32>
      %select_n3A_232 = arith.select %lt3A_228, %add3A_231, %xor3A_52 : vector<16xi1>, vector<16xi32>
      %broadcast_in_dim3A_233 = vector.shape_cast %select_n3A_232 : vector<16xi32> to vector<16x1xi32>
      %gather3A_234 = vector.shape_cast %broadcast_in_dim3A_233 : vector<16x1xi32> to vector<16xi32>
      %gather3A_235 = tpu.dynamic_gather %add3A_225[%gather3A_234] in [0] : vector<16xf32>, vector<16xi32> -> vector<16xf32>
      %add3A_236 = arith.addf %add3A_225, %gather3A_235 : vector<16xf32>
      %bitcast3A_237 = vector.bitcast %add3A_236 : vector<16xf32> to vector<16xi32>
      %shift_right_arithmetic3A_238 = arith.constant 1 : i32
      %shift_right_arithmetic3A_239 = vector.broadcast %shift_right_arithmetic3A_238 : i32 to vector<16xi32>
      %shift_right_arithmetic3A_240 = arith.shrsi %bitcast3A_237, %shift_right_arithmetic3A_239 : vector<16xi32>
      %sub3A_241 = arith.constant 1597463007 : i32
      %sub3A_242 = vector.broadcast %sub3A_241 : i32 to vector<16xi32>
      %sub3A_243 = arith.subi %sub3A_242, %shift_right_arithmetic3A_240 : vector<16xi32>
      %bitcast3A_244 = vector.bitcast %sub3A_243 : vector<16xi32> to vector<16xf32>
      %mul3A_245 = arith.constant 5.000000e-01 : f32
      %mul3A_246 = vector.broadcast %mul3A_245 : f32 to vector<16xf32>
      %mul3A_247 = arith.mulf %mul3A_246, %add3A_236 : vector<16xf32>
      %mul3A_248 = arith.mulf %mul3A_247, %bitcast3A_244 : vector<16xf32>
      %mul3A_249 = arith.mulf %mul3A_248, %bitcast3A_244 : vector<16xf32>
      %sub3A_250 = arith.constant 1.500000e+00 : f32
      %sub3A_251 = vector.broadcast %sub3A_250 : f32 to vector<16xf32>
      %sub3A_252 = arith.subf %sub3A_251, %mul3A_249 : vector<16xf32>
      %mul3A_253 = arith.mulf %bitcast3A_244, %sub3A_252 : vector<16xf32>
      %mul3A_254 = arith.mulf %mul3A_247, %mul3A_253 : vector<16xf32>
      %mul3A_255 = arith.mulf %mul3A_254, %mul3A_253 : vector<16xf32>
      %sub3A_256 = arith.constant 1.500000e+00 : f32
      %sub3A_257 = vector.broadcast %sub3A_256 : f32 to vector<16xf32>
      %sub3A_258 = arith.subf %sub3A_257, %mul3A_255 : vector<16xf32>
      %mul3A_259 = arith.mulf %mul3A_253, %sub3A_258 : vector<16xf32>
      %mul3A_260 = arith.mulf %mul3A_247, %mul3A_259 : vector<16xf32>
      %mul3A_261 = arith.mulf %mul3A_260, %mul3A_259 : vector<16xf32>
      %sub3A_262 = arith.constant 1.500000e+00 : f32
      %sub3A_263 = vector.broadcast %sub3A_262 : f32 to vector<16xf32>
      %sub3A_264 = arith.subf %sub3A_263, %mul3A_261 : vector<16xf32>
      %mul3A_265 = arith.mulf %mul3A_259, %sub3A_264 : vector<16xf32>
      %gt3A_266 = arith.constant 1.000000e+00 : f32
      %gt3A_267 = vector.broadcast %gt3A_266 : f32 to vector<16xf32>
      %gt3A_268 = arith.cmpf ogt, %add3A_236, %gt3A_267 : vector<16xf32>
      %mul3A_269 = arith.constant 1.000000e+00 : f32
      %mul3A_270 = vector.broadcast %mul3A_269 : f32 to vector<16xf32>
      %mul3A_271 = arith.mulf %mul3A_265, %mul3A_270 : vector<16xf32>
      %jit3A_272 = arith.constant 1.000000e+00 : f32
      %broadcast_in_dim3A_273 = vector.broadcast %jit3A_272 : f32 to vector<16xf32>
      %select_n3A_274 = arith.select %gt3A_268, %mul3A_271, %broadcast_in_dim3A_273 : vector<16xi1>, vector<16xf32>
      %mul3A_275 = arith.mulf %get3A_191, %select_n3A_274 : vector<16xf32>
      %add3A_276 = arith.addf %add3A_186, %mul3A_275 : vector<16xf32>
      %add3A_277 = arith.constant 2 : i32
      %add3A_278 = arith.addi %mul3A_104, %add3A_277 : i32
      %get3A_279 = arith.index_cast %add3A_278 : i32 to index
      %get3A_280 = arith.constant 0 : index
      %get3A_281 = tpu.vector_load %arg6[%get3A_279, %get3A_280] {strides = array<i32>} : memref<640x16xf32, #tpu.memory_space<vmem>>, vector<16xf32>,
      %mul3A_282 = arith.mulf %get3A_281, %get3A_281 : vector<16xf32>
      %lt3A_283 = arith.constant 0 : i32
      %lt3A_284 = vector.broadcast %lt3A_283 : i32 to vector<16xi32>
      %lt3A_285 = arith.cmpi slt, %xor3A_43, %lt3A_284 : vector<16xi32>
      %add3A_286 = arith.constant 16 : i32
      %add3A_287 = vector.broadcast %add3A_286 : i32 to vector<16xi32>
      %add3A_288 = arith.addi %xor3A_43, %add3A_287 : vector<16xi32>
      %select_n3A_289 = arith.select %lt3A_285, %add3A_288, %xor3A_43 : vector<16xi1>, vector<16xi32>
      %broadcast_in_dim3A_290 = vector.shape_cast %select_n3A_289 : vector<16xi32> to vector<16x1xi32>
      %gather3A_291 = vector.shape_cast %broadcast_in_dim3A_290 : vector<16x1xi32> to vector<16xi32>
      %gather3A_292 = tpu.dynamic_gather %mul3A_282[%gather3A_291] in [0] : vector<16xf32>, vector<16xi32> -> vector<16xf32>
      %add3A_293 = arith.addf %mul3A_282, %gather3A_292 : vector<16xf32>
      %lt3A_294 = arith.constant 0 : i32
      %lt3A_295 = vector.broadcast %lt3A_294 : i32 to vector<16xi32>
      %lt3A_296 = arith.cmpi slt, %xor3A_46, %lt3A_295 : vector<16xi32>
      %add3A_297 = arith.constant 16 : i32
      %add3A_298 = vector.broadcast %add3A_297 : i32 to vector<16xi32>
      %add3A_299 = arith.addi %xor3A_46, %add3A_298 : vector<16xi32>
      %select_n3A_300 = arith.select %lt3A_296, %add3A_299, %xor3A_46 : vector<16xi1>, vector<16xi32>
      %broadcast_in_dim3A_301 = vector.shape_cast %select_n3A_300 : vector<16xi32> to vector<16x1xi32>
      %gather3A_302 = vector.shape_cast %broadcast_in_dim3A_301 : vector<16x1xi32> to vector<16xi32>
      %gather3A_303 = tpu.dynamic_gather %add3A_293[%gather3A_302] in [0] : vector<16xf32>, vector<16xi32> -> vector<16xf32>
      %add3A_304 = arith.addf %add3A_293, %gather3A_303 : vector<16xf32>
      %lt3A_305 = arith.constant 0 : i32
      %lt3A_306 = vector.broadcast %lt3A_305 : i32 to vector<16xi32>
      %lt3A_307 = arith.cmpi slt, %xor3A_49, %lt3A_306 : vector<16xi32>
      %add3A_308 = arith.constant 16 : i32
      %add3A_309 = vector.broadcast %add3A_308 : i32 to vector<16xi32>
      %add3A_310 = arith.addi %xor3A_49, %add3A_309 : vector<16xi32>
      %select_n3A_311 = arith.select %lt3A_307, %add3A_310, %xor3A_49 : vector<16xi1>, vector<16xi32>
      %broadcast_in_dim3A_312 = vector.shape_cast %select_n3A_311 : vector<16xi32> to vector<16x1xi32>
      %gather3A_313 = vector.shape_cast %broadcast_in_dim3A_312 : vector<16x1xi32> to vector<16xi32>
      %gather3A_314 = tpu.dynamic_gather %add3A_304[%gather3A_313] in [0] : vector<16xf32>, vector<16xi32> -> vector<16xf32>
      %add3A_315 = arith.addf %add3A_304, %gather3A_314 : vector<16xf32>
      %lt3A_316 = arith.constant 0 : i32
      %lt3A_317 = vector.broadcast %lt3A_316 : i32 to vector<16xi32>
      %lt3A_318 = arith.cmpi slt, %xor3A_52, %lt3A_317 : vector<16xi32>
      %add3A_319 = arith.constant 16 : i32
      %add3A_320 = vector.broadcast %add3A_319 : i32 to vector<16xi32>
      %add3A_321 = arith.addi %xor3A_52, %add3A_320 : vector<16xi32>
      %select_n3A_322 = arith.select %lt3A_318, %add3A_321, %xor3A_52 : vector<16xi1>, vector<16xi32>
      %broadcast_in_dim3A_323 = vector.shape_cast %select_n3A_322 : vector<16xi32> to vector<16x1xi32>
      %gather3A_324 = vector.shape_cast %broadcast_in_dim3A_323 : vector<16x1xi32> to vector<16xi32>
      %gather3A_325 = tpu.dynamic_gather %add3A_315[%gather3A_324] in [0] : vector<16xf32>, vector<16xi32> -> vector<16xf32>
      %add3A_326 = arith.addf %add3A_315, %gather3A_325 : vector<16xf32>
      %bitcast3A_327 = vector.bitcast %add3A_326 : vector<16xf32> to vector<16xi32>
      %shift_right_arithmetic3A_328 = arith.constant 1 : i32
      %shift_right_arithmetic3A_329 = vector.broadcast %shift_right_arithmetic3A_328 : i32 to vector<16xi32>
      %shift_right_arithmetic3A_330 = arith.shrsi %bitcast3A_327, %shift_right_arithmetic3A_329 : vector<16xi32>
      %sub3A_331 = arith.constant 1597463007 : i32
      %sub3A_332 = vector.broadcast %sub3A_331 : i32 to vector<16xi32>
      %sub3A_333 = arith.subi %sub3A_332, %shift_right_arithmetic3A_330 : vector<16xi32>
      %bitcast3A_334 = vector.bitcast %sub3A_333 : vector<16xi32> to vector<16xf32>
      %mul3A_335 = arith.constant 5.000000e-01 : f32
      %mul3A_336 = vector.broadcast %mul3A_335 : f32 to vector<16xf32>
      %mul3A_337 = arith.mulf %mul3A_336, %add3A_326 : vector<16xf32>
      %mul3A_338 = arith.mulf %mul3A_337, %bitcast3A_334 : vector<16xf32>
      %mul3A_339 = arith.mulf %mul3A_338, %bitcast3A_334 : vector<16xf32>
      %sub3A_340 = arith.constant 1.500000e+00 : f32
      %sub3A_341 = vector.broadcast %sub3A_340 : f32 to vector<16xf32>
      %sub3A_342 = arith.subf %sub3A_341, %mul3A_339 : vector<16xf32>
      %mul3A_343 = arith.mulf %bitcast3A_334, %sub3A_342 : vector<16xf32>
      %mul3A_344 = arith.mulf %mul3A_337, %mul3A_343 : vector<16xf32>
      %mul3A_345 = arith.mulf %mul3A_344, %mul3A_343 : vector<16xf32>
      %sub3A_346 = arith.constant 1.500000e+00 : f32
      %sub3A_347 = vector.broadcast %sub3A_346 : f32 to vector<16xf32>
      %sub3A_348 = arith.subf %sub3A_347, %mul3A_345 : vector<16xf32>
      %mul3A_349 = arith.mulf %mul3A_343, %sub3A_348 : vector<16xf32>
      %mul3A_350 = arith.mulf %mul3A_337, %mul3A_349 : vector<16xf32>
      %mul3A_351 = arith.mulf %mul3A_350, %mul3A_349 : vector<16xf32>
      %sub3A_352 = arith.constant 1.500000e+00 : f32
      %sub3A_353 = vector.broadcast %sub3A_352 : f32 to vector<16xf32>
      %sub3A_354 = arith.subf %sub3A_353, %mul3A_351 : vector<16xf32>
      %mul3A_355 = arith.mulf %mul3A_349, %sub3A_354 : vector<16xf32>
      %gt3A_356 = arith.constant 1.000000e+00 : f32
      %gt3A_357 = vector.broadcast %gt3A_356 : f32 to vector<16xf32>
      %gt3A_358 = arith.cmpf ogt, %add3A_326, %gt3A_357 : vector<16xf32>
      %mul3A_359 = arith.constant 1.000000e+00 : f32
      %mul3A_360 = vector.broadcast %mul3A_359 : f32 to vector<16xf32>
      %mul3A_361 = arith.mulf %mul3A_355, %mul3A_360 : vector<16xf32>
      %jit3A_362 = arith.constant 1.000000e+00 : f32
      %broadcast_in_dim3A_363 = vector.broadcast %jit3A_362 : f32 to vector<16xf32>
      %select_n3A_364 = arith.select %gt3A_358, %mul3A_361, %broadcast_in_dim3A_363 : vector<16xi1>, vector<16xf32>
      %mul3A_365 = arith.mulf %get3A_281, %select_n3A_364 : vector<16xf32>
      %add3A_366 = arith.addf %add3A_276, %mul3A_365 : vector<16xf32>
      %add3A_367 = arith.constant 3 : i32
      %add3A_368 = arith.addi %mul3A_104, %add3A_367 : i32
      %get3A_369 = arith.index_cast %add3A_368 : i32 to index
      %get3A_370 = arith.constant 0 : index
      %get3A_371 = tpu.vector_load %arg6[%get3A_369, %get3A_370] {strides = array<i32>} : memref<640x16xf32, #tpu.memory_space<vmem>>, vector<16xf32>,
      %mul3A_372 = arith.mulf %get3A_371, %get3A_371 : vector<16xf32>
      %lt3A_373 = arith.constant 0 : i32
      %lt3A_374 = vector.broadcast %lt3A_373 : i32 to vector<16xi32>
      %lt3A_375 = arith.cmpi slt, %xor3A_43, %lt3A_374 : vector<16xi32>
      %add3A_376 = arith.constant 16 : i32
      %add3A_377 = vector.broadcast %add3A_376 : i32 to vector<16xi32>
      %add3A_378 = arith.addi %xor3A_43, %add3A_377 : vector<16xi32>
      %select_n3A_379 = arith.select %lt3A_375, %add3A_378, %xor3A_43 : vector<16xi1>, vector<16xi32>
      %broadcast_in_dim3A_380 = vector.shape_cast %select_n3A_379 : vector<16xi32> to vector<16x1xi32>
      %gather3A_381 = vector.shape_cast %broadcast_in_dim3A_380 : vector<16x1xi32> to vector<16xi32>
      %gather3A_382 = tpu.dynamic_gather %mul3A_372[%gather3A_381] in [0] : vector<16xf32>, vector<16xi32> -> vector<16xf32>
      %add3A_383 = arith.addf %mul3A_372, %gather3A_382 : vector<16xf32>
      %lt3A_384 = arith.constant 0 : i32
      %lt3A_385 = vector.broadcast %lt3A_384 : i32 to vector<16xi32>
      %lt3A_386 = arith.cmpi slt, %xor3A_46, %lt3A_385 : vector<16xi32>
      %add3A_387 = arith.constant 16 : i32
      %add3A_388 = vector.broadcast %add3A_387 : i32 to vector<16xi32>
      %add3A_389 = arith.addi %xor3A_46, %add3A_388 : vector<16xi32>
      %select_n3A_390 = arith.select %lt3A_386, %add3A_389, %xor3A_46 : vector<16xi1>, vector<16xi32>
      %broadcast_in_dim3A_391 = vector.shape_cast %select_n3A_390 : vector<16xi32> to vector<16x1xi32>
      %gather3A_392 = vector.shape_cast %broadcast_in_dim3A_391 : vector<16x1xi32> to vector<16xi32>
      %gather3A_393 = tpu.dynamic_gather %add3A_383[%gather3A_392] in [0] : vector<16xf32>, vector<16xi32> -> vector<16xf32>
      %add3A_394 = arith.addf %add3A_383, %gather3A_393 : vector<16xf32>
      %lt3A_395 = arith.constant 0 : i32
      %lt3A_396 = vector.broadcast %lt3A_395 : i32 to vector<16xi32>
      %lt3A_397 = arith.cmpi slt, %xor3A_49, %lt3A_396 : vector<16xi32>
      %add3A_398 = arith.constant 16 : i32
      %add3A_399 = vector.broadcast %add3A_398 : i32 to vector<16xi32>
      %add3A_400 = arith.addi %xor3A_49, %add3A_399 : vector<16xi32>
      %select_n3A_401 = arith.select %lt3A_397, %add3A_400, %xor3A_49 : vector<16xi1>, vector<16xi32>
      %broadcast_in_dim3A_402 = vector.shape_cast %select_n3A_401 : vector<16xi32> to vector<16x1xi32>
      %gather3A_403 = vector.shape_cast %broadcast_in_dim3A_402 : vector<16x1xi32> to vector<16xi32>
      %gather3A_404 = tpu.dynamic_gather %add3A_394[%gather3A_403] in [0] : vector<16xf32>, vector<16xi32> -> vector<16xf32>
      %add3A_405 = arith.addf %add3A_394, %gather3A_404 : vector<16xf32>
      %lt3A_406 = arith.constant 0 : i32
      %lt3A_407 = vector.broadcast %lt3A_406 : i32 to vector<16xi32>
      %lt3A_408 = arith.cmpi slt, %xor3A_52, %lt3A_407 : vector<16xi32>
      %add3A_409 = arith.constant 16 : i32
      %add3A_410 = vector.broadcast %add3A_409 : i32 to vector<16xi32>
      %add3A_411 = arith.addi %xor3A_52, %add3A_410 : vector<16xi32>
      %select_n3A_412 = arith.select %lt3A_408, %add3A_411, %xor3A_52 : vector<16xi1>, vector<16xi32>
      %broadcast_in_dim3A_413 = vector.shape_cast %select_n3A_412 : vector<16xi32> to vector<16x1xi32>
      %gather3A_414 = vector.shape_cast %broadcast_in_dim3A_413 : vector<16x1xi32> to vector<16xi32>
      %gather3A_415 = tpu.dynamic_gather %add3A_405[%gather3A_414] in [0] : vector<16xf32>, vector<16xi32> -> vector<16xf32>
      %add3A_416 = arith.addf %add3A_405, %gather3A_415 : vector<16xf32>
      %bitcast3A_417 = vector.bitcast %add3A_416 : vector<16xf32> to vector<16xi32>
      %shift_right_arithmetic3A_418 = arith.constant 1 : i32
      %shift_right_arithmetic3A_419 = vector.broadcast %shift_right_arithmetic3A_418 : i32 to vector<16xi32>
      %shift_right_arithmetic3A_420 = arith.shrsi %bitcast3A_417, %shift_right_arithmetic3A_419 : vector<16xi32>
      %sub3A_421 = arith.constant 1597463007 : i32
      %sub3A_422 = vector.broadcast %sub3A_421 : i32 to vector<16xi32>
      %sub3A_423 = arith.subi %sub3A_422, %shift_right_arithmetic3A_420 : vector<16xi32>
      %bitcast3A_424 = vector.bitcast %sub3A_423 : vector<16xi32> to vector<16xf32>
      %mul3A_425 = arith.constant 5.000000e-01 : f32
      %mul3A_426 = vector.broadcast %mul3A_425 : f32 to vector<16xf32>
      %mul3A_427 = arith.mulf %mul3A_426, %add3A_416 : vector<16xf32>
      %mul3A_428 = arith.mulf %mul3A_427, %bitcast3A_424 : vector<16xf32>
      %mul3A_429 = arith.mulf %mul3A_428, %bitcast3A_424 : vector<16xf32>
      %sub3A_430 = arith.constant 1.500000e+00 : f32
      %sub3A_431 = vector.broadcast %sub3A_430 : f32 to vector<16xf32>
      %sub3A_432 = arith.subf %sub3A_431, %mul3A_429 : vector<16xf32>
      %mul3A_433 = arith.mulf %bitcast3A_424, %sub3A_432 : vector<16xf32>
      %mul3A_434 = arith.mulf %mul3A_427, %mul3A_433 : vector<16xf32>
      %mul3A_435 = arith.mulf %mul3A_434, %mul3A_433 : vector<16xf32>
      %sub3A_436 = arith.constant 1.500000e+00 : f32
      %sub3A_437 = vector.broadcast %sub3A_436 : f32 to vector<16xf32>
      %sub3A_438 = arith.subf %sub3A_437, %mul3A_435 : vector<16xf32>
      %mul3A_439 = arith.mulf %mul3A_433, %sub3A_438 : vector<16xf32>
      %mul3A_440 = arith.mulf %mul3A_427, %mul3A_439 : vector<16xf32>
      %mul3A_441 = arith.mulf %mul3A_440, %mul3A_439 : vector<16xf32>
      %sub3A_442 = arith.constant 1.500000e+00 : f32
      %sub3A_443 = vector.broadcast %sub3A_442 : f32 to vector<16xf32>
      %sub3A_444 = arith.subf %sub3A_443, %mul3A_441 : vector<16xf32>
      %mul3A_445 = arith.mulf %mul3A_439, %sub3A_444 : vector<16xf32>
      %gt3A_446 = arith.constant 1.000000e+00 : f32
      %gt3A_447 = vector.broadcast %gt3A_446 : f32 to vector<16xf32>
      %gt3A_448 = arith.cmpf ogt, %add3A_416, %gt3A_447 : vector<16xf32>
      %mul3A_449 = arith.constant 1.000000e+00 : f32
      %mul3A_450 = vector.broadcast %mul3A_449 : f32 to vector<16xf32>
      %mul3A_451 = arith.mulf %mul3A_445, %mul3A_450 : vector<16xf32>
      %jit3A_452 = arith.constant 1.000000e+00 : f32
      %broadcast_in_dim3A_453 = vector.broadcast %jit3A_452 : f32 to vector<16xf32>
      %select_n3A_454 = arith.select %gt3A_448, %mul3A_451, %broadcast_in_dim3A_453 : vector<16xi1>, vector<16xf32>
      %mul3A_455 = arith.mulf %get3A_371, %select_n3A_454 : vector<16xf32>
      %add3A_456 = arith.addf %add3A_366, %mul3A_455 : vector<16xf32>
      %add3A_457 = arith.constant 4 : i32
      %add3A_458 = arith.addi %mul3A_104, %add3A_457 : i32
      %get3A_459 = arith.index_cast %add3A_458 : i32 to index
      %get3A_460 = arith.constant 0 : index
      %get3A_461 = tpu.vector_load %arg6[%get3A_459, %get3A_460] {strides = array<i32>} : memref<640x16xf32, #tpu.memory_space<vmem>>, vector<16xf32>,
      %mul3A_462 = arith.mulf %get3A_461, %get3A_461 : vector<16xf32>
      %lt3A_463 = arith.constant 0 : i32
      %lt3A_464 = vector.broadcast %lt3A_463 : i32 to vector<16xi32>
      %lt3A_465 = arith.cmpi slt, %xor3A_43, %lt3A_464 : vector<16xi32>
      %add3A_466 = arith.constant 16 : i32
      %add3A_467 = vector.broadcast %add3A_466 : i32 to vector<16xi32>
      %add3A_468 = arith.addi %xor3A_43, %add3A_467 : vector<16xi32>
      %select_n3A_469 = arith.select %lt3A_465, %add3A_468, %xor3A_43 : vector<16xi1>, vector<16xi32>
      %broadcast_in_dim3A_470 = vector.shape_cast %select_n3A_469 : vector<16xi32> to vector<16x1xi32>
      %gather3A_471 = vector.shape_cast %broadcast_in_dim3A_470 : vector<16x1xi32> to vector<16xi32>
      %gather3A_472 = tpu.dynamic_gather %mul3A_462[%gather3A_471] in [0] : vector<16xf32>, vector<16xi32> -> vector<16xf32>
      %add3A_473 = arith.addf %mul3A_462, %gather3A_472 : vector<16xf32>
      %lt3A_474 = arith.constant 0 : i32
      %lt3A_475 = vector.broadcast %lt3A_474 : i32 to vector<16xi32>
      %lt3A_476 = arith.cmpi slt, %xor3A_46, %lt3A_475 : vector<16xi32>
      %add3A_477 = arith.constant 16 : i32
      %add3A_478 = vector.broadcast %add3A_477 : i32 to vector<16xi32>
      %add3A_479 = arith.addi %xor3A_46, %add3A_478 : vector<16xi32>
      %select_n3A_480 = arith.select %lt3A_476, %add3A_479, %xor3A_46 : vector<16xi1>, vector<16xi32>
      %broadcast_in_dim3A_481 = vector.shape_cast %select_n3A_480 : vector<16xi32> to vector<16x1xi32>
      %gather3A_482 = vector.shape_cast %broadcast_in_dim3A_481 : vector<16x1xi32> to vector<16xi32>
      %gather3A_483 = tpu.dynamic_gather %add3A_473[%gather3A_482] in [0] : vector<16xf32>, vector<16xi32> -> vector<16xf32>
      %add3A_484 = arith.addf %add3A_473, %gather3A_483 : vector<16xf32>
      %lt3A_485 = arith.constant 0 : i32
      %lt3A_486 = vector.broadcast %lt3A_485 : i32 to vector<16xi32>
      %lt3A_487 = arith.cmpi slt, %xor3A_49, %lt3A_486 : vector<16xi32>
      %add3A_488 = arith.constant 16 : i32
      %add3A_489 = vector.broadcast %add3A_488 : i32 to vector<16xi32>
      %add3A_490 = arith.addi %xor3A_49, %add3A_489 : vector<16xi32>
      %select_n3A_491 = arith.select %lt3A_487, %add3A_490, %xor3A_49 : vector<16xi1>, vector<16xi32>
      %broadcast_in_dim3A_492 = vector.shape_cast %select_n3A_491 : vector<16xi32> to vector<16x1xi32>
      %gather3A_493 = vector.shape_cast %broadcast_in_dim3A_492 : vector<16x1xi32> to vector<16xi32>
      %gather3A_494 = tpu.dynamic_gather %add3A_484[%gather3A_493] in [0] : vector<16xf32>, vector<16xi32> -> vector<16xf32>
      %add3A_495 = arith.addf %add3A_484, %gather3A_494 : vector<16xf32>
      %lt3A_496 = arith.constant 0 : i32
      %lt3A_497 = vector.broadcast %lt3A_496 : i32 to vector<16xi32>
      %lt3A_498 = arith.cmpi slt, %xor3A_52, %lt3A_497 : vector<16xi32>
      %add3A_499 = arith.constant 16 : i32
      %add3A_500 = vector.broadcast %add3A_499 : i32 to vector<16xi32>
      %add3A_501 = arith.addi %xor3A_52, %add3A_500 : vector<16xi32>
      %select_n3A_502 = arith.select %lt3A_498, %add3A_501, %xor3A_52 : vector<16xi1>, vector<16xi32>
      %broadcast_in_dim3A_503 = vector.shape_cast %select_n3A_502 : vector<16xi32> to vector<16x1xi32>
      %gather3A_504 = vector.shape_cast %broadcast_in_dim3A_503 : vector<16x1xi32> to vector<16xi32>
      %gather3A_505 = tpu.dynamic_gather %add3A_495[%gather3A_504] in [0] : vector<16xf32>, vector<16xi32> -> vector<16xf32>
      %add3A_506 = arith.addf %add3A_495, %gather3A_505 : vector<16xf32>
      %bitcast3A_507 = vector.bitcast %add3A_506 : vector<16xf32> to vector<16xi32>
      %shift_right_arithmetic3A_508 = arith.constant 1 : i32
      %shift_right_arithmetic3A_509 = vector.broadcast %shift_right_arithmetic3A_508 : i32 to vector<16xi32>
      %shift_right_arithmetic3A_510 = arith.shrsi %bitcast3A_507, %shift_right_arithmetic3A_509 : vector<16xi32>
      %sub3A_511 = arith.constant 1597463007 : i32
      %sub3A_512 = vector.broadcast %sub3A_511 : i32 to vector<16xi32>
      %sub3A_513 = arith.subi %sub3A_512, %shift_right_arithmetic3A_510 : vector<16xi32>
      %bitcast3A_514 = vector.bitcast %sub3A_513 : vector<16xi32> to vector<16xf32>
      %mul3A_515 = arith.constant 5.000000e-01 : f32
      %mul3A_516 = vector.broadcast %mul3A_515 : f32 to vector<16xf32>
      %mul3A_517 = arith.mulf %mul3A_516, %add3A_506 : vector<16xf32>
      %mul3A_518 = arith.mulf %mul3A_517, %bitcast3A_514 : vector<16xf32>
      %mul3A_519 = arith.mulf %mul3A_518, %bitcast3A_514 : vector<16xf32>
      %sub3A_520 = arith.constant 1.500000e+00 : f32
      %sub3A_521 = vector.broadcast %sub3A_520 : f32 to vector<16xf32>
      %sub3A_522 = arith.subf %sub3A_521, %mul3A_519 : vector<16xf32>
      %mul3A_523 = arith.mulf %bitcast3A_514, %sub3A_522 : vector<16xf32>
      %mul3A_524 = arith.mulf %mul3A_517, %mul3A_523 : vector<16xf32>
      %mul3A_525 = arith.mulf %mul3A_524, %mul3A_523 : vector<16xf32>
      %sub3A_526 = arith.constant 1.500000e+00 : f32
      %sub3A_527 = vector.broadcast %sub3A_526 : f32 to vector<16xf32>
      %sub3A_528 = arith.subf %sub3A_527, %mul3A_525 : vector<16xf32>
      %mul3A_529 = arith.mulf %mul3A_523, %sub3A_528 : vector<16xf32>
      %mul3A_530 = arith.mulf %mul3A_517, %mul3A_529 : vector<16xf32>
      %mul3A_531 = arith.mulf %mul3A_530, %mul3A_529 : vector<16xf32>
      %sub3A_532 = arith.constant 1.500000e+00 : f32
      %sub3A_533 = vector.broadcast %sub3A_532 : f32 to vector<16xf32>
      %sub3A_534 = arith.subf %sub3A_533, %mul3A_531 : vector<16xf32>
      %mul3A_535 = arith.mulf %mul3A_529, %sub3A_534 : vector<16xf32>
      %gt3A_536 = arith.constant 1.000000e+00 : f32
      %gt3A_537 = vector.broadcast %gt3A_536 : f32 to vector<16xf32>
      %gt3A_538 = arith.cmpf ogt, %add3A_506, %gt3A_537 : vector<16xf32>
      %mul3A_539 = arith.constant 1.000000e+00 : f32
      %mul3A_540 = vector.broadcast %mul3A_539 : f32 to vector<16xf32>
      %mul3A_541 = arith.mulf %mul3A_535, %mul3A_540 : vector<16xf32>
      %jit3A_542 = arith.constant 1.000000e+00 : f32
      %broadcast_in_dim3A_543 = vector.broadcast %jit3A_542 : f32 to vector<16xf32>
      %select_n3A_544 = arith.select %gt3A_538, %mul3A_541, %broadcast_in_dim3A_543 : vector<16xi1>, vector<16xf32>
      %mul3A_545 = arith.mulf %get3A_461, %select_n3A_544 : vector<16xf32>
      %add3A_546 = arith.addf %add3A_456, %mul3A_545 : vector<16xf32>
      %add3A_547 = arith.constant 5 : i32
      %add3A_548 = arith.addi %mul3A_104, %add3A_547 : i32
      %get3A_549 = arith.index_cast %add3A_548 : i32 to index
      %get3A_550 = arith.constant 0 : index
      %get3A_551 = tpu.vector_load %arg6[%get3A_549, %get3A_550] {strides = array<i32>} : memref<640x16xf32, #tpu.memory_space<vmem>>, vector<16xf32>,
      %mul3A_552 = arith.mulf %get3A_551, %get3A_551 : vector<16xf32>
      %lt3A_553 = arith.constant 0 : i32
      %lt3A_554 = vector.broadcast %lt3A_553 : i32 to vector<16xi32>
      %lt3A_555 = arith.cmpi slt, %xor3A_43, %lt3A_554 : vector<16xi32>
      %add3A_556 = arith.constant 16 : i32
      %add3A_557 = vector.broadcast %add3A_556 : i32 to vector<16xi32>
      %add3A_558 = arith.addi %xor3A_43, %add3A_557 : vector<16xi32>
      %select_n3A_559 = arith.select %lt3A_555, %add3A_558, %xor3A_43 : vector<16xi1>, vector<16xi32>
      %broadcast_in_dim3A_560 = vector.shape_cast %select_n3A_559 : vector<16xi32> to vector<16x1xi32>
      %gather3A_561 = vector.shape_cast %broadcast_in_dim3A_560 : vector<16x1xi32> to vector<16xi32>
      %gather3A_562 = tpu.dynamic_gather %mul3A_552[%gather3A_561] in [0] : vector<16xf32>, vector<16xi32> -> vector<16xf32>
      %add3A_563 = arith.addf %mul3A_552, %gather3A_562 : vector<16xf32>
      %lt3A_564 = arith.constant 0 : i32
      %lt3A_565 = vector.broadcast %lt3A_564 : i32 to vector<16xi32>
      %lt3A_566 = arith.cmpi slt, %xor3A_46, %lt3A_565 : vector<16xi32>
      %add3A_567 = arith.constant 16 : i32
      %add3A_568 = vector.broadcast %add3A_567 : i32 to vector<16xi32>
      %add3A_569 = arith.addi %xor3A_46, %add3A_568 : vector<16xi32>
      %select_n3A_570 = arith.select %lt3A_566, %add3A_569, %xor3A_46 : vector<16xi1>, vector<16xi32>
      %broadcast_in_dim3A_571 = vector.shape_cast %select_n3A_570 : vector<16xi32> to vector<16x1xi32>
      %gather3A_572 = vector.shape_cast %broadcast_in_dim3A_571 : vector<16x1xi32> to vector<16xi32>
      %gather3A_573 = tpu.dynamic_gather %add3A_563[%gather3A_572] in [0] : vector<16xf32>, vector<16xi32> -> vector<16xf32>
      %add3A_574 = arith.addf %add3A_563, %gather3A_573 : vector<16xf32>
      %lt3A_575 = arith.constant 0 : i32
      %lt3A_576 = vector.broadcast %lt3A_575 : i32 to vector<16xi32>
      %lt3A_577 = arith.cmpi slt, %xor3A_49, %lt3A_576 : vector<16xi32>
      %add3A_578 = arith.constant 16 : i32
      %add3A_579 = vector.broadcast %add3A_578 : i32 to vector<16xi32>
      %add3A_580 = arith.addi %xor3A_49, %add3A_579 : vector<16xi32>
      %select_n3A_581 = arith.select %lt3A_577, %add3A_580, %xor3A_49 : vector<16xi1>, vector<16xi32>
      %broadcast_in_dim3A_582 = vector.shape_cast %select_n3A_581 : vector<16xi32> to vector<16x1xi32>
      %gather3A_583 = vector.shape_cast %broadcast_in_dim3A_582 : vector<16x1xi32> to vector<16xi32>
      %gather3A_584 = tpu.dynamic_gather %add3A_574[%gather3A_583] in [0] : vector<16xf32>, vector<16xi32> -> vector<16xf32>
      %add3A_585 = arith.addf %add3A_574, %gather3A_584 : vector<16xf32>
      %lt3A_586 = arith.constant 0 : i32
      %lt3A_587 = vector.broadcast %lt3A_586 : i32 to vector<16xi32>
      %lt3A_588 = arith.cmpi slt, %xor3A_52, %lt3A_587 : vector<16xi32>
      %add3A_589 = arith.constant 16 : i32
      %add3A_590 = vector.broadcast %add3A_589 : i32 to vector<16xi32>
      %add3A_591 = arith.addi %xor3A_52, %add3A_590 : vector<16xi32>
      %select_n3A_592 = arith.select %lt3A_588, %add3A_591, %xor3A_52 : vector<16xi1>, vector<16xi32>
      %broadcast_in_dim3A_593 = vector.shape_cast %select_n3A_592 : vector<16xi32> to vector<16x1xi32>
      %gather3A_594 = vector.shape_cast %broadcast_in_dim3A_593 : vector<16x1xi32> to vector<16xi32>
      %gather3A_595 = tpu.dynamic_gather %add3A_585[%gather3A_594] in [0] : vector<16xf32>, vector<16xi32> -> vector<16xf32>
      %add3A_596 = arith.addf %add3A_585, %gather3A_595 : vector<16xf32>
      %bitcast3A_597 = vector.bitcast %add3A_596 : vector<16xf32> to vector<16xi32>
      %shift_right_arithmetic3A_598 = arith.constant 1 : i32
      %shift_right_arithmetic3A_599 = vector.broadcast %shift_right_arithmetic3A_598 : i32 to vector<16xi32>
      %shift_right_arithmetic3A_600 = arith.shrsi %bitcast3A_597, %shift_right_arithmetic3A_599 : vector<16xi32>
      %sub3A_601 = arith.constant 1597463007 : i32
      %sub3A_602 = vector.broadcast %sub3A_601 : i32 to vector<16xi32>
      %sub3A_603 = arith.subi %sub3A_602, %shift_right_arithmetic3A_600 : vector<16xi32>
      %bitcast3A_604 = vector.bitcast %sub3A_603 : vector<16xi32> to vector<16xf32>
      %mul3A_605 = arith.constant 5.000000e-01 : f32
      %mul3A_606 = vector.broadcast %mul3A_605 : f32 to vector<16xf32>
      %mul3A_607 = arith.mulf %mul3A_606, %add3A_596 : vector<16xf32>
      %mul3A_608 = arith.mulf %mul3A_607, %bitcast3A_604 : vector<16xf32>
      %mul3A_609 = arith.mulf %mul3A_608, %bitcast3A_604 : vector<16xf32>
      %sub3A_610 = arith.constant 1.500000e+00 : f32
      %sub3A_611 = vector.broadcast %sub3A_610 : f32 to vector<16xf32>
      %sub3A_612 = arith.subf %sub3A_611, %mul3A_609 : vector<16xf32>
      %mul3A_613 = arith.mulf %bitcast3A_604, %sub3A_612 : vector<16xf32>
      %mul3A_614 = arith.mulf %mul3A_607, %mul3A_613 : vector<16xf32>
      %mul3A_615 = arith.mulf %mul3A_614, %mul3A_613 : vector<16xf32>
      %sub3A_616 = arith.constant 1.500000e+00 : f32
      %sub3A_617 = vector.broadcast %sub3A_616 : f32 to vector<16xf32>
      %sub3A_618 = arith.subf %sub3A_617, %mul3A_615 : vector<16xf32>
      %mul3A_619 = arith.mulf %mul3A_613, %sub3A_618 : vector<16xf32>
      %mul3A_620 = arith.mulf %mul3A_607, %mul3A_619 : vector<16xf32>
      %mul3A_621 = arith.mulf %mul3A_620, %mul3A_619 : vector<16xf32>
      %sub3A_622 = arith.constant 1.500000e+00 : f32
      %sub3A_623 = vector.broadcast %sub3A_622 : f32 to vector<16xf32>
      %sub3A_624 = arith.subf %sub3A_623, %mul3A_621 : vector<16xf32>
      %mul3A_625 = arith.mulf %mul3A_619, %sub3A_624 : vector<16xf32>
      %gt3A_626 = arith.constant 1.000000e+00 : f32
      %gt3A_627 = vector.broadcast %gt3A_626 : f32 to vector<16xf32>
      %gt3A_628 = arith.cmpf ogt, %add3A_596, %gt3A_627 : vector<16xf32>
      %mul3A_629 = arith.constant 1.000000e+00 : f32
      %mul3A_630 = vector.broadcast %mul3A_629 : f32 to vector<16xf32>
      %mul3A_631 = arith.mulf %mul3A_625, %mul3A_630 : vector<16xf32>
      %jit3A_632 = arith.constant 1.000000e+00 : f32
      %broadcast_in_dim3A_633 = vector.broadcast %jit3A_632 : f32 to vector<16xf32>
      %select_n3A_634 = arith.select %gt3A_628, %mul3A_631, %broadcast_in_dim3A_633 : vector<16xi1>, vector<16xf32>
      %mul3A_635 = arith.mulf %get3A_551, %select_n3A_634 : vector<16xf32>
      %add3A_636 = arith.addf %add3A_546, %mul3A_635 : vector<16xf32>
      %add3A_637 = arith.constant 6 : i32
      %add3A_638 = arith.addi %mul3A_104, %add3A_637 : i32
      %get3A_639 = arith.index_cast %add3A_638 : i32 to index
      %get3A_640 = arith.constant 0 : index
      %get3A_641 = tpu.vector_load %arg6[%get3A_639, %get3A_640] {strides = array<i32>} : memref<640x16xf32, #tpu.memory_space<vmem>>, vector<16xf32>,
      %mul3A_642 = arith.mulf %get3A_641, %get3A_641 : vector<16xf32>
      %lt3A_643 = arith.constant 0 : i32
      %lt3A_644 = vector.broadcast %lt3A_643 : i32 to vector<16xi32>
      %lt3A_645 = arith.cmpi slt, %xor3A_43, %lt3A_644 : vector<16xi32>
      %add3A_646 = arith.constant 16 : i32
      %add3A_647 = vector.broadcast %add3A_646 : i32 to vector<16xi32>
      %add3A_648 = arith.addi %xor3A_43, %add3A_647 : vector<16xi32>
      %select_n3A_649 = arith.select %lt3A_645, %add3A_648, %xor3A_43 : vector<16xi1>, vector<16xi32>
      %broadcast_in_dim3A_650 = vector.shape_cast %select_n3A_649 : vector<16xi32> to vector<16x1xi32>
      %gather3A_651 = vector.shape_cast %broadcast_in_dim3A_650 : vector<16x1xi32> to vector<16xi32>
      %gather3A_652 = tpu.dynamic_gather %mul3A_642[%gather3A_651] in [0] : vector<16xf32>, vector<16xi32> -> vector<16xf32>
      %add3A_653 = arith.addf %mul3A_642, %gather3A_652 : vector<16xf32>
      %lt3A_654 = arith.constant 0 : i32
      %lt3A_655 = vector.broadcast %lt3A_654 : i32 to vector<16xi32>
      %lt3A_656 = arith.cmpi slt, %xor3A_46, %lt3A_655 : vector<16xi32>
      %add3A_657 = arith.constant 16 : i32
      %add3A_658 = vector.broadcast %add3A_657 : i32 to vector<16xi32>
      %add3A_659 = arith.addi %xor3A_46, %add3A_658 : vector<16xi32>
      %select_n3A_660 = arith.select %lt3A_656, %add3A_659, %xor3A_46 : vector<16xi1>, vector<16xi32>
      %broadcast_in_dim3A_661 = vector.shape_cast %select_n3A_660 : vector<16xi32> to vector<16x1xi32>
      %gather3A_662 = vector.shape_cast %broadcast_in_dim3A_661 : vector<16x1xi32> to vector<16xi32>
      %gather3A_663 = tpu.dynamic_gather %add3A_653[%gather3A_662] in [0] : vector<16xf32>, vector<16xi32> -> vector<16xf32>
      %add3A_664 = arith.addf %add3A_653, %gather3A_663 : vector<16xf32>
      %lt3A_665 = arith.constant 0 : i32
      %lt3A_666 = vector.broadcast %lt3A_665 : i32 to vector<16xi32>
      %lt3A_667 = arith.cmpi slt, %xor3A_49, %lt3A_666 : vector<16xi32>
      %add3A_668 = arith.constant 16 : i32
      %add3A_669 = vector.broadcast %add3A_668 : i32 to vector<16xi32>
      %add3A_670 = arith.addi %xor3A_49, %add3A_669 : vector<16xi32>
      %select_n3A_671 = arith.select %lt3A_667, %add3A_670, %xor3A_49 : vector<16xi1>, vector<16xi32>
      %broadcast_in_dim3A_672 = vector.shape_cast %select_n3A_671 : vector<16xi32> to vector<16x1xi32>
      %gather3A_673 = vector.shape_cast %broadcast_in_dim3A_672 : vector<16x1xi32> to vector<16xi32>
      %gather3A_674 = tpu.dynamic_gather %add3A_664[%gather3A_673] in [0] : vector<16xf32>, vector<16xi32> -> vector<16xf32>
      %add3A_675 = arith.addf %add3A_664, %gather3A_674 : vector<16xf32>
      %lt3A_676 = arith.constant 0 : i32
      %lt3A_677 = vector.broadcast %lt3A_676 : i32 to vector<16xi32>
      %lt3A_678 = arith.cmpi slt, %xor3A_52, %lt3A_677 : vector<16xi32>
      %add3A_679 = arith.constant 16 : i32
      %add3A_680 = vector.broadcast %add3A_679 : i32 to vector<16xi32>
      %add3A_681 = arith.addi %xor3A_52, %add3A_680 : vector<16xi32>
      %select_n3A_682 = arith.select %lt3A_678, %add3A_681, %xor3A_52 : vector<16xi1>, vector<16xi32>
      %broadcast_in_dim3A_683 = vector.shape_cast %select_n3A_682 : vector<16xi32> to vector<16x1xi32>
      %gather3A_684 = vector.shape_cast %broadcast_in_dim3A_683 : vector<16x1xi32> to vector<16xi32>
      %gather3A_685 = tpu.dynamic_gather %add3A_675[%gather3A_684] in [0] : vector<16xf32>, vector<16xi32> -> vector<16xf32>
      %add3A_686 = arith.addf %add3A_675, %gather3A_685 : vector<16xf32>
      %bitcast3A_687 = vector.bitcast %add3A_686 : vector<16xf32> to vector<16xi32>
      %shift_right_arithmetic3A_688 = arith.constant 1 : i32
      %shift_right_arithmetic3A_689 = vector.broadcast %shift_right_arithmetic3A_688 : i32 to vector<16xi32>
      %shift_right_arithmetic3A_690 = arith.shrsi %bitcast3A_687, %shift_right_arithmetic3A_689 : vector<16xi32>
      %sub3A_691 = arith.constant 1597463007 : i32
      %sub3A_692 = vector.broadcast %sub3A_691 : i32 to vector<16xi32>
      %sub3A_693 = arith.subi %sub3A_692, %shift_right_arithmetic3A_690 : vector<16xi32>
      %bitcast3A_694 = vector.bitcast %sub3A_693 : vector<16xi32> to vector<16xf32>
      %mul3A_695 = arith.constant 5.000000e-01 : f32
      %mul3A_696 = vector.broadcast %mul3A_695 : f32 to vector<16xf32>
      %mul3A_697 = arith.mulf %mul3A_696, %add3A_686 : vector<16xf32>
      %mul3A_698 = arith.mulf %mul3A_697, %bitcast3A_694 : vector<16xf32>
      %mul3A_699 = arith.mulf %mul3A_698, %bitcast3A_694 : vector<16xf32>
      %sub3A_700 = arith.constant 1.500000e+00 : f32
      %sub3A_701 = vector.broadcast %sub3A_700 : f32 to vector<16xf32>
      %sub3A_702 = arith.subf %sub3A_701, %mul3A_699 : vector<16xf32>
      %mul3A_703 = arith.mulf %bitcast3A_694, %sub3A_702 : vector<16xf32>
      %mul3A_704 = arith.mulf %mul3A_697, %mul3A_703 : vector<16xf32>
      %mul3A_705 = arith.mulf %mul3A_704, %mul3A_703 : vector<16xf32>
      %sub3A_706 = arith.constant 1.500000e+00 : f32
      %sub3A_707 = vector.broadcast %sub3A_706 : f32 to vector<16xf32>
      %sub3A_708 = arith.subf %sub3A_707, %mul3A_705 : vector<16xf32>
      %mul3A_709 = arith.mulf %mul3A_703, %sub3A_708 : vector<16xf32>
      %mul3A_710 = arith.mulf %mul3A_697, %mul3A_709 : vector<16xf32>
      %mul3A_711 = arith.mulf %mul3A_710, %mul3A_709 : vector<16xf32>
      %sub3A_712 = arith.constant 1.500000e+00 : f32
      %sub3A_713 = vector.broadcast %sub3A_712 : f32 to vector<16xf32>
      %sub3A_714 = arith.subf %sub3A_713, %mul3A_711 : vector<16xf32>
      %mul3A_715 = arith.mulf %mul3A_709, %sub3A_714 : vector<16xf32>
      %gt3A_716 = arith.constant 1.000000e+00 : f32
      %gt3A_717 = vector.broadcast %gt3A_716 : f32 to vector<16xf32>
      %gt3A_718 = arith.cmpf ogt, %add3A_686, %gt3A_717 : vector<16xf32>
      %mul3A_719 = arith.constant 1.000000e+00 : f32
      %mul3A_720 = vector.broadcast %mul3A_719 : f32 to vector<16xf32>
      %mul3A_721 = arith.mulf %mul3A_715, %mul3A_720 : vector<16xf32>
      %jit3A_722 = arith.constant 1.000000e+00 : f32
      %broadcast_in_dim3A_723 = vector.broadcast %jit3A_722 : f32 to vector<16xf32>
      %select_n3A_724 = arith.select %gt3A_718, %mul3A_721, %broadcast_in_dim3A_723 : vector<16xi1>, vector<16xf32>
      %mul3A_725 = arith.mulf %get3A_641, %select_n3A_724 : vector<16xf32>
      %add3A_726 = arith.addf %add3A_636, %mul3A_725 : vector<16xf32>
      %add3A_727 = arith.constant 7 : i32
      %add3A_728 = arith.addi %mul3A_104, %add3A_727 : i32
      %get3A_729 = arith.index_cast %add3A_728 : i32 to index
      %get3A_730 = arith.constant 0 : index
      %get3A_731 = tpu.vector_load %arg6[%get3A_729, %get3A_730] {strides = array<i32>} : memref<640x16xf32, #tpu.memory_space<vmem>>, vector<16xf32>,
      %mul3A_732 = arith.mulf %get3A_731, %get3A_731 : vector<16xf32>
      %lt3A_733 = arith.constant 0 : i32
      %lt3A_734 = vector.broadcast %lt3A_733 : i32 to vector<16xi32>
      %lt3A_735 = arith.cmpi slt, %xor3A_43, %lt3A_734 : vector<16xi32>
      %add3A_736 = arith.constant 16 : i32
      %add3A_737 = vector.broadcast %add3A_736 : i32 to vector<16xi32>
      %add3A_738 = arith.addi %xor3A_43, %add3A_737 : vector<16xi32>
      %select_n3A_739 = arith.select %lt3A_735, %add3A_738, %xor3A_43 : vector<16xi1>, vector<16xi32>
      %broadcast_in_dim3A_740 = vector.shape_cast %select_n3A_739 : vector<16xi32> to vector<16x1xi32>
      %gather3A_741 = vector.shape_cast %broadcast_in_dim3A_740 : vector<16x1xi32> to vector<16xi32>
      %gather3A_742 = tpu.dynamic_gather %mul3A_732[%gather3A_741] in [0] : vector<16xf32>, vector<16xi32> -> vector<16xf32>
      %add3A_743 = arith.addf %mul3A_732, %gather3A_742 : vector<16xf32>
      %lt3A_744 = arith.constant 0 : i32
      %lt3A_745 = vector.broadcast %lt3A_744 : i32 to vector<16xi32>
      %lt3A_746 = arith.cmpi slt, %xor3A_46, %lt3A_745 : vector<16xi32>
      %add3A_747 = arith.constant 16 : i32
      %add3A_748 = vector.broadcast %add3A_747 : i32 to vector<16xi32>
      %add3A_749 = arith.addi %xor3A_46, %add3A_748 : vector<16xi32>
      %select_n3A_750 = arith.select %lt3A_746, %add3A_749, %xor3A_46 : vector<16xi1>, vector<16xi32>
      %broadcast_in_dim3A_751 = vector.shape_cast %select_n3A_750 : vector<16xi32> to vector<16x1xi32>
      %gather3A_752 = vector.shape_cast %broadcast_in_dim3A_751 : vector<16x1xi32> to vector<16xi32>
      %gather3A_753 = tpu.dynamic_gather %add3A_743[%gather3A_752] in [0] : vector<16xf32>, vector<16xi32> -> vector<16xf32>
      %add3A_754 = arith.addf %add3A_743, %gather3A_753 : vector<16xf32>
      %lt3A_755 = arith.constant 0 : i32
      %lt3A_756 = vector.broadcast %lt3A_755 : i32 to vector<16xi32>
      %lt3A_757 = arith.cmpi slt, %xor3A_49, %lt3A_756 : vector<16xi32>
      %add3A_758 = arith.constant 16 : i32
      %add3A_759 = vector.broadcast %add3A_758 : i32 to vector<16xi32>
      %add3A_760 = arith.addi %xor3A_49, %add3A_759 : vector<16xi32>
      %select_n3A_761 = arith.select %lt3A_757, %add3A_760, %xor3A_49 : vector<16xi1>, vector<16xi32>
      %broadcast_in_dim3A_762 = vector.shape_cast %select_n3A_761 : vector<16xi32> to vector<16x1xi32>
      %gather3A_763 = vector.shape_cast %broadcast_in_dim3A_762 : vector<16x1xi32> to vector<16xi32>
      %gather3A_764 = tpu.dynamic_gather %add3A_754[%gather3A_763] in [0] : vector<16xf32>, vector<16xi32> -> vector<16xf32>
      %add3A_765 = arith.addf %add3A_754, %gather3A_764 : vector<16xf32>
      %lt3A_766 = arith.constant 0 : i32
      %lt3A_767 = vector.broadcast %lt3A_766 : i32 to vector<16xi32>
      %lt3A_768 = arith.cmpi slt, %xor3A_52, %lt3A_767 : vector<16xi32>
      %add3A_769 = arith.constant 16 : i32
      %add3A_770 = vector.broadcast %add3A_769 : i32 to vector<16xi32>
      %add3A_771 = arith.addi %xor3A_52, %add3A_770 : vector<16xi32>
      %select_n3A_772 = arith.select %lt3A_768, %add3A_771, %xor3A_52 : vector<16xi1>, vector<16xi32>
      %broadcast_in_dim3A_773 = vector.shape_cast %select_n3A_772 : vector<16xi32> to vector<16x1xi32>
      %gather3A_774 = vector.shape_cast %broadcast_in_dim3A_773 : vector<16x1xi32> to vector<16xi32>
      %gather3A_775 = tpu.dynamic_gather %add3A_765[%gather3A_774] in [0] : vector<16xf32>, vector<16xi32> -> vector<16xf32>
      %add3A_776 = arith.addf %add3A_765, %gather3A_775 : vector<16xf32>
      %bitcast3A_777 = vector.bitcast %add3A_776 : vector<16xf32> to vector<16xi32>
      %shift_right_arithmetic3A_778 = arith.constant 1 : i32
      %shift_right_arithmetic3A_779 = vector.broadcast %shift_right_arithmetic3A_778 : i32 to vector<16xi32>
      %shift_right_arithmetic3A_780 = arith.shrsi %bitcast3A_777, %shift_right_arithmetic3A_779 : vector<16xi32>
      %sub3A_781 = arith.constant 1597463007 : i32
      %sub3A_782 = vector.broadcast %sub3A_781 : i32 to vector<16xi32>
      %sub3A_783 = arith.subi %sub3A_782, %shift_right_arithmetic3A_780 : vector<16xi32>
      %bitcast3A_784 = vector.bitcast %sub3A_783 : vector<16xi32> to vector<16xf32>
      %mul3A_785 = arith.constant 5.000000e-01 : f32
      %mul3A_786 = vector.broadcast %mul3A_785 : f32 to vector<16xf32>
      %mul3A_787 = arith.mulf %mul3A_786, %add3A_776 : vector<16xf32>
      %mul3A_788 = arith.mulf %mul3A_787, %bitcast3A_784 : vector<16xf32>
      %mul3A_789 = arith.mulf %mul3A_788, %bitcast3A_784 : vector<16xf32>
      %sub3A_790 = arith.constant 1.500000e+00 : f32
      %sub3A_791 = vector.broadcast %sub3A_790 : f32 to vector<16xf32>
      %sub3A_792 = arith.subf %sub3A_791, %mul3A_789 : vector<16xf32>
      %mul3A_793 = arith.mulf %bitcast3A_784, %sub3A_792 : vector<16xf32>
      %mul3A_794 = arith.mulf %mul3A_787, %mul3A_793 : vector<16xf32>
      %mul3A_795 = arith.mulf %mul3A_794, %mul3A_793 : vector<16xf32>
      %sub3A_796 = arith.constant 1.500000e+00 : f32
      %sub3A_797 = vector.broadcast %sub3A_796 : f32 to vector<16xf32>
      %sub3A_798 = arith.subf %sub3A_797, %mul3A_795 : vector<16xf32>
      %mul3A_799 = arith.mulf %mul3A_793, %sub3A_798 : vector<16xf32>
      %mul3A_800 = arith.mulf %mul3A_787, %mul3A_799 : vector<16xf32>
      %mul3A_801 = arith.mulf %mul3A_800, %mul3A_799 : vector<16xf32>
      %sub3A_802 = arith.constant 1.500000e+00 : f32
      %sub3A_803 = vector.broadcast %sub3A_802 : f32 to vector<16xf32>
      %sub3A_804 = arith.subf %sub3A_803, %mul3A_801 : vector<16xf32>
      %mul3A_805 = arith.mulf %mul3A_799, %sub3A_804 : vector<16xf32>
      %gt3A_806 = arith.constant 1.000000e+00 : f32
      %gt3A_807 = vector.broadcast %gt3A_806 : f32 to vector<16xf32>
      %gt3A_808 = arith.cmpf ogt, %add3A_776, %gt3A_807 : vector<16xf32>
      %mul3A_809 = arith.constant 1.000000e+00 : f32
      %mul3A_810 = vector.broadcast %mul3A_809 : f32 to vector<16xf32>
      %mul3A_811 = arith.mulf %mul3A_805, %mul3A_810 : vector<16xf32>
      %jit3A_812 = arith.constant 1.000000e+00 : f32
      %broadcast_in_dim3A_813 = vector.broadcast %jit3A_812 : f32 to vector<16xf32>
      %select_n3A_814 = arith.select %gt3A_808, %mul3A_811, %broadcast_in_dim3A_813 : vector<16xi1>, vector<16xf32>
      %mul3A_815 = arith.mulf %get3A_731, %select_n3A_814 : vector<16xf32>
      %add3A_816 = arith.addf %add3A_726, %mul3A_815 : vector<16xf32>
      %add3A_817 = arith.constant 8 : i32
      %add3A_818 = arith.addi %mul3A_104, %add3A_817 : i32
      %get3A_819 = arith.index_cast %add3A_818 : i32 to index
      %get3A_820 = arith.constant 0 : index
      %get3A_821 = tpu.vector_load %arg6[%get3A_819, %get3A_820] {strides = array<i32>} : memref<640x16xf32, #tpu.memory_space<vmem>>, vector<16xf32>,
      %mul3A_822 = arith.mulf %get3A_821, %get3A_821 : vector<16xf32>
      %lt3A_823 = arith.constant 0 : i32
      %lt3A_824 = vector.broadcast %lt3A_823 : i32 to vector<16xi32>
      %lt3A_825 = arith.cmpi slt, %xor3A_43, %lt3A_824 : vector<16xi32>
      %add3A_826 = arith.constant 16 : i32
      %add3A_827 = vector.broadcast %add3A_826 : i32 to vector<16xi32>
      %add3A_828 = arith.addi %xor3A_43, %add3A_827 : vector<16xi32>
      %select_n3A_829 = arith.select %lt3A_825, %add3A_828, %xor3A_43 : vector<16xi1>, vector<16xi32>
      %broadcast_in_dim3A_830 = vector.shape_cast %select_n3A_829 : vector<16xi32> to vector<16x1xi32>
      %gather3A_831 = vector.shape_cast %broadcast_in_dim3A_830 : vector<16x1xi32> to vector<16xi32>
      %gather3A_832 = tpu.dynamic_gather %mul3A_822[%gather3A_831] in [0] : vector<16xf32>, vector<16xi32> -> vector<16xf32>
      %add3A_833 = arith.addf %mul3A_822, %gather3A_832 : vector<16xf32>
      %lt3A_834 = arith.constant 0 : i32
      %lt3A_835 = vector.broadcast %lt3A_834 : i32 to vector<16xi32>
      %lt3A_836 = arith.cmpi slt, %xor3A_46, %lt3A_835 : vector<16xi32>
      %add3A_837 = arith.constant 16 : i32
      %add3A_838 = vector.broadcast %add3A_837 : i32 to vector<16xi32>
      %add3A_839 = arith.addi %xor3A_46, %add3A_838 : vector<16xi32>
      %select_n3A_840 = arith.select %lt3A_836, %add3A_839, %xor3A_46 : vector<16xi1>, vector<16xi32>
      %broadcast_in_dim3A_841 = vector.shape_cast %select_n3A_840 : vector<16xi32> to vector<16x1xi32>
      %gather3A_842 = vector.shape_cast %broadcast_in_dim3A_841 : vector<16x1xi32> to vector<16xi32>
      %gather3A_843 = tpu.dynamic_gather %add3A_833[%gather3A_842] in [0] : vector<16xf32>, vector<16xi32> -> vector<16xf32>
      %add3A_844 = arith.addf %add3A_833, %gather3A_843 : vector<16xf32>
      %lt3A_845 = arith.constant 0 : i32
      %lt3A_846 = vector.broadcast %lt3A_845 : i32 to vector<16xi32>
      %lt3A_847 = arith.cmpi slt, %xor3A_49, %lt3A_846 : vector<16xi32>
      %add3A_848 = arith.constant 16 : i32
      %add3A_849 = vector.broadcast %add3A_848 : i32 to vector<16xi32>
      %add3A_850 = arith.addi %xor3A_49, %add3A_849 : vector<16xi32>
      %select_n3A_851 = arith.select %lt3A_847, %add3A_850, %xor3A_49 : vector<16xi1>, vector<16xi32>
      %broadcast_in_dim3A_852 = vector.shape_cast %select_n3A_851 : vector<16xi32> to vector<16x1xi32>
      %gather3A_853 = vector.shape_cast %broadcast_in_dim3A_852 : vector<16x1xi32> to vector<16xi32>
      %gather3A_854 = tpu.dynamic_gather %add3A_844[%gather3A_853] in [0] : vector<16xf32>, vector<16xi32> -> vector<16xf32>
      %add3A_855 = arith.addf %add3A_844, %gather3A_854 : vector<16xf32>
      %lt3A_856 = arith.constant 0 : i32
      %lt3A_857 = vector.broadcast %lt3A_856 : i32 to vector<16xi32>
      %lt3A_858 = arith.cmpi slt, %xor3A_52, %lt3A_857 : vector<16xi32>
      %add3A_859 = arith.constant 16 : i32
      %add3A_860 = vector.broadcast %add3A_859 : i32 to vector<16xi32>
      %add3A_861 = arith.addi %xor3A_52, %add3A_860 : vector<16xi32>
      %select_n3A_862 = arith.select %lt3A_858, %add3A_861, %xor3A_52 : vector<16xi1>, vector<16xi32>
      %broadcast_in_dim3A_863 = vector.shape_cast %select_n3A_862 : vector<16xi32> to vector<16x1xi32>
      %gather3A_864 = vector.shape_cast %broadcast_in_dim3A_863 : vector<16x1xi32> to vector<16xi32>
      %gather3A_865 = tpu.dynamic_gather %add3A_855[%gather3A_864] in [0] : vector<16xf32>, vector<16xi32> -> vector<16xf32>
      %add3A_866 = arith.addf %add3A_855, %gather3A_865 : vector<16xf32>
      %bitcast3A_867 = vector.bitcast %add3A_866 : vector<16xf32> to vector<16xi32>
      %shift_right_arithmetic3A_868 = arith.constant 1 : i32
      %shift_right_arithmetic3A_869 = vector.broadcast %shift_right_arithmetic3A_868 : i32 to vector<16xi32>
      %shift_right_arithmetic3A_870 = arith.shrsi %bitcast3A_867, %shift_right_arithmetic3A_869 : vector<16xi32>
      %sub3A_871 = arith.constant 1597463007 : i32
      %sub3A_872 = vector.broadcast %sub3A_871 : i32 to vector<16xi32>
      %sub3A_873 = arith.subi %sub3A_872, %shift_right_arithmetic3A_870 : vector<16xi32>
      %bitcast3A_874 = vector.bitcast %sub3A_873 : vector<16xi32> to vector<16xf32>
      %mul3A_875 = arith.constant 5.000000e-01 : f32
      %mul3A_876 = vector.broadcast %mul3A_875 : f32 to vector<16xf32>
      %mul3A_877 = arith.mulf %mul3A_876, %add3A_866 : vector<16xf32>
      %mul3A_878 = arith.mulf %mul3A_877, %bitcast3A_874 : vector<16xf32>
      %mul3A_879 = arith.mulf %mul3A_878, %bitcast3A_874 : vector<16xf32>
      %sub3A_880 = arith.constant 1.500000e+00 : f32
      %sub3A_881 = vector.broadcast %sub3A_880 : f32 to vector<16xf32>
      %sub3A_882 = arith.subf %sub3A_881, %mul3A_879 : vector<16xf32>
      %mul3A_883 = arith.mulf %bitcast3A_874, %sub3A_882 : vector<16xf32>
      %mul3A_884 = arith.mulf %mul3A_877, %mul3A_883 : vector<16xf32>
      %mul3A_885 = arith.mulf %mul3A_884, %mul3A_883 : vector<16xf32>
      %sub3A_886 = arith.constant 1.500000e+00 : f32
      %sub3A_887 = vector.broadcast %sub3A_886 : f32 to vector<16xf32>
      %sub3A_888 = arith.subf %sub3A_887, %mul3A_885 : vector<16xf32>
      %mul3A_889 = arith.mulf %mul3A_883, %sub3A_888 : vector<16xf32>
      %mul3A_890 = arith.mulf %mul3A_877, %mul3A_889 : vector<16xf32>
      %mul3A_891 = arith.mulf %mul3A_890, %mul3A_889 : vector<16xf32>
      %sub3A_892 = arith.constant 1.500000e+00 : f32
      %sub3A_893 = vector.broadcast %sub3A_892 : f32 to vector<16xf32>
      %sub3A_894 = arith.subf %sub3A_893, %mul3A_891 : vector<16xf32>
      %mul3A_895 = arith.mulf %mul3A_889, %sub3A_894 : vector<16xf32>
      %gt3A_896 = arith.constant 1.000000e+00 : f32
      %gt3A_897 = vector.broadcast %gt3A_896 : f32 to vector<16xf32>
      %gt3A_898 = arith.cmpf ogt, %add3A_866, %gt3A_897 : vector<16xf32>
      %mul3A_899 = arith.constant 1.000000e+00 : f32
      %mul3A_900 = vector.broadcast %mul3A_899 : f32 to vector<16xf32>
      %mul3A_901 = arith.mulf %mul3A_895, %mul3A_900 : vector<16xf32>
      %jit3A_902 = arith.constant 1.000000e+00 : f32
      %broadcast_in_dim3A_903 = vector.broadcast %jit3A_902 : f32 to vector<16xf32>
      %select_n3A_904 = arith.select %gt3A_898, %mul3A_901, %broadcast_in_dim3A_903 : vector<16xi1>, vector<16xf32>
      %mul3A_905 = arith.mulf %get3A_821, %select_n3A_904 : vector<16xf32>
      %add3A_906 = arith.addf %add3A_816, %mul3A_905 : vector<16xf32>
      %add3A_907 = arith.constant 9 : i32
      %add3A_908 = arith.addi %mul3A_104, %add3A_907 : i32
      %get3A_909 = arith.index_cast %add3A_908 : i32 to index
      %get3A_910 = arith.constant 0 : index
      %get3A_911 = tpu.vector_load %arg6[%get3A_909, %get3A_910] {strides = array<i32>} : memref<640x16xf32, #tpu.memory_space<vmem>>, vector<16xf32>,
      %mul3A_912 = arith.mulf %get3A_911, %get3A_911 : vector<16xf32>
      %lt3A_913 = arith.constant 0 : i32
      %lt3A_914 = vector.broadcast %lt3A_913 : i32 to vector<16xi32>
      %lt3A_915 = arith.cmpi slt, %xor3A_43, %lt3A_914 : vector<16xi32>
      %add3A_916 = arith.constant 16 : i32
      %add3A_917 = vector.broadcast %add3A_916 : i32 to vector<16xi32>
      %add3A_918 = arith.addi %xor3A_43, %add3A_917 : vector<16xi32>
      %select_n3A_919 = arith.select %lt3A_915, %add3A_918, %xor3A_43 : vector<16xi1>, vector<16xi32>
      %broadcast_in_dim3A_920 = vector.shape_cast %select_n3A_919 : vector<16xi32> to vector<16x1xi32>
      %gather3A_921 = vector.shape_cast %broadcast_in_dim3A_920 : vector<16x1xi32> to vector<16xi32>
      %gather3A_922 = tpu.dynamic_gather %mul3A_912[%gather3A_921] in [0] : vector<16xf32>, vector<16xi32> -> vector<16xf32>
      %add3A_923 = arith.addf %mul3A_912, %gather3A_922 : vector<16xf32>
      %lt3A_924 = arith.constant 0 : i32
      %lt3A_925 = vector.broadcast %lt3A_924 : i32 to vector<16xi32>
      %lt3A_926 = arith.cmpi slt, %xor3A_46, %lt3A_925 : vector<16xi32>
      %add3A_927 = arith.constant 16 : i32
      %add3A_928 = vector.broadcast %add3A_927 : i32 to vector<16xi32>
      %add3A_929 = arith.addi %xor3A_46, %add3A_928 : vector<16xi32>
      %select_n3A_930 = arith.select %lt3A_926, %add3A_929, %xor3A_46 : vector<16xi1>, vector<16xi32>
      %broadcast_in_dim3A_931 = vector.shape_cast %select_n3A_930 : vector<16xi32> to vector<16x1xi32>
      %gather3A_932 = vector.shape_cast %broadcast_in_dim3A_931 : vector<16x1xi32> to vector<16xi32>
      %gather3A_933 = tpu.dynamic_gather %add3A_923[%gather3A_932] in [0] : vector<16xf32>, vector<16xi32> -> vector<16xf32>
      %add3A_934 = arith.addf %add3A_923, %gather3A_933 : vector<16xf32>
      %lt3A_935 = arith.constant 0 : i32
      %lt3A_936 = vector.broadcast %lt3A_935 : i32 to vector<16xi32>
      %lt3A_937 = arith.cmpi slt, %xor3A_49, %lt3A_936 : vector<16xi32>
      %add3A_938 = arith.constant 16 : i32
      %add3A_939 = vector.broadcast %add3A_938 : i32 to vector<16xi32>
      %add3A_940 = arith.addi %xor3A_49, %add3A_939 : vector<16xi32>
      %select_n3A_941 = arith.select %lt3A_937, %add3A_940, %xor3A_49 : vector<16xi1>, vector<16xi32>
      %broadcast_in_dim3A_942 = vector.shape_cast %select_n3A_941 : vector<16xi32> to vector<16x1xi32>
      %gather3A_943 = vector.shape_cast %broadcast_in_dim3A_942 : vector<16x1xi32> to vector<16xi32>
      %gather3A_944 = tpu.dynamic_gather %add3A_934[%gather3A_943] in [0] : vector<16xf32>, vector<16xi32> -> vector<16xf32>
      %add3A_945 = arith.addf %add3A_934, %gather3A_944 : vector<16xf32>
      %lt3A_946 = arith.constant 0 : i32
      %lt3A_947 = vector.broadcast %lt3A_946 : i32 to vector<16xi32>
      %lt3A_948 = arith.cmpi slt, %xor3A_52, %lt3A_947 : vector<16xi32>
      %add3A_949 = arith.constant 16 : i32
      %add3A_950 = vector.broadcast %add3A_949 : i32 to vector<16xi32>
      %add3A_951 = arith.addi %xor3A_52, %add3A_950 : vector<16xi32>
      %select_n3A_952 = arith.select %lt3A_948, %add3A_951, %xor3A_52 : vector<16xi1>, vector<16xi32>
      %broadcast_in_dim3A_953 = vector.shape_cast %select_n3A_952 : vector<16xi32> to vector<16x1xi32>
      %gather3A_954 = vector.shape_cast %broadcast_in_dim3A_953 : vector<16x1xi32> to vector<16xi32>
      %gather3A_955 = tpu.dynamic_gather %add3A_945[%gather3A_954] in [0] : vector<16xf32>, vector<16xi32> -> vector<16xf32>
      %add3A_956 = arith.addf %add3A_945, %gather3A_955 : vector<16xf32>
      %bitcast3A_957 = vector.bitcast %add3A_956 : vector<16xf32> to vector<16xi32>
      %shift_right_arithmetic3A_958 = arith.constant 1 : i32
      %shift_right_arithmetic3A_959 = vector.broadcast %shift_right_arithmetic3A_958 : i32 to vector<16xi32>
      %shift_right_arithmetic3A_960 = arith.shrsi %bitcast3A_957, %shift_right_arithmetic3A_959 : vector<16xi32>
      %sub3A_961 = arith.constant 1597463007 : i32
      %sub3A_962 = vector.broadcast %sub3A_961 : i32 to vector<16xi32>
      %sub3A_963 = arith.subi %sub3A_962, %shift_right_arithmetic3A_960 : vector<16xi32>
      %bitcast3A_964 = vector.bitcast %sub3A_963 : vector<16xi32> to vector<16xf32>
      %mul3A_965 = arith.constant 5.000000e-01 : f32
      %mul3A_966 = vector.broadcast %mul3A_965 : f32 to vector<16xf32>
      %mul3A_967 = arith.mulf %mul3A_966, %add3A_956 : vector<16xf32>
      %mul3A_968 = arith.mulf %mul3A_967, %bitcast3A_964 : vector<16xf32>
      %mul3A_969 = arith.mulf %mul3A_968, %bitcast3A_964 : vector<16xf32>
      %sub3A_970 = arith.constant 1.500000e+00 : f32
      %sub3A_971 = vector.broadcast %sub3A_970 : f32 to vector<16xf32>
      %sub3A_972 = arith.subf %sub3A_971, %mul3A_969 : vector<16xf32>
      %mul3A_973 = arith.mulf %bitcast3A_964, %sub3A_972 : vector<16xf32>
      %mul3A_974 = arith.mulf %mul3A_967, %mul3A_973 : vector<16xf32>
      %mul3A_975 = arith.mulf %mul3A_974, %mul3A_973 : vector<16xf32>
      %sub3A_976 = arith.constant 1.500000e+00 : f32
      %sub3A_977 = vector.broadcast %sub3A_976 : f32 to vector<16xf32>
      %sub3A_978 = arith.subf %sub3A_977, %mul3A_975 : vector<16xf32>
      %mul3A_979 = arith.mulf %mul3A_973, %sub3A_978 : vector<16xf32>
      %mul3A_980 = arith.mulf %mul3A_967, %mul3A_979 : vector<16xf32>
      %mul3A_981 = arith.mulf %mul3A_980, %mul3A_979 : vector<16xf32>
      %sub3A_982 = arith.constant 1.500000e+00 : f32
      %sub3A_983 = vector.broadcast %sub3A_982 : f32 to vector<16xf32>
      %sub3A_984 = arith.subf %sub3A_983, %mul3A_981 : vector<16xf32>
      %mul3A_985 = arith.mulf %mul3A_979, %sub3A_984 : vector<16xf32>
      %gt3A_986 = arith.constant 1.000000e+00 : f32
      %gt3A_987 = vector.broadcast %gt3A_986 : f32 to vector<16xf32>
      %gt3A_988 = arith.cmpf ogt, %add3A_956, %gt3A_987 : vector<16xf32>
      %mul3A_989 = arith.constant 1.000000e+00 : f32
      %mul3A_990 = vector.broadcast %mul3A_989 : f32 to vector<16xf32>
      %mul3A_991 = arith.mulf %mul3A_985, %mul3A_990 : vector<16xf32>
      %jit3A_992 = arith.constant 1.000000e+00 : f32
      %broadcast_in_dim3A_993 = vector.broadcast %jit3A_992 : f32 to vector<16xf32>
      %select_n3A_994 = arith.select %gt3A_988, %mul3A_991, %broadcast_in_dim3A_993 : vector<16xi1>, vector<16xf32>
      %mul3A_995 = arith.mulf %get3A_911, %select_n3A_994 : vector<16xf32>
      %add3A_996 = arith.addf %add3A_906, %mul3A_995 : vector<16xf32>
      %add3A_997 = arith.constant 10 : i32
      %add3A_998 = arith.addi %mul3A_104, %add3A_997 : i32
      %get3A_999 = arith.index_cast %add3A_998 : i32 to index
      %get3A_1000 = arith.constant 0 : index
      %get3A_1001 = tpu.vector_load %arg6[%get3A_999, %get3A_1000] {strides = array<i32>} : memref<640x16xf32, #tpu.memory_space<vmem>>, vector<16xf32>,
      %mul3A_1002 = arith.mulf %get3A_1001, %get3A_1001 : vector<16xf32>
      %lt3A_1003 = arith.constant 0 : i32
      %lt3A_1004 = vector.broadcast %lt3A_1003 : i32 to vector<16xi32>
      %lt3A_1005 = arith.cmpi slt, %xor3A_43, %lt3A_1004 : vector<16xi32>
      %add3A_1006 = arith.constant 16 : i32
      %add3A_1007 = vector.broadcast %add3A_1006 : i32 to vector<16xi32>
      %add3A_1008 = arith.addi %xor3A_43, %add3A_1007 : vector<16xi32>
      %select_n3A_1009 = arith.select %lt3A_1005, %add3A_1008, %xor3A_43 : vector<16xi1>, vector<16xi32>
      %broadcast_in_dim3A_1010 = vector.shape_cast %select_n3A_1009 : vector<16xi32> to vector<16x1xi32>
      %gather3A_1011 = vector.shape_cast %broadcast_in_dim3A_1010 : vector<16x1xi32> to vector<16xi32>
      %gather3A_1012 = tpu.dynamic_gather %mul3A_1002[%gather3A_1011] in [0] : vector<16xf32>, vector<16xi32> -> vector<16xf32>
      %add3A_1013 = arith.addf %mul3A_1002, %gather3A_1012 : vector<16xf32>
      %lt3A_1014 = arith.constant 0 : i32
      %lt3A_1015 = vector.broadcast %lt3A_1014 : i32 to vector<16xi32>
      %lt3A_1016 = arith.cmpi slt, %xor3A_46, %lt3A_1015 : vector<16xi32>
      %add3A_1017 = arith.constant 16 : i32
      %add3A_1018 = vector.broadcast %add3A_1017 : i32 to vector<16xi32>
      %add3A_1019 = arith.addi %xor3A_46, %add3A_1018 : vector<16xi32>
      %select_n3A_1020 = arith.select %lt3A_1016, %add3A_1019, %xor3A_46 : vector<16xi1>, vector<16xi32>
      %broadcast_in_dim3A_1021 = vector.shape_cast %select_n3A_1020 : vector<16xi32> to vector<16x1xi32>
      %gather3A_1022 = vector.shape_cast %broadcast_in_dim3A_1021 : vector<16x1xi32> to vector<16xi32>
      %gather3A_1023 = tpu.dynamic_gather %add3A_1013[%gather3A_1022] in [0] : vector<16xf32>, vector<16xi32> -> vector<16xf32>
      %add3A_1024 = arith.addf %add3A_1013, %gather3A_1023 : vector<16xf32>
      %lt3A_1025 = arith.constant 0 : i32
      %lt3A_1026 = vector.broadcast %lt3A_1025 : i32 to vector<16xi32>
      %lt3A_1027 = arith.cmpi slt, %xor3A_49, %lt3A_1026 : vector<16xi32>
      %add3A_1028 = arith.constant 16 : i32
      %add3A_1029 = vector.broadcast %add3A_1028 : i32 to vector<16xi32>
      %add3A_1030 = arith.addi %xor3A_49, %add3A_1029 : vector<16xi32>
      %select_n3A_1031 = arith.select %lt3A_1027, %add3A_1030, %xor3A_49 : vector<16xi1>, vector<16xi32>
      %broadcast_in_dim3A_1032 = vector.shape_cast %select_n3A_1031 : vector<16xi32> to vector<16x1xi32>
      %gather3A_1033 = vector.shape_cast %broadcast_in_dim3A_1032 : vector<16x1xi32> to vector<16xi32>
      %gather3A_1034 = tpu.dynamic_gather %add3A_1024[%gather3A_1033] in [0] : vector<16xf32>, vector<16xi32> -> vector<16xf32>
      %add3A_1035 = arith.addf %add3A_1024, %gather3A_1034 : vector<16xf32>
      %lt3A_1036 = arith.constant 0 : i32
      %lt3A_1037 = vector.broadcast %lt3A_1036 : i32 to vector<16xi32>
      %lt3A_1038 = arith.cmpi slt, %xor3A_52, %lt3A_1037 : vector<16xi32>
      %add3A_1039 = arith.constant 16 : i32
      %add3A_1040 = vector.broadcast %add3A_1039 : i32 to vector<16xi32>
      %add3A_1041 = arith.addi %xor3A_52, %add3A_1040 : vector<16xi32>
      %select_n3A_1042 = arith.select %lt3A_1038, %add3A_1041, %xor3A_52 : vector<16xi1>, vector<16xi32>
      %broadcast_in_dim3A_1043 = vector.shape_cast %select_n3A_1042 : vector<16xi32> to vector<16x1xi32>
      %gather3A_1044 = vector.shape_cast %broadcast_in_dim3A_1043 : vector<16x1xi32> to vector<16xi32>
      %gather3A_1045 = tpu.dynamic_gather %add3A_1035[%gather3A_1044] in [0] : vector<16xf32>, vector<16xi32> -> vector<16xf32>
      %add3A_1046 = arith.addf %add3A_1035, %gather3A_1045 : vector<16xf32>
      %bitcast3A_1047 = vector.bitcast %add3A_1046 : vector<16xf32> to vector<16xi32>
      %shift_right_arithmetic3A_1048 = arith.constant 1 : i32
      %shift_right_arithmetic3A_1049 = vector.broadcast %shift_right_arithmetic3A_1048 : i32 to vector<16xi32>
      %shift_right_arithmetic3A_1050 = arith.shrsi %bitcast3A_1047, %shift_right_arithmetic3A_1049 : vector<16xi32>
      %sub3A_1051 = arith.constant 1597463007 : i32
      %sub3A_1052 = vector.broadcast %sub3A_1051 : i32 to vector<16xi32>
      %sub3A_1053 = arith.subi %sub3A_1052, %shift_right_arithmetic3A_1050 : vector<16xi32>
      %bitcast3A_1054 = vector.bitcast %sub3A_1053 : vector<16xi32> to vector<16xf32>
      %mul3A_1055 = arith.constant 5.000000e-01 : f32
      %mul3A_1056 = vector.broadcast %mul3A_1055 : f32 to vector<16xf32>
      %mul3A_1057 = arith.mulf %mul3A_1056, %add3A_1046 : vector<16xf32>
      %mul3A_1058 = arith.mulf %mul3A_1057, %bitcast3A_1054 : vector<16xf32>
      %mul3A_1059 = arith.mulf %mul3A_1058, %bitcast3A_1054 : vector<16xf32>
      %sub3A_1060 = arith.constant 1.500000e+00 : f32
      %sub3A_1061 = vector.broadcast %sub3A_1060 : f32 to vector<16xf32>
      %sub3A_1062 = arith.subf %sub3A_1061, %mul3A_1059 : vector<16xf32>
      %mul3A_1063 = arith.mulf %bitcast3A_1054, %sub3A_1062 : vector<16xf32>
      %mul3A_1064 = arith.mulf %mul3A_1057, %mul3A_1063 : vector<16xf32>
      %mul3A_1065 = arith.mulf %mul3A_1064, %mul3A_1063 : vector<16xf32>
      %sub3A_1066 = arith.constant 1.500000e+00 : f32
      %sub3A_1067 = vector.broadcast %sub3A_1066 : f32 to vector<16xf32>
      %sub3A_1068 = arith.subf %sub3A_1067, %mul3A_1065 : vector<16xf32>
      %mul3A_1069 = arith.mulf %mul3A_1063, %sub3A_1068 : vector<16xf32>
      %mul3A_1070 = arith.mulf %mul3A_1057, %mul3A_1069 : vector<16xf32>
      %mul3A_1071 = arith.mulf %mul3A_1070, %mul3A_1069 : vector<16xf32>
      %sub3A_1072 = arith.constant 1.500000e+00 : f32
      %sub3A_1073 = vector.broadcast %sub3A_1072 : f32 to vector<16xf32>
      %sub3A_1074 = arith.subf %sub3A_1073, %mul3A_1071 : vector<16xf32>
      %mul3A_1075 = arith.mulf %mul3A_1069, %sub3A_1074 : vector<16xf32>
      %gt3A_1076 = arith.constant 1.000000e+00 : f32
      %gt3A_1077 = vector.broadcast %gt3A_1076 : f32 to vector<16xf32>
      %gt3A_1078 = arith.cmpf ogt, %add3A_1046, %gt3A_1077 : vector<16xf32>
      %mul3A_1079 = arith.constant 1.000000e+00 : f32
      %mul3A_1080 = vector.broadcast %mul3A_1079 : f32 to vector<16xf32>
      %mul3A_1081 = arith.mulf %mul3A_1075, %mul3A_1080 : vector<16xf32>
      %jit3A_1082 = arith.constant 1.000000e+00 : f32
      %broadcast_in_dim3A_1083 = vector.broadcast %jit3A_1082 : f32 to vector<16xf32>
      %select_n3A_1084 = arith.select %gt3A_1078, %mul3A_1081, %broadcast_in_dim3A_1083 : vector<16xi1>, vector<16xf32>
      %mul3A_1085 = arith.mulf %get3A_1001, %select_n3A_1084 : vector<16xf32>
      %add3A_1086 = arith.addf %add3A_996, %mul3A_1085 : vector<16xf32>
      %add3A_1087 = arith.constant 11 : i32
      %add3A_1088 = arith.addi %mul3A_104, %add3A_1087 : i32
      %get3A_1089 = arith.index_cast %add3A_1088 : i32 to index
      %get3A_1090 = arith.constant 0 : index
      %get3A_1091 = tpu.vector_load %arg6[%get3A_1089, %get3A_1090] {strides = array<i32>} : memref<640x16xf32, #tpu.memory_space<vmem>>, vector<16xf32>,
      %mul3A_1092 = arith.mulf %get3A_1091, %get3A_1091 : vector<16xf32>
      %lt3A_1093 = arith.constant 0 : i32
      %lt3A_1094 = vector.broadcast %lt3A_1093 : i32 to vector<16xi32>
      %lt3A_1095 = arith.cmpi slt, %xor3A_43, %lt3A_1094 : vector<16xi32>
      %add3A_1096 = arith.constant 16 : i32
      %add3A_1097 = vector.broadcast %add3A_1096 : i32 to vector<16xi32>
      %add3A_1098 = arith.addi %xor3A_43, %add3A_1097 : vector<16xi32>
      %select_n3A_1099 = arith.select %lt3A_1095, %add3A_1098, %xor3A_43 : vector<16xi1>, vector<16xi32>
      %broadcast_in_dim3A_1100 = vector.shape_cast %select_n3A_1099 : vector<16xi32> to vector<16x1xi32>
      %gather3A_1101 = vector.shape_cast %broadcast_in_dim3A_1100 : vector<16x1xi32> to vector<16xi32>
      %gather3A_1102 = tpu.dynamic_gather %mul3A_1092[%gather3A_1101] in [0] : vector<16xf32>, vector<16xi32> -> vector<16xf32>
      %add3A_1103 = arith.addf %mul3A_1092, %gather3A_1102 : vector<16xf32>
      %lt3A_1104 = arith.constant 0 : i32
      %lt3A_1105 = vector.broadcast %lt3A_1104 : i32 to vector<16xi32>
      %lt3A_1106 = arith.cmpi slt, %xor3A_46, %lt3A_1105 : vector<16xi32>
      %add3A_1107 = arith.constant 16 : i32
      %add3A_1108 = vector.broadcast %add3A_1107 : i32 to vector<16xi32>
      %add3A_1109 = arith.addi %xor3A_46, %add3A_1108 : vector<16xi32>
      %select_n3A_1110 = arith.select %lt3A_1106, %add3A_1109, %xor3A_46 : vector<16xi1>, vector<16xi32>
      %broadcast_in_dim3A_1111 = vector.shape_cast %select_n3A_1110 : vector<16xi32> to vector<16x1xi32>
      %gather3A_1112 = vector.shape_cast %broadcast_in_dim3A_1111 : vector<16x1xi32> to vector<16xi32>
      %gather3A_1113 = tpu.dynamic_gather %add3A_1103[%gather3A_1112] in [0] : vector<16xf32>, vector<16xi32> -> vector<16xf32>
      %add3A_1114 = arith.addf %add3A_1103, %gather3A_1113 : vector<16xf32>
      %lt3A_1115 = arith.constant 0 : i32
      %lt3A_1116 = vector.broadcast %lt3A_1115 : i32 to vector<16xi32>
      %lt3A_1117 = arith.cmpi slt, %xor3A_49, %lt3A_1116 : vector<16xi32>
      %add3A_1118 = arith.constant 16 : i32
      %add3A_1119 = vector.broadcast %add3A_1118 : i32 to vector<16xi32>
      %add3A_1120 = arith.addi %xor3A_49, %add3A_1119 : vector<16xi32>
      %select_n3A_1121 = arith.select %lt3A_1117, %add3A_1120, %xor3A_49 : vector<16xi1>, vector<16xi32>
      %broadcast_in_dim3A_1122 = vector.shape_cast %select_n3A_1121 : vector<16xi32> to vector<16x1xi32>
      %gather3A_1123 = vector.shape_cast %broadcast_in_dim3A_1122 : vector<16x1xi32> to vector<16xi32>
      %gather3A_1124 = tpu.dynamic_gather %add3A_1114[%gather3A_1123] in [0] : vector<16xf32>, vector<16xi32> -> vector<16xf32>
      %add3A_1125 = arith.addf %add3A_1114, %gather3A_1124 : vector<16xf32>
      %lt3A_1126 = arith.constant 0 : i32
      %lt3A_1127 = vector.broadcast %lt3A_1126 : i32 to vector<16xi32>
      %lt3A_1128 = arith.cmpi slt, %xor3A_52, %lt3A_1127 : vector<16xi32>
      %add3A_1129 = arith.constant 16 : i32
      %add3A_1130 = vector.broadcast %add3A_1129 : i32 to vector<16xi32>
      %add3A_1131 = arith.addi %xor3A_52, %add3A_1130 : vector<16xi32>
      %select_n3A_1132 = arith.select %lt3A_1128, %add3A_1131, %xor3A_52 : vector<16xi1>, vector<16xi32>
      %broadcast_in_dim3A_1133 = vector.shape_cast %select_n3A_1132 : vector<16xi32> to vector<16x1xi32>
      %gather3A_1134 = vector.shape_cast %broadcast_in_dim3A_1133 : vector<16x1xi32> to vector<16xi32>
      %gather3A_1135 = tpu.dynamic_gather %add3A_1125[%gather3A_1134] in [0] : vector<16xf32>, vector<16xi32> -> vector<16xf32>
      %add3A_1136 = arith.addf %add3A_1125, %gather3A_1135 : vector<16xf32>
      %bitcast3A_1137 = vector.bitcast %add3A_1136 : vector<16xf32> to vector<16xi32>
      %shift_right_arithmetic3A_1138 = arith.constant 1 : i32
      %shift_right_arithmetic3A_1139 = vector.broadcast %shift_right_arithmetic3A_1138 : i32 to vector<16xi32>
      %shift_right_arithmetic3A_1140 = arith.shrsi %bitcast3A_1137, %shift_right_arithmetic3A_1139 : vector<16xi32>
      %sub3A_1141 = arith.constant 1597463007 : i32
      %sub3A_1142 = vector.broadcast %sub3A_1141 : i32 to vector<16xi32>
      %sub3A_1143 = arith.subi %sub3A_1142, %shift_right_arithmetic3A_1140 : vector<16xi32>
      %bitcast3A_1144 = vector.bitcast %sub3A_1143 : vector<16xi32> to vector<16xf32>
      %mul3A_1145 = arith.constant 5.000000e-01 : f32
      %mul3A_1146 = vector.broadcast %mul3A_1145 : f32 to vector<16xf32>
      %mul3A_1147 = arith.mulf %mul3A_1146, %add3A_1136 : vector<16xf32>
      %mul3A_1148 = arith.mulf %mul3A_1147, %bitcast3A_1144 : vector<16xf32>
      %mul3A_1149 = arith.mulf %mul3A_1148, %bitcast3A_1144 : vector<16xf32>
      %sub3A_1150 = arith.constant 1.500000e+00 : f32
      %sub3A_1151 = vector.broadcast %sub3A_1150 : f32 to vector<16xf32>
      %sub3A_1152 = arith.subf %sub3A_1151, %mul3A_1149 : vector<16xf32>
      %mul3A_1153 = arith.mulf %bitcast3A_1144, %sub3A_1152 : vector<16xf32>
      %mul3A_1154 = arith.mulf %mul3A_1147, %mul3A_1153 : vector<16xf32>
      %mul3A_1155 = arith.mulf %mul3A_1154, %mul3A_1153 : vector<16xf32>
      %sub3A_1156 = arith.constant 1.500000e+00 : f32
      %sub3A_1157 = vector.broadcast %sub3A_1156 : f32 to vector<16xf32>
      %sub3A_1158 = arith.subf %sub3A_1157, %mul3A_1155 : vector<16xf32>
      %mul3A_1159 = arith.mulf %mul3A_1153, %sub3A_1158 : vector<16xf32>
      %mul3A_1160 = arith.mulf %mul3A_1147, %mul3A_1159 : vector<16xf32>
      %mul3A_1161 = arith.mulf %mul3A_1160, %mul3A_1159 : vector<16xf32>
      %sub3A_1162 = arith.constant 1.500000e+00 : f32
      %sub3A_1163 = vector.broadcast %sub3A_1162 : f32 to vector<16xf32>
      %sub3A_1164 = arith.subf %sub3A_1163, %mul3A_1161 : vector<16xf32>
      %mul3A_1165 = arith.mulf %mul3A_1159, %sub3A_1164 : vector<16xf32>
      %gt3A_1166 = arith.constant 1.000000e+00 : f32
      %gt3A_1167 = vector.broadcast %gt3A_1166 : f32 to vector<16xf32>
      %gt3A_1168 = arith.cmpf ogt, %add3A_1136, %gt3A_1167 : vector<16xf32>
      %mul3A_1169 = arith.constant 1.000000e+00 : f32
      %mul3A_1170 = vector.broadcast %mul3A_1169 : f32 to vector<16xf32>
      %mul3A_1171 = arith.mulf %mul3A_1165, %mul3A_1170 : vector<16xf32>
      %jit3A_1172 = arith.constant 1.000000e+00 : f32
      %broadcast_in_dim3A_1173 = vector.broadcast %jit3A_1172 : f32 to vector<16xf32>
      %select_n3A_1174 = arith.select %gt3A_1168, %mul3A_1171, %broadcast_in_dim3A_1173 : vector<16xi1>, vector<16xf32>
      %mul3A_1175 = arith.mulf %get3A_1091, %select_n3A_1174 : vector<16xf32>
      %add3A_1176 = arith.addf %add3A_1086, %mul3A_1175 : vector<16xf32>
      %add3A_1177 = arith.constant 12 : i32
      %add3A_1178 = arith.addi %mul3A_104, %add3A_1177 : i32
      %get3A_1179 = arith.index_cast %add3A_1178 : i32 to index
      %get3A_1180 = arith.constant 0 : index
      %get3A_1181 = tpu.vector_load %arg6[%get3A_1179, %get3A_1180] {strides = array<i32>} : memref<640x16xf32, #tpu.memory_space<vmem>>, vector<16xf32>,
      %mul3A_1182 = arith.mulf %get3A_1181, %get3A_1181 : vector<16xf32>
      %lt3A_1183 = arith.constant 0 : i32
      %lt3A_1184 = vector.broadcast %lt3A_1183 : i32 to vector<16xi32>
      %lt3A_1185 = arith.cmpi slt, %xor3A_43, %lt3A_1184 : vector<16xi32>
      %add3A_1186 = arith.constant 16 : i32
      %add3A_1187 = vector.broadcast %add3A_1186 : i32 to vector<16xi32>
      %add3A_1188 = arith.addi %xor3A_43, %add3A_1187 : vector<16xi32>
      %select_n3A_1189 = arith.select %lt3A_1185, %add3A_1188, %xor3A_43 : vector<16xi1>, vector<16xi32>
      %broadcast_in_dim3A_1190 = vector.shape_cast %select_n3A_1189 : vector<16xi32> to vector<16x1xi32>
      %gather3A_1191 = vector.shape_cast %broadcast_in_dim3A_1190 : vector<16x1xi32> to vector<16xi32>
      %gather3A_1192 = tpu.dynamic_gather %mul3A_1182[%gather3A_1191] in [0] : vector<16xf32>, vector<16xi32> -> vector<16xf32>
      %add3A_1193 = arith.addf %mul3A_1182, %gather3A_1192 : vector<16xf32>
      %lt3A_1194 = arith.constant 0 : i32
      %lt3A_1195 = vector.broadcast %lt3A_1194 : i32 to vector<16xi32>
      %lt3A_1196 = arith.cmpi slt, %xor3A_46, %lt3A_1195 : vector<16xi32>
      %add3A_1197 = arith.constant 16 : i32
      %add3A_1198 = vector.broadcast %add3A_1197 : i32 to vector<16xi32>
      %add3A_1199 = arith.addi %xor3A_46, %add3A_1198 : vector<16xi32>
      %select_n3A_1200 = arith.select %lt3A_1196, %add3A_1199, %xor3A_46 : vector<16xi1>, vector<16xi32>
      %broadcast_in_dim3A_1201 = vector.shape_cast %select_n3A_1200 : vector<16xi32> to vector<16x1xi32>
      %gather3A_1202 = vector.shape_cast %broadcast_in_dim3A_1201 : vector<16x1xi32> to vector<16xi32>
      %gather3A_1203 = tpu.dynamic_gather %add3A_1193[%gather3A_1202] in [0] : vector<16xf32>, vector<16xi32> -> vector<16xf32>
      %add3A_1204 = arith.addf %add3A_1193, %gather3A_1203 : vector<16xf32>
      %lt3A_1205 = arith.constant 0 : i32
      %lt3A_1206 = vector.broadcast %lt3A_1205 : i32 to vector<16xi32>
      %lt3A_1207 = arith.cmpi slt, %xor3A_49, %lt3A_1206 : vector<16xi32>
      %add3A_1208 = arith.constant 16 : i32
      %add3A_1209 = vector.broadcast %add3A_1208 : i32 to vector<16xi32>
      %add3A_1210 = arith.addi %xor3A_49, %add3A_1209 : vector<16xi32>
      %select_n3A_1211 = arith.select %lt3A_1207, %add3A_1210, %xor3A_49 : vector<16xi1>, vector<16xi32>
      %broadcast_in_dim3A_1212 = vector.shape_cast %select_n3A_1211 : vector<16xi32> to vector<16x1xi32>
      %gather3A_1213 = vector.shape_cast %broadcast_in_dim3A_1212 : vector<16x1xi32> to vector<16xi32>
      %gather3A_1214 = tpu.dynamic_gather %add3A_1204[%gather3A_1213] in [0] : vector<16xf32>, vector<16xi32> -> vector<16xf32>
      %add3A_1215 = arith.addf %add3A_1204, %gather3A_1214 : vector<16xf32>
      %lt3A_1216 = arith.constant 0 : i32
      %lt3A_1217 = vector.broadcast %lt3A_1216 : i32 to vector<16xi32>
      %lt3A_1218 = arith.cmpi slt, %xor3A_52, %lt3A_1217 : vector<16xi32>
      %add3A_1219 = arith.constant 16 : i32
      %add3A_1220 = vector.broadcast %add3A_1219 : i32 to vector<16xi32>
      %add3A_1221 = arith.addi %xor3A_52, %add3A_1220 : vector<16xi32>
      %select_n3A_1222 = arith.select %lt3A_1218, %add3A_1221, %xor3A_52 : vector<16xi1>, vector<16xi32>
      %broadcast_in_dim3A_1223 = vector.shape_cast %select_n3A_1222 : vector<16xi32> to vector<16x1xi32>
      %gather3A_1224 = vector.shape_cast %broadcast_in_dim3A_1223 : vector<16x1xi32> to vector<16xi32>
      %gather3A_1225 = tpu.dynamic_gather %add3A_1215[%gather3A_1224] in [0] : vector<16xf32>, vector<16xi32> -> vector<16xf32>
      %add3A_1226 = arith.addf %add3A_1215, %gather3A_1225 : vector<16xf32>
      %bitcast3A_1227 = vector.bitcast %add3A_1226 : vector<16xf32> to vector<16xi32>
      %shift_right_arithmetic3A_1228 = arith.constant 1 : i32
      %shift_right_arithmetic3A_1229 = vector.broadcast %shift_right_arithmetic3A_1228 : i32 to vector<16xi32>
      %shift_right_arithmetic3A_1230 = arith.shrsi %bitcast3A_1227, %shift_right_arithmetic3A_1229 : vector<16xi32>
      %sub3A_1231 = arith.constant 1597463007 : i32
      %sub3A_1232 = vector.broadcast %sub3A_1231 : i32 to vector<16xi32>
      %sub3A_1233 = arith.subi %sub3A_1232, %shift_right_arithmetic3A_1230 : vector<16xi32>
      %bitcast3A_1234 = vector.bitcast %sub3A_1233 : vector<16xi32> to vector<16xf32>
      %mul3A_1235 = arith.constant 5.000000e-01 : f32
      %mul3A_1236 = vector.broadcast %mul3A_1235 : f32 to vector<16xf32>
      %mul3A_1237 = arith.mulf %mul3A_1236, %add3A_1226 : vector<16xf32>
      %mul3A_1238 = arith.mulf %mul3A_1237, %bitcast3A_1234 : vector<16xf32>
      %mul3A_1239 = arith.mulf %mul3A_1238, %bitcast3A_1234 : vector<16xf32>
      %sub3A_1240 = arith.constant 1.500000e+00 : f32
      %sub3A_1241 = vector.broadcast %sub3A_1240 : f32 to vector<16xf32>
      %sub3A_1242 = arith.subf %sub3A_1241, %mul3A_1239 : vector<16xf32>
      %mul3A_1243 = arith.mulf %bitcast3A_1234, %sub3A_1242 : vector<16xf32>
      %mul3A_1244 = arith.mulf %mul3A_1237, %mul3A_1243 : vector<16xf32>
      %mul3A_1245 = arith.mulf %mul3A_1244, %mul3A_1243 : vector<16xf32>
      %sub3A_1246 = arith.constant 1.500000e+00 : f32
      %sub3A_1247 = vector.broadcast %sub3A_1246 : f32 to vector<16xf32>
      %sub3A_1248 = arith.subf %sub3A_1247, %mul3A_1245 : vector<16xf32>
      %mul3A_1249 = arith.mulf %mul3A_1243, %sub3A_1248 : vector<16xf32>
      %mul3A_1250 = arith.mulf %mul3A_1237, %mul3A_1249 : vector<16xf32>
      %mul3A_1251 = arith.mulf %mul3A_1250, %mul3A_1249 : vector<16xf32>
      %sub3A_1252 = arith.constant 1.500000e+00 : f32
      %sub3A_1253 = vector.broadcast %sub3A_1252 : f32 to vector<16xf32>
      %sub3A_1254 = arith.subf %sub3A_1253, %mul3A_1251 : vector<16xf32>
      %mul3A_1255 = arith.mulf %mul3A_1249, %sub3A_1254 : vector<16xf32>
      %gt3A_1256 = arith.constant 1.000000e+00 : f32
      %gt3A_1257 = vector.broadcast %gt3A_1256 : f32 to vector<16xf32>
      %gt3A_1258 = arith.cmpf ogt, %add3A_1226, %gt3A_1257 : vector<16xf32>
      %mul3A_1259 = arith.constant 1.000000e+00 : f32
      %mul3A_1260 = vector.broadcast %mul3A_1259 : f32 to vector<16xf32>
      %mul3A_1261 = arith.mulf %mul3A_1255, %mul3A_1260 : vector<16xf32>
      %jit3A_1262 = arith.constant 1.000000e+00 : f32
      %broadcast_in_dim3A_1263 = vector.broadcast %jit3A_1262 : f32 to vector<16xf32>
      %select_n3A_1264 = arith.select %gt3A_1258, %mul3A_1261, %broadcast_in_dim3A_1263 : vector<16xi1>, vector<16xf32>
      %mul3A_1265 = arith.mulf %get3A_1181, %select_n3A_1264 : vector<16xf32>
      %add3A_1266 = arith.addf %add3A_1176, %mul3A_1265 : vector<16xf32>
      %add3A_1267 = arith.constant 13 : i32
      %add3A_1268 = arith.addi %mul3A_104, %add3A_1267 : i32
      %get3A_1269 = arith.index_cast %add3A_1268 : i32 to index
      %get3A_1270 = arith.constant 0 : index
      %get3A_1271 = tpu.vector_load %arg6[%get3A_1269, %get3A_1270] {strides = array<i32>} : memref<640x16xf32, #tpu.memory_space<vmem>>, vector<16xf32>,
      %mul3A_1272 = arith.mulf %get3A_1271, %get3A_1271 : vector<16xf32>
      %lt3A_1273 = arith.constant 0 : i32
      %lt3A_1274 = vector.broadcast %lt3A_1273 : i32 to vector<16xi32>
      %lt3A_1275 = arith.cmpi slt, %xor3A_43, %lt3A_1274 : vector<16xi32>
      %add3A_1276 = arith.constant 16 : i32
      %add3A_1277 = vector.broadcast %add3A_1276 : i32 to vector<16xi32>
      %add3A_1278 = arith.addi %xor3A_43, %add3A_1277 : vector<16xi32>
      %select_n3A_1279 = arith.select %lt3A_1275, %add3A_1278, %xor3A_43 : vector<16xi1>, vector<16xi32>
      %broadcast_in_dim3A_1280 = vector.shape_cast %select_n3A_1279 : vector<16xi32> to vector<16x1xi32>
      %gather3A_1281 = vector.shape_cast %broadcast_in_dim3A_1280 : vector<16x1xi32> to vector<16xi32>
      %gather3A_1282 = tpu.dynamic_gather %mul3A_1272[%gather3A_1281] in [0] : vector<16xf32>, vector<16xi32> -> vector<16xf32>
      %add3A_1283 = arith.addf %mul3A_1272, %gather3A_1282 : vector<16xf32>
      %lt3A_1284 = arith.constant 0 : i32
      %lt3A_1285 = vector.broadcast %lt3A_1284 : i32 to vector<16xi32>
      %lt3A_1286 = arith.cmpi slt, %xor3A_46, %lt3A_1285 : vector<16xi32>
      %add3A_1287 = arith.constant 16 : i32
      %add3A_1288 = vector.broadcast %add3A_1287 : i32 to vector<16xi32>
      %add3A_1289 = arith.addi %xor3A_46, %add3A_1288 : vector<16xi32>
      %select_n3A_1290 = arith.select %lt3A_1286, %add3A_1289, %xor3A_46 : vector<16xi1>, vector<16xi32>
      %broadcast_in_dim3A_1291 = vector.shape_cast %select_n3A_1290 : vector<16xi32> to vector<16x1xi32>
      %gather3A_1292 = vector.shape_cast %broadcast_in_dim3A_1291 : vector<16x1xi32> to vector<16xi32>
      %gather3A_1293 = tpu.dynamic_gather %add3A_1283[%gather3A_1292] in [0] : vector<16xf32>, vector<16xi32> -> vector<16xf32>
      %add3A_1294 = arith.addf %add3A_1283, %gather3A_1293 : vector<16xf32>
      %lt3A_1295 = arith.constant 0 : i32
      %lt3A_1296 = vector.broadcast %lt3A_1295 : i32 to vector<16xi32>
      %lt3A_1297 = arith.cmpi slt, %xor3A_49, %lt3A_1296 : vector<16xi32>
      %add3A_1298 = arith.constant 16 : i32
      %add3A_1299 = vector.broadcast %add3A_1298 : i32 to vector<16xi32>
      %add3A_1300 = arith.addi %xor3A_49, %add3A_1299 : vector<16xi32>
      %select_n3A_1301 = arith.select %lt3A_1297, %add3A_1300, %xor3A_49 : vector<16xi1>, vector<16xi32>
      %broadcast_in_dim3A_1302 = vector.shape_cast %select_n3A_1301 : vector<16xi32> to vector<16x1xi32>
      %gather3A_1303 = vector.shape_cast %broadcast_in_dim3A_1302 : vector<16x1xi32> to vector<16xi32>
      %gather3A_1304 = tpu.dynamic_gather %add3A_1294[%gather3A_1303] in [0] : vector<16xf32>, vector<16xi32> -> vector<16xf32>
      %add3A_1305 = arith.addf %add3A_1294, %gather3A_1304 : vector<16xf32>
      %lt3A_1306 = arith.constant 0 : i32
      %lt3A_1307 = vector.broadcast %lt3A_1306 : i32 to vector<16xi32>
      %lt3A_1308 = arith.cmpi slt, %xor3A_52, %lt3A_1307 : vector<16xi32>
      %add3A_1309 = arith.constant 16 : i32
      %add3A_1310 = vector.broadcast %add3A_1309 : i32 to vector<16xi32>
      %add3A_1311 = arith.addi %xor3A_52, %add3A_1310 : vector<16xi32>
      %select_n3A_1312 = arith.select %lt3A_1308, %add3A_1311, %xor3A_52 : vector<16xi1>, vector<16xi32>
      %broadcast_in_dim3A_1313 = vector.shape_cast %select_n3A_1312 : vector<16xi32> to vector<16x1xi32>
      %gather3A_1314 = vector.shape_cast %broadcast_in_dim3A_1313 : vector<16x1xi32> to vector<16xi32>
      %gather3A_1315 = tpu.dynamic_gather %add3A_1305[%gather3A_1314] in [0] : vector<16xf32>, vector<16xi32> -> vector<16xf32>
      %add3A_1316 = arith.addf %add3A_1305, %gather3A_1315 : vector<16xf32>
      %bitcast3A_1317 = vector.bitcast %add3A_1316 : vector<16xf32> to vector<16xi32>
      %shift_right_arithmetic3A_1318 = arith.constant 1 : i32
      %shift_right_arithmetic3A_1319 = vector.broadcast %shift_right_arithmetic3A_1318 : i32 to vector<16xi32>
      %shift_right_arithmetic3A_1320 = arith.shrsi %bitcast3A_1317, %shift_right_arithmetic3A_1319 : vector<16xi32>
      %sub3A_1321 = arith.constant 1597463007 : i32
      %sub3A_1322 = vector.broadcast %sub3A_1321 : i32 to vector<16xi32>
      %sub3A_1323 = arith.subi %sub3A_1322, %shift_right_arithmetic3A_1320 : vector<16xi32>
      %bitcast3A_1324 = vector.bitcast %sub3A_1323 : vector<16xi32> to vector<16xf32>
      %mul3A_1325 = arith.constant 5.000000e-01 : f32
      %mul3A_1326 = vector.broadcast %mul3A_1325 : f32 to vector<16xf32>
      %mul3A_1327 = arith.mulf %mul3A_1326, %add3A_1316 : vector<16xf32>
      %mul3A_1328 = arith.mulf %mul3A_1327, %bitcast3A_1324 : vector<16xf32>
      %mul3A_1329 = arith.mulf %mul3A_1328, %bitcast3A_1324 : vector<16xf32>
      %sub3A_1330 = arith.constant 1.500000e+00 : f32
      %sub3A_1331 = vector.broadcast %sub3A_1330 : f32 to vector<16xf32>
      %sub3A_1332 = arith.subf %sub3A_1331, %mul3A_1329 : vector<16xf32>
      %mul3A_1333 = arith.mulf %bitcast3A_1324, %sub3A_1332 : vector<16xf32>
      %mul3A_1334 = arith.mulf %mul3A_1327, %mul3A_1333 : vector<16xf32>
      %mul3A_1335 = arith.mulf %mul3A_1334, %mul3A_1333 : vector<16xf32>
      %sub3A_1336 = arith.constant 1.500000e+00 : f32
      %sub3A_1337 = vector.broadcast %sub3A_1336 : f32 to vector<16xf32>
      %sub3A_1338 = arith.subf %sub3A_1337, %mul3A_1335 : vector<16xf32>
      %mul3A_1339 = arith.mulf %mul3A_1333, %sub3A_1338 : vector<16xf32>
      %mul3A_1340 = arith.mulf %mul3A_1327, %mul3A_1339 : vector<16xf32>
      %mul3A_1341 = arith.mulf %mul3A_1340, %mul3A_1339 : vector<16xf32>
      %sub3A_1342 = arith.constant 1.500000e+00 : f32
      %sub3A_1343 = vector.broadcast %sub3A_1342 : f32 to vector<16xf32>
      %sub3A_1344 = arith.subf %sub3A_1343, %mul3A_1341 : vector<16xf32>
      %mul3A_1345 = arith.mulf %mul3A_1339, %sub3A_1344 : vector<16xf32>
      %gt3A_1346 = arith.constant 1.000000e+00 : f32
      %gt3A_1347 = vector.broadcast %gt3A_1346 : f32 to vector<16xf32>
      %gt3A_1348 = arith.cmpf ogt, %add3A_1316, %gt3A_1347 : vector<16xf32>
      %mul3A_1349 = arith.constant 1.000000e+00 : f32
      %mul3A_1350 = vector.broadcast %mul3A_1349 : f32 to vector<16xf32>
      %mul3A_1351 = arith.mulf %mul3A_1345, %mul3A_1350 : vector<16xf32>
      %jit3A_1352 = arith.constant 1.000000e+00 : f32
      %broadcast_in_dim3A_1353 = vector.broadcast %jit3A_1352 : f32 to vector<16xf32>
      %select_n3A_1354 = arith.select %gt3A_1348, %mul3A_1351, %broadcast_in_dim3A_1353 : vector<16xi1>, vector<16xf32>
      %mul3A_1355 = arith.mulf %get3A_1271, %select_n3A_1354 : vector<16xf32>
      %add3A_1356 = arith.addf %add3A_1266, %mul3A_1355 : vector<16xf32>
      %add3A_1357 = arith.constant 14 : i32
      %add3A_1358 = arith.addi %mul3A_104, %add3A_1357 : i32
      %get3A_1359 = arith.index_cast %add3A_1358 : i32 to index
      %get3A_1360 = arith.constant 0 : index
      %get3A_1361 = tpu.vector_load %arg6[%get3A_1359, %get3A_1360] {strides = array<i32>} : memref<640x16xf32, #tpu.memory_space<vmem>>, vector<16xf32>,
      %mul3A_1362 = arith.mulf %get3A_1361, %get3A_1361 : vector<16xf32>
      %lt3A_1363 = arith.constant 0 : i32
      %lt3A_1364 = vector.broadcast %lt3A_1363 : i32 to vector<16xi32>
      %lt3A_1365 = arith.cmpi slt, %xor3A_43, %lt3A_1364 : vector<16xi32>
      %add3A_1366 = arith.constant 16 : i32
      %add3A_1367 = vector.broadcast %add3A_1366 : i32 to vector<16xi32>
      %add3A_1368 = arith.addi %xor3A_43, %add3A_1367 : vector<16xi32>
      %select_n3A_1369 = arith.select %lt3A_1365, %add3A_1368, %xor3A_43 : vector<16xi1>, vector<16xi32>
      %broadcast_in_dim3A_1370 = vector.shape_cast %select_n3A_1369 : vector<16xi32> to vector<16x1xi32>
      %gather3A_1371 = vector.shape_cast %broadcast_in_dim3A_1370 : vector<16x1xi32> to vector<16xi32>
      %gather3A_1372 = tpu.dynamic_gather %mul3A_1362[%gather3A_1371] in [0] : vector<16xf32>, vector<16xi32> -> vector<16xf32>
      %add3A_1373 = arith.addf %mul3A_1362, %gather3A_1372 : vector<16xf32>
      %lt3A_1374 = arith.constant 0 : i32
      %lt3A_1375 = vector.broadcast %lt3A_1374 : i32 to vector<16xi32>
      %lt3A_1376 = arith.cmpi slt, %xor3A_46, %lt3A_1375 : vector<16xi32>
      %add3A_1377 = arith.constant 16 : i32
      %add3A_1378 = vector.broadcast %add3A_1377 : i32 to vector<16xi32>
      %add3A_1379 = arith.addi %xor3A_46, %add3A_1378 : vector<16xi32>
      %select_n3A_1380 = arith.select %lt3A_1376, %add3A_1379, %xor3A_46 : vector<16xi1>, vector<16xi32>
      %broadcast_in_dim3A_1381 = vector.shape_cast %select_n3A_1380 : vector<16xi32> to vector<16x1xi32>
      %gather3A_1382 = vector.shape_cast %broadcast_in_dim3A_1381 : vector<16x1xi32> to vector<16xi32>
      %gather3A_1383 = tpu.dynamic_gather %add3A_1373[%gather3A_1382] in [0] : vector<16xf32>, vector<16xi32> -> vector<16xf32>
      %add3A_1384 = arith.addf %add3A_1373, %gather3A_1383 : vector<16xf32>
      %lt3A_1385 = arith.constant 0 : i32
      %lt3A_1386 = vector.broadcast %lt3A_1385 : i32 to vector<16xi32>
      %lt3A_1387 = arith.cmpi slt, %xor3A_49, %lt3A_1386 : vector<16xi32>
      %add3A_1388 = arith.constant 16 : i32
      %add3A_1389 = vector.broadcast %add3A_1388 : i32 to vector<16xi32>
      %add3A_1390 = arith.addi %xor3A_49, %add3A_1389 : vector<16xi32>
      %select_n3A_1391 = arith.select %lt3A_1387, %add3A_1390, %xor3A_49 : vector<16xi1>, vector<16xi32>
      %broadcast_in_dim3A_1392 = vector.shape_cast %select_n3A_1391 : vector<16xi32> to vector<16x1xi32>
      %gather3A_1393 = vector.shape_cast %broadcast_in_dim3A_1392 : vector<16x1xi32> to vector<16xi32>
      %gather3A_1394 = tpu.dynamic_gather %add3A_1384[%gather3A_1393] in [0] : vector<16xf32>, vector<16xi32> -> vector<16xf32>
      %add3A_1395 = arith.addf %add3A_1384, %gather3A_1394 : vector<16xf32>
      %lt3A_1396 = arith.constant 0 : i32
      %lt3A_1397 = vector.broadcast %lt3A_1396 : i32 to vector<16xi32>
      %lt3A_1398 = arith.cmpi slt, %xor3A_52, %lt3A_1397 : vector<16xi32>
      %add3A_1399 = arith.constant 16 : i32
      %add3A_1400 = vector.broadcast %add3A_1399 : i32 to vector<16xi32>
      %add3A_1401 = arith.addi %xor3A_52, %add3A_1400 : vector<16xi32>
      %select_n3A_1402 = arith.select %lt3A_1398, %add3A_1401, %xor3A_52 : vector<16xi1>, vector<16xi32>
      %broadcast_in_dim3A_1403 = vector.shape_cast %select_n3A_1402 : vector<16xi32> to vector<16x1xi32>
      %gather3A_1404 = vector.shape_cast %broadcast_in_dim3A_1403 : vector<16x1xi32> to vector<16xi32>
      %gather3A_1405 = tpu.dynamic_gather %add3A_1395[%gather3A_1404] in [0] : vector<16xf32>, vector<16xi32> -> vector<16xf32>
      %add3A_1406 = arith.addf %add3A_1395, %gather3A_1405 : vector<16xf32>
      %bitcast3A_1407 = vector.bitcast %add3A_1406 : vector<16xf32> to vector<16xi32>
      %shift_right_arithmetic3A_1408 = arith.constant 1 : i32
      %shift_right_arithmetic3A_1409 = vector.broadcast %shift_right_arithmetic3A_1408 : i32 to vector<16xi32>
      %shift_right_arithmetic3A_1410 = arith.shrsi %bitcast3A_1407, %shift_right_arithmetic3A_1409 : vector<16xi32>
      %sub3A_1411 = arith.constant 1597463007 : i32
      %sub3A_1412 = vector.broadcast %sub3A_1411 : i32 to vector<16xi32>
      %sub3A_1413 = arith.subi %sub3A_1412, %shift_right_arithmetic3A_1410 : vector<16xi32>
      %bitcast3A_1414 = vector.bitcast %sub3A_1413 : vector<16xi32> to vector<16xf32>
      %mul3A_1415 = arith.constant 5.000000e-01 : f32
      %mul3A_1416 = vector.broadcast %mul3A_1415 : f32 to vector<16xf32>
      %mul3A_1417 = arith.mulf %mul3A_1416, %add3A_1406 : vector<16xf32>
      %mul3A_1418 = arith.mulf %mul3A_1417, %bitcast3A_1414 : vector<16xf32>
      %mul3A_1419 = arith.mulf %mul3A_1418, %bitcast3A_1414 : vector<16xf32>
      %sub3A_1420 = arith.constant 1.500000e+00 : f32
      %sub3A_1421 = vector.broadcast %sub3A_1420 : f32 to vector<16xf32>
      %sub3A_1422 = arith.subf %sub3A_1421, %mul3A_1419 : vector<16xf32>
      %mul3A_1423 = arith.mulf %bitcast3A_1414, %sub3A_1422 : vector<16xf32>
      %mul3A_1424 = arith.mulf %mul3A_1417, %mul3A_1423 : vector<16xf32>
      %mul3A_1425 = arith.mulf %mul3A_1424, %mul3A_1423 : vector<16xf32>
      %sub3A_1426 = arith.constant 1.500000e+00 : f32
      %sub3A_1427 = vector.broadcast %sub3A_1426 : f32 to vector<16xf32>
      %sub3A_1428 = arith.subf %sub3A_1427, %mul3A_1425 : vector<16xf32>
      %mul3A_1429 = arith.mulf %mul3A_1423, %sub3A_1428 : vector<16xf32>
      %mul3A_1430 = arith.mulf %mul3A_1417, %mul3A_1429 : vector<16xf32>
      %mul3A_1431 = arith.mulf %mul3A_1430, %mul3A_1429 : vector<16xf32>
      %sub3A_1432 = arith.constant 1.500000e+00 : f32
      %sub3A_1433 = vector.broadcast %sub3A_1432 : f32 to vector<16xf32>
      %sub3A_1434 = arith.subf %sub3A_1433, %mul3A_1431 : vector<16xf32>
      %mul3A_1435 = arith.mulf %mul3A_1429, %sub3A_1434 : vector<16xf32>
      %gt3A_1436 = arith.constant 1.000000e+00 : f32
      %gt3A_1437 = vector.broadcast %gt3A_1436 : f32 to vector<16xf32>
      %gt3A_1438 = arith.cmpf ogt, %add3A_1406, %gt3A_1437 : vector<16xf32>
      %mul3A_1439 = arith.constant 1.000000e+00 : f32
      %mul3A_1440 = vector.broadcast %mul3A_1439 : f32 to vector<16xf32>
      %mul3A_1441 = arith.mulf %mul3A_1435, %mul3A_1440 : vector<16xf32>
      %jit3A_1442 = arith.constant 1.000000e+00 : f32
      %broadcast_in_dim3A_1443 = vector.broadcast %jit3A_1442 : f32 to vector<16xf32>
      %select_n3A_1444 = arith.select %gt3A_1438, %mul3A_1441, %broadcast_in_dim3A_1443 : vector<16xi1>, vector<16xf32>
      %mul3A_1445 = arith.mulf %get3A_1361, %select_n3A_1444 : vector<16xf32>
      %add3A_1446 = arith.addf %add3A_1356, %mul3A_1445 : vector<16xf32>
      %add3A_1447 = arith.constant 15 : i32
      %add3A_1448 = arith.addi %mul3A_104, %add3A_1447 : i32
      %get3A_1449 = arith.index_cast %add3A_1448 : i32 to index
      %get3A_1450 = arith.constant 0 : index
      %get3A_1451 = tpu.vector_load %arg6[%get3A_1449, %get3A_1450] {strides = array<i32>} : memref<640x16xf32, #tpu.memory_space<vmem>>, vector<16xf32>,
      %mul3A_1452 = arith.mulf %get3A_1451, %get3A_1451 : vector<16xf32>
      %lt3A_1453 = arith.constant 0 : i32
      %lt3A_1454 = vector.broadcast %lt3A_1453 : i32 to vector<16xi32>
      %lt3A_1455 = arith.cmpi slt, %xor3A_43, %lt3A_1454 : vector<16xi32>
      %add3A_1456 = arith.constant 16 : i32
      %add3A_1457 = vector.broadcast %add3A_1456 : i32 to vector<16xi32>
      %add3A_1458 = arith.addi %xor3A_43, %add3A_1457 : vector<16xi32>
      %select_n3A_1459 = arith.select %lt3A_1455, %add3A_1458, %xor3A_43 : vector<16xi1>, vector<16xi32>
      %broadcast_in_dim3A_1460 = vector.shape_cast %select_n3A_1459 : vector<16xi32> to vector<16x1xi32>
      %gather3A_1461 = vector.shape_cast %broadcast_in_dim3A_1460 : vector<16x1xi32> to vector<16xi32>
      %gather3A_1462 = tpu.dynamic_gather %mul3A_1452[%gather3A_1461] in [0] : vector<16xf32>, vector<16xi32> -> vector<16xf32>
      %add3A_1463 = arith.addf %mul3A_1452, %gather3A_1462 : vector<16xf32>
      %lt3A_1464 = arith.constant 0 : i32
      %lt3A_1465 = vector.broadcast %lt3A_1464 : i32 to vector<16xi32>
      %lt3A_1466 = arith.cmpi slt, %xor3A_46, %lt3A_1465 : vector<16xi32>
      %add3A_1467 = arith.constant 16 : i32
      %add3A_1468 = vector.broadcast %add3A_1467 : i32 to vector<16xi32>
      %add3A_1469 = arith.addi %xor3A_46, %add3A_1468 : vector<16xi32>
      %select_n3A_1470 = arith.select %lt3A_1466, %add3A_1469, %xor3A_46 : vector<16xi1>, vector<16xi32>
      %broadcast_in_dim3A_1471 = vector.shape_cast %select_n3A_1470 : vector<16xi32> to vector<16x1xi32>
      %gather3A_1472 = vector.shape_cast %broadcast_in_dim3A_1471 : vector<16x1xi32> to vector<16xi32>
      %gather3A_1473 = tpu.dynamic_gather %add3A_1463[%gather3A_1472] in [0] : vector<16xf32>, vector<16xi32> -> vector<16xf32>
      %add3A_1474 = arith.addf %add3A_1463, %gather3A_1473 : vector<16xf32>
      %lt3A_1475 = arith.constant 0 : i32
      %lt3A_1476 = vector.broadcast %lt3A_1475 : i32 to vector<16xi32>
      %lt3A_1477 = arith.cmpi slt, %xor3A_49, %lt3A_1476 : vector<16xi32>
      %add3A_1478 = arith.constant 16 : i32
      %add3A_1479 = vector.broadcast %add3A_1478 : i32 to vector<16xi32>
      %add3A_1480 = arith.addi %xor3A_49, %add3A_1479 : vector<16xi32>
      %select_n3A_1481 = arith.select %lt3A_1477, %add3A_1480, %xor3A_49 : vector<16xi1>, vector<16xi32>
      %broadcast_in_dim3A_1482 = vector.shape_cast %select_n3A_1481 : vector<16xi32> to vector<16x1xi32>
      %gather3A_1483 = vector.shape_cast %broadcast_in_dim3A_1482 : vector<16x1xi32> to vector<16xi32>
      %gather3A_1484 = tpu.dynamic_gather %add3A_1474[%gather3A_1483] in [0] : vector<16xf32>, vector<16xi32> -> vector<16xf32>
      %add3A_1485 = arith.addf %add3A_1474, %gather3A_1484 : vector<16xf32>
      %lt3A_1486 = arith.constant 0 : i32
      %lt3A_1487 = vector.broadcast %lt3A_1486 : i32 to vector<16xi32>
      %lt3A_1488 = arith.cmpi slt, %xor3A_52, %lt3A_1487 : vector<16xi32>
      %add3A_1489 = arith.constant 16 : i32
      %add3A_1490 = vector.broadcast %add3A_1489 : i32 to vector<16xi32>
      %add3A_1491 = arith.addi %xor3A_52, %add3A_1490 : vector<16xi32>
      %select_n3A_1492 = arith.select %lt3A_1488, %add3A_1491, %xor3A_52 : vector<16xi1>, vector<16xi32>
      %broadcast_in_dim3A_1493 = vector.shape_cast %select_n3A_1492 : vector<16xi32> to vector<16x1xi32>
      %gather3A_1494 = vector.shape_cast %broadcast_in_dim3A_1493 : vector<16x1xi32> to vector<16xi32>
      %gather3A_1495 = tpu.dynamic_gather %add3A_1485[%gather3A_1494] in [0] : vector<16xf32>, vector<16xi32> -> vector<16xf32>
      %add3A_1496 = arith.addf %add3A_1485, %gather3A_1495 : vector<16xf32>
      %bitcast3A_1497 = vector.bitcast %add3A_1496 : vector<16xf32> to vector<16xi32>
      %shift_right_arithmetic3A_1498 = arith.constant 1 : i32
      %shift_right_arithmetic3A_1499 = vector.broadcast %shift_right_arithmetic3A_1498 : i32 to vector<16xi32>
      %shift_right_arithmetic3A_1500 = arith.shrsi %bitcast3A_1497, %shift_right_arithmetic3A_1499 : vector<16xi32>
      %sub3A_1501 = arith.constant 1597463007 : i32
      %sub3A_1502 = vector.broadcast %sub3A_1501 : i32 to vector<16xi32>
      %sub3A_1503 = arith.subi %sub3A_1502, %shift_right_arithmetic3A_1500 : vector<16xi32>
      %bitcast3A_1504 = vector.bitcast %sub3A_1503 : vector<16xi32> to vector<16xf32>
      %mul3A_1505 = arith.constant 5.000000e-01 : f32
      %mul3A_1506 = vector.broadcast %mul3A_1505 : f32 to vector<16xf32>
      %mul3A_1507 = arith.mulf %mul3A_1506, %add3A_1496 : vector<16xf32>
      %mul3A_1508 = arith.mulf %mul3A_1507, %bitcast3A_1504 : vector<16xf32>
      %mul3A_1509 = arith.mulf %mul3A_1508, %bitcast3A_1504 : vector<16xf32>
      %sub3A_1510 = arith.constant 1.500000e+00 : f32
      %sub3A_1511 = vector.broadcast %sub3A_1510 : f32 to vector<16xf32>
      %sub3A_1512 = arith.subf %sub3A_1511, %mul3A_1509 : vector<16xf32>
      %mul3A_1513 = arith.mulf %bitcast3A_1504, %sub3A_1512 : vector<16xf32>
      %mul3A_1514 = arith.mulf %mul3A_1507, %mul3A_1513 : vector<16xf32>
      %mul3A_1515 = arith.mulf %mul3A_1514, %mul3A_1513 : vector<16xf32>
      %sub3A_1516 = arith.constant 1.500000e+00 : f32
      %sub3A_1517 = vector.broadcast %sub3A_1516 : f32 to vector<16xf32>
      %sub3A_1518 = arith.subf %sub3A_1517, %mul3A_1515 : vector<16xf32>
      %mul3A_1519 = arith.mulf %mul3A_1513, %sub3A_1518 : vector<16xf32>
      %mul3A_1520 = arith.mulf %mul3A_1507, %mul3A_1519 : vector<16xf32>
      %mul3A_1521 = arith.mulf %mul3A_1520, %mul3A_1519 : vector<16xf32>
      %sub3A_1522 = arith.constant 1.500000e+00 : f32
      %sub3A_1523 = vector.broadcast %sub3A_1522 : f32 to vector<16xf32>
      %sub3A_1524 = arith.subf %sub3A_1523, %mul3A_1521 : vector<16xf32>
      %mul3A_1525 = arith.mulf %mul3A_1519, %sub3A_1524 : vector<16xf32>
      %gt3A_1526 = arith.constant 1.000000e+00 : f32
      %gt3A_1527 = vector.broadcast %gt3A_1526 : f32 to vector<16xf32>
      %gt3A_1528 = arith.cmpf ogt, %add3A_1496, %gt3A_1527 : vector<16xf32>
      %mul3A_1529 = arith.constant 1.000000e+00 : f32
      %mul3A_1530 = vector.broadcast %mul3A_1529 : f32 to vector<16xf32>
      %mul3A_1531 = arith.mulf %mul3A_1525, %mul3A_1530 : vector<16xf32>
      %jit3A_1532 = arith.constant 1.000000e+00 : f32
      %broadcast_in_dim3A_1533 = vector.broadcast %jit3A_1532 : f32 to vector<16xf32>
      %select_n3A_1534 = arith.select %gt3A_1528, %mul3A_1531, %broadcast_in_dim3A_1533 : vector<16xi1>, vector<16xf32>
      %mul3A_1535 = arith.mulf %get3A_1451, %select_n3A_1534 : vector<16xf32>
      %add3A_1536 = arith.addf %add3A_1446, %mul3A_1535 : vector<16xf32>
      %add3A_1537 = arith.constant 16 : i32
      %add3A_1538 = arith.addi %mul3A_104, %add3A_1537 : i32
      %get3A_1539 = arith.index_cast %add3A_1538 : i32 to index
      %get3A_1540 = arith.constant 0 : index
      %get3A_1541 = tpu.vector_load %arg6[%get3A_1539, %get3A_1540] {strides = array<i32>} : memref<640x16xf32, #tpu.memory_space<vmem>>, vector<16xf32>,
      %mul3A_1542 = arith.mulf %get3A_1541, %get3A_1541 : vector<16xf32>
      %lt3A_1543 = arith.constant 0 : i32
      %lt3A_1544 = vector.broadcast %lt3A_1543 : i32 to vector<16xi32>
      %lt3A_1545 = arith.cmpi slt, %xor3A_43, %lt3A_1544 : vector<16xi32>
      %add3A_1546 = arith.constant 16 : i32
      %add3A_1547 = vector.broadcast %add3A_1546 : i32 to vector<16xi32>
      %add3A_1548 = arith.addi %xor3A_43, %add3A_1547 : vector<16xi32>
      %select_n3A_1549 = arith.select %lt3A_1545, %add3A_1548, %xor3A_43 : vector<16xi1>, vector<16xi32>
      %broadcast_in_dim3A_1550 = vector.shape_cast %select_n3A_1549 : vector<16xi32> to vector<16x1xi32>
      %gather3A_1551 = vector.shape_cast %broadcast_in_dim3A_1550 : vector<16x1xi32> to vector<16xi32>
      %gather3A_1552 = tpu.dynamic_gather %mul3A_1542[%gather3A_1551] in [0] : vector<16xf32>, vector<16xi32> -> vector<16xf32>
      %add3A_1553 = arith.addf %mul3A_1542, %gather3A_1552 : vector<16xf32>
      %lt3A_1554 = arith.constant 0 : i32
      %lt3A_1555 = vector.broadcast %lt3A_1554 : i32 to vector<16xi32>
      %lt3A_1556 = arith.cmpi slt, %xor3A_46, %lt3A_1555 : vector<16xi32>
      %add3A_1557 = arith.constant 16 : i32
      %add3A_1558 = vector.broadcast %add3A_1557 : i32 to vector<16xi32>
      %add3A_1559 = arith.addi %xor3A_46, %add3A_1558 : vector<16xi32>
      %select_n3A_1560 = arith.select %lt3A_1556, %add3A_1559, %xor3A_46 : vector<16xi1>, vector<16xi32>
      %broadcast_in_dim3A_1561 = vector.shape_cast %select_n3A_1560 : vector<16xi32> to vector<16x1xi32>
      %gather3A_1562 = vector.shape_cast %broadcast_in_dim3A_1561 : vector<16x1xi32> to vector<16xi32>
      %gather3A_1563 = tpu.dynamic_gather %add3A_1553[%gather3A_1562] in [0] : vector<16xf32>, vector<16xi32> -> vector<16xf32>
      %add3A_1564 = arith.addf %add3A_1553, %gather3A_1563 : vector<16xf32>
      %lt3A_1565 = arith.constant 0 : i32
      %lt3A_1566 = vector.broadcast %lt3A_1565 : i32 to vector<16xi32>
      %lt3A_1567 = arith.cmpi slt, %xor3A_49, %lt3A_1566 : vector<16xi32>
      %add3A_1568 = arith.constant 16 : i32
      %add3A_1569 = vector.broadcast %add3A_1568 : i32 to vector<16xi32>
      %add3A_1570 = arith.addi %xor3A_49, %add3A_1569 : vector<16xi32>
      %select_n3A_1571 = arith.select %lt3A_1567, %add3A_1570, %xor3A_49 : vector<16xi1>, vector<16xi32>
      %broadcast_in_dim3A_1572 = vector.shape_cast %select_n3A_1571 : vector<16xi32> to vector<16x1xi32>
      %gather3A_1573 = vector.shape_cast %broadcast_in_dim3A_1572 : vector<16x1xi32> to vector<16xi32>
      %gather3A_1574 = tpu.dynamic_gather %add3A_1564[%gather3A_1573] in [0] : vector<16xf32>, vector<16xi32> -> vector<16xf32>
      %add3A_1575 = arith.addf %add3A_1564, %gather3A_1574 : vector<16xf32>
      %lt3A_1576 = arith.constant 0 : i32
      %lt3A_1577 = vector.broadcast %lt3A_1576 : i32 to vector<16xi32>
      %lt3A_1578 = arith.cmpi slt, %xor3A_52, %lt3A_1577 : vector<16xi32>
      %add3A_1579 = arith.constant 16 : i32
      %add3A_1580 = vector.broadcast %add3A_1579 : i32 to vector<16xi32>
      %add3A_1581 = arith.addi %xor3A_52, %add3A_1580 : vector<16xi32>
      %select_n3A_1582 = arith.select %lt3A_1578, %add3A_1581, %xor3A_52 : vector<16xi1>, vector<16xi32>
      %broadcast_in_dim3A_1583 = vector.shape_cast %select_n3A_1582 : vector<16xi32> to vector<16x1xi32>
      %gather3A_1584 = vector.shape_cast %broadcast_in_dim3A_1583 : vector<16x1xi32> to vector<16xi32>
      %gather3A_1585 = tpu.dynamic_gather %add3A_1575[%gather3A_1584] in [0] : vector<16xf32>, vector<16xi32> -> vector<16xf32>
      %add3A_1586 = arith.addf %add3A_1575, %gather3A_1585 : vector<16xf32>
      %bitcast3A_1587 = vector.bitcast %add3A_1586 : vector<16xf32> to vector<16xi32>
      %shift_right_arithmetic3A_1588 = arith.constant 1 : i32
      %shift_right_arithmetic3A_1589 = vector.broadcast %shift_right_arithmetic3A_1588 : i32 to vector<16xi32>
      %shift_right_arithmetic3A_1590 = arith.shrsi %bitcast3A_1587, %shift_right_arithmetic3A_1589 : vector<16xi32>
      %sub3A_1591 = arith.constant 1597463007 : i32
      %sub3A_1592 = vector.broadcast %sub3A_1591 : i32 to vector<16xi32>
      %sub3A_1593 = arith.subi %sub3A_1592, %shift_right_arithmetic3A_1590 : vector<16xi32>
      %bitcast3A_1594 = vector.bitcast %sub3A_1593 : vector<16xi32> to vector<16xf32>
      %mul3A_1595 = arith.constant 5.000000e-01 : f32
      %mul3A_1596 = vector.broadcast %mul3A_1595 : f32 to vector<16xf32>
      %mul3A_1597 = arith.mulf %mul3A_1596, %add3A_1586 : vector<16xf32>
      %mul3A_1598 = arith.mulf %mul3A_1597, %bitcast3A_1594 : vector<16xf32>
      %mul3A_1599 = arith.mulf %mul3A_1598, %bitcast3A_1594 : vector<16xf32>
      %sub3A_1600 = arith.constant 1.500000e+00 : f32
      %sub3A_1601 = vector.broadcast %sub3A_1600 : f32 to vector<16xf32>
      %sub3A_1602 = arith.subf %sub3A_1601, %mul3A_1599 : vector<16xf32>
      %mul3A_1603 = arith.mulf %bitcast3A_1594, %sub3A_1602 : vector<16xf32>
      %mul3A_1604 = arith.mulf %mul3A_1597, %mul3A_1603 : vector<16xf32>
      %mul3A_1605 = arith.mulf %mul3A_1604, %mul3A_1603 : vector<16xf32>
      %sub3A_1606 = arith.constant 1.500000e+00 : f32
      %sub3A_1607 = vector.broadcast %sub3A_1606 : f32 to vector<16xf32>
      %sub3A_1608 = arith.subf %sub3A_1607, %mul3A_1605 : vector<16xf32>
      %mul3A_1609 = arith.mulf %mul3A_1603, %sub3A_1608 : vector<16xf32>
      %mul3A_1610 = arith.mulf %mul3A_1597, %mul3A_1609 : vector<16xf32>
      %mul3A_1611 = arith.mulf %mul3A_1610, %mul3A_1609 : vector<16xf32>
      %sub3A_1612 = arith.constant 1.500000e+00 : f32
      %sub3A_1613 = vector.broadcast %sub3A_1612 : f32 to vector<16xf32>
      %sub3A_1614 = arith.subf %sub3A_1613, %mul3A_1611 : vector<16xf32>
      %mul3A_1615 = arith.mulf %mul3A_1609, %sub3A_1614 : vector<16xf32>
      %gt3A_1616 = arith.constant 1.000000e+00 : f32
      %gt3A_1617 = vector.broadcast %gt3A_1616 : f32 to vector<16xf32>
      %gt3A_1618 = arith.cmpf ogt, %add3A_1586, %gt3A_1617 : vector<16xf32>
      %mul3A_1619 = arith.constant 1.000000e+00 : f32
      %mul3A_1620 = vector.broadcast %mul3A_1619 : f32 to vector<16xf32>
      %mul3A_1621 = arith.mulf %mul3A_1615, %mul3A_1620 : vector<16xf32>
      %jit3A_1622 = arith.constant 1.000000e+00 : f32
      %broadcast_in_dim3A_1623 = vector.broadcast %jit3A_1622 : f32 to vector<16xf32>
      %select_n3A_1624 = arith.select %gt3A_1618, %mul3A_1621, %broadcast_in_dim3A_1623 : vector<16xi1>, vector<16xf32>
      %mul3A_1625 = arith.mulf %get3A_1541, %select_n3A_1624 : vector<16xf32>
      %add3A_1626 = arith.addf %add3A_1536, %mul3A_1625 : vector<16xf32>
      %add3A_1627 = arith.constant 17 : i32
      %add3A_1628 = arith.addi %mul3A_104, %add3A_1627 : i32
      %get3A_1629 = arith.index_cast %add3A_1628 : i32 to index
      %get3A_1630 = arith.constant 0 : index
      %get3A_1631 = tpu.vector_load %arg6[%get3A_1629, %get3A_1630] {strides = array<i32>} : memref<640x16xf32, #tpu.memory_space<vmem>>, vector<16xf32>,
      %mul3A_1632 = arith.mulf %get3A_1631, %get3A_1631 : vector<16xf32>
      %lt3A_1633 = arith.constant 0 : i32
      %lt3A_1634 = vector.broadcast %lt3A_1633 : i32 to vector<16xi32>
      %lt3A_1635 = arith.cmpi slt, %xor3A_43, %lt3A_1634 : vector<16xi32>
      %add3A_1636 = arith.constant 16 : i32
      %add3A_1637 = vector.broadcast %add3A_1636 : i32 to vector<16xi32>
      %add3A_1638 = arith.addi %xor3A_43, %add3A_1637 : vector<16xi32>
      %select_n3A_1639 = arith.select %lt3A_1635, %add3A_1638, %xor3A_43 : vector<16xi1>, vector<16xi32>
      %broadcast_in_dim3A_1640 = vector.shape_cast %select_n3A_1639 : vector<16xi32> to vector<16x1xi32>
      %gather3A_1641 = vector.shape_cast %broadcast_in_dim3A_1640 : vector<16x1xi32> to vector<16xi32>
      %gather3A_1642 = tpu.dynamic_gather %mul3A_1632[%gather3A_1641] in [0] : vector<16xf32>, vector<16xi32> -> vector<16xf32>
      %add3A_1643 = arith.addf %mul3A_1632, %gather3A_1642 : vector<16xf32>
      %lt3A_1644 = arith.constant 0 : i32
      %lt3A_1645 = vector.broadcast %lt3A_1644 : i32 to vector<16xi32>
      %lt3A_1646 = arith.cmpi slt, %xor3A_46, %lt3A_1645 : vector<16xi32>
      %add3A_1647 = arith.constant 16 : i32
      %add3A_1648 = vector.broadcast %add3A_1647 : i32 to vector<16xi32>
      %add3A_1649 = arith.addi %xor3A_46, %add3A_1648 : vector<16xi32>
      %select_n3A_1650 = arith.select %lt3A_1646, %add3A_1649, %xor3A_46 : vector<16xi1>, vector<16xi32>
      %broadcast_in_dim3A_1651 = vector.shape_cast %select_n3A_1650 : vector<16xi32> to vector<16x1xi32>
      %gather3A_1652 = vector.shape_cast %broadcast_in_dim3A_1651 : vector<16x1xi32> to vector<16xi32>
      %gather3A_1653 = tpu.dynamic_gather %add3A_1643[%gather3A_1652] in [0] : vector<16xf32>, vector<16xi32> -> vector<16xf32>
      %add3A_1654 = arith.addf %add3A_1643, %gather3A_1653 : vector<16xf32>
      %lt3A_1655 = arith.constant 0 : i32
      %lt3A_1656 = vector.broadcast %lt3A_1655 : i32 to vector<16xi32>
      %lt3A_1657 = arith.cmpi slt, %xor3A_49, %lt3A_1656 : vector<16xi32>
      %add3A_1658 = arith.constant 16 : i32
      %add3A_1659 = vector.broadcast %add3A_1658 : i32 to vector<16xi32>
      %add3A_1660 = arith.addi %xor3A_49, %add3A_1659 : vector<16xi32>
      %select_n3A_1661 = arith.select %lt3A_1657, %add3A_1660, %xor3A_49 : vector<16xi1>, vector<16xi32>
      %broadcast_in_dim3A_1662 = vector.shape_cast %select_n3A_1661 : vector<16xi32> to vector<16x1xi32>
      %gather3A_1663 = vector.shape_cast %broadcast_in_dim3A_1662 : vector<16x1xi32> to vector<16xi32>
      %gather3A_1664 = tpu.dynamic_gather %add3A_1654[%gather3A_1663] in [0] : vector<16xf32>, vector<16xi32> -> vector<16xf32>
      %add3A_1665 = arith.addf %add3A_1654, %gather3A_1664 : vector<16xf32>
      %lt3A_1666 = arith.constant 0 : i32
      %lt3A_1667 = vector.broadcast %lt3A_1666 : i32 to vector<16xi32>
      %lt3A_1668 = arith.cmpi slt, %xor3A_52, %lt3A_1667 : vector<16xi32>
      %add3A_1669 = arith.constant 16 : i32
      %add3A_1670 = vector.broadcast %add3A_1669 : i32 to vector<16xi32>
      %add3A_1671 = arith.addi %xor3A_52, %add3A_1670 : vector<16xi32>
      %select_n3A_1672 = arith.select %lt3A_1668, %add3A_1671, %xor3A_52 : vector<16xi1>, vector<16xi32>
      %broadcast_in_dim3A_1673 = vector.shape_cast %select_n3A_1672 : vector<16xi32> to vector<16x1xi32>
      %gather3A_1674 = vector.shape_cast %broadcast_in_dim3A_1673 : vector<16x1xi32> to vector<16xi32>
      %gather3A_1675 = tpu.dynamic_gather %add3A_1665[%gather3A_1674] in [0] : vector<16xf32>, vector<16xi32> -> vector<16xf32>
      %add3A_1676 = arith.addf %add3A_1665, %gather3A_1675 : vector<16xf32>
      %bitcast3A_1677 = vector.bitcast %add3A_1676 : vector<16xf32> to vector<16xi32>
      %shift_right_arithmetic3A_1678 = arith.constant 1 : i32
      %shift_right_arithmetic3A_1679 = vector.broadcast %shift_right_arithmetic3A_1678 : i32 to vector<16xi32>
      %shift_right_arithmetic3A_1680 = arith.shrsi %bitcast3A_1677, %shift_right_arithmetic3A_1679 : vector<16xi32>
      %sub3A_1681 = arith.constant 1597463007 : i32
      %sub3A_1682 = vector.broadcast %sub3A_1681 : i32 to vector<16xi32>
      %sub3A_1683 = arith.subi %sub3A_1682, %shift_right_arithmetic3A_1680 : vector<16xi32>
      %bitcast3A_1684 = vector.bitcast %sub3A_1683 : vector<16xi32> to vector<16xf32>
      %mul3A_1685 = arith.constant 5.000000e-01 : f32
      %mul3A_1686 = vector.broadcast %mul3A_1685 : f32 to vector<16xf32>
      %mul3A_1687 = arith.mulf %mul3A_1686, %add3A_1676 : vector<16xf32>
      %mul3A_1688 = arith.mulf %mul3A_1687, %bitcast3A_1684 : vector<16xf32>
      %mul3A_1689 = arith.mulf %mul3A_1688, %bitcast3A_1684 : vector<16xf32>
      %sub3A_1690 = arith.constant 1.500000e+00 : f32
      %sub3A_1691 = vector.broadcast %sub3A_1690 : f32 to vector<16xf32>
      %sub3A_1692 = arith.subf %sub3A_1691, %mul3A_1689 : vector<16xf32>
      %mul3A_1693 = arith.mulf %bitcast3A_1684, %sub3A_1692 : vector<16xf32>
      %mul3A_1694 = arith.mulf %mul3A_1687, %mul3A_1693 : vector<16xf32>
      %mul3A_1695 = arith.mulf %mul3A_1694, %mul3A_1693 : vector<16xf32>
      %sub3A_1696 = arith.constant 1.500000e+00 : f32
      %sub3A_1697 = vector.broadcast %sub3A_1696 : f32 to vector<16xf32>
      %sub3A_1698 = arith.subf %sub3A_1697, %mul3A_1695 : vector<16xf32>
      %mul3A_1699 = arith.mulf %mul3A_1693, %sub3A_1698 : vector<16xf32>
      %mul3A_1700 = arith.mulf %mul3A_1687, %mul3A_1699 : vector<16xf32>
      %mul3A_1701 = arith.mulf %mul3A_1700, %mul3A_1699 : vector<16xf32>
      %sub3A_1702 = arith.constant 1.500000e+00 : f32
      %sub3A_1703 = vector.broadcast %sub3A_1702 : f32 to vector<16xf32>
      %sub3A_1704 = arith.subf %sub3A_1703, %mul3A_1701 : vector<16xf32>
      %mul3A_1705 = arith.mulf %mul3A_1699, %sub3A_1704 : vector<16xf32>
      %gt3A_1706 = arith.constant 1.000000e+00 : f32
      %gt3A_1707 = vector.broadcast %gt3A_1706 : f32 to vector<16xf32>
      %gt3A_1708 = arith.cmpf ogt, %add3A_1676, %gt3A_1707 : vector<16xf32>
      %mul3A_1709 = arith.constant 1.000000e+00 : f32
      %mul3A_1710 = vector.broadcast %mul3A_1709 : f32 to vector<16xf32>
      %mul3A_1711 = arith.mulf %mul3A_1705, %mul3A_1710 : vector<16xf32>
      %jit3A_1712 = arith.constant 1.000000e+00 : f32
      %broadcast_in_dim3A_1713 = vector.broadcast %jit3A_1712 : f32 to vector<16xf32>
      %select_n3A_1714 = arith.select %gt3A_1708, %mul3A_1711, %broadcast_in_dim3A_1713 : vector<16xi1>, vector<16xf32>
      %mul3A_1715 = arith.mulf %get3A_1631, %select_n3A_1714 : vector<16xf32>
      %add3A_1716 = arith.addf %add3A_1626, %mul3A_1715 : vector<16xf32>
      %add3A_1717 = arith.constant 18 : i32
      %add3A_1718 = arith.addi %mul3A_104, %add3A_1717 : i32
      %get3A_1719 = arith.index_cast %add3A_1718 : i32 to index
      %get3A_1720 = arith.constant 0 : index
      %get3A_1721 = tpu.vector_load %arg6[%get3A_1719, %get3A_1720] {strides = array<i32>} : memref<640x16xf32, #tpu.memory_space<vmem>>, vector<16xf32>,
      %mul3A_1722 = arith.mulf %get3A_1721, %get3A_1721 : vector<16xf32>
      %lt3A_1723 = arith.constant 0 : i32
      %lt3A_1724 = vector.broadcast %lt3A_1723 : i32 to vector<16xi32>
      %lt3A_1725 = arith.cmpi slt, %xor3A_43, %lt3A_1724 : vector<16xi32>
      %add3A_1726 = arith.constant 16 : i32
      %add3A_1727 = vector.broadcast %add3A_1726 : i32 to vector<16xi32>
      %add3A_1728 = arith.addi %xor3A_43, %add3A_1727 : vector<16xi32>
      %select_n3A_1729 = arith.select %lt3A_1725, %add3A_1728, %xor3A_43 : vector<16xi1>, vector<16xi32>
      %broadcast_in_dim3A_1730 = vector.shape_cast %select_n3A_1729 : vector<16xi32> to vector<16x1xi32>
      %gather3A_1731 = vector.shape_cast %broadcast_in_dim3A_1730 : vector<16x1xi32> to vector<16xi32>
      %gather3A_1732 = tpu.dynamic_gather %mul3A_1722[%gather3A_1731] in [0] : vector<16xf32>, vector<16xi32> -> vector<16xf32>
      %add3A_1733 = arith.addf %mul3A_1722, %gather3A_1732 : vector<16xf32>
      %lt3A_1734 = arith.constant 0 : i32
      %lt3A_1735 = vector.broadcast %lt3A_1734 : i32 to vector<16xi32>
      %lt3A_1736 = arith.cmpi slt, %xor3A_46, %lt3A_1735 : vector<16xi32>
      %add3A_1737 = arith.constant 16 : i32
      %add3A_1738 = vector.broadcast %add3A_1737 : i32 to vector<16xi32>
      %add3A_1739 = arith.addi %xor3A_46, %add3A_1738 : vector<16xi32>
      %select_n3A_1740 = arith.select %lt3A_1736, %add3A_1739, %xor3A_46 : vector<16xi1>, vector<16xi32>
      %broadcast_in_dim3A_1741 = vector.shape_cast %select_n3A_1740 : vector<16xi32> to vector<16x1xi32>
      %gather3A_1742 = vector.shape_cast %broadcast_in_dim3A_1741 : vector<16x1xi32> to vector<16xi32>
      %gather3A_1743 = tpu.dynamic_gather %add3A_1733[%gather3A_1742] in [0] : vector<16xf32>, vector<16xi32> -> vector<16xf32>
      %add3A_1744 = arith.addf %add3A_1733, %gather3A_1743 : vector<16xf32>
      %lt3A_1745 = arith.constant 0 : i32
      %lt3A_1746 = vector.broadcast %lt3A_1745 : i32 to vector<16xi32>
      %lt3A_1747 = arith.cmpi slt, %xor3A_49, %lt3A_1746 : vector<16xi32>
      %add3A_1748 = arith.constant 16 : i32
      %add3A_1749 = vector.broadcast %add3A_1748 : i32 to vector<16xi32>
      %add3A_1750 = arith.addi %xor3A_49, %add3A_1749 : vector<16xi32>
      %select_n3A_1751 = arith.select %lt3A_1747, %add3A_1750, %xor3A_49 : vector<16xi1>, vector<16xi32>
      %broadcast_in_dim3A_1752 = vector.shape_cast %select_n3A_1751 : vector<16xi32> to vector<16x1xi32>
      %gather3A_1753 = vector.shape_cast %broadcast_in_dim3A_1752 : vector<16x1xi32> to vector<16xi32>
      %gather3A_1754 = tpu.dynamic_gather %add3A_1744[%gather3A_1753] in [0] : vector<16xf32>, vector<16xi32> -> vector<16xf32>
      %add3A_1755 = arith.addf %add3A_1744, %gather3A_1754 : vector<16xf32>
      %lt3A_1756 = arith.constant 0 : i32
      %lt3A_1757 = vector.broadcast %lt3A_1756 : i32 to vector<16xi32>
      %lt3A_1758 = arith.cmpi slt, %xor3A_52, %lt3A_1757 : vector<16xi32>
      %add3A_1759 = arith.constant 16 : i32
      %add3A_1760 = vector.broadcast %add3A_1759 : i32 to vector<16xi32>
      %add3A_1761 = arith.addi %xor3A_52, %add3A_1760 : vector<16xi32>
      %select_n3A_1762 = arith.select %lt3A_1758, %add3A_1761, %xor3A_52 : vector<16xi1>, vector<16xi32>
      %broadcast_in_dim3A_1763 = vector.shape_cast %select_n3A_1762 : vector<16xi32> to vector<16x1xi32>
      %gather3A_1764 = vector.shape_cast %broadcast_in_dim3A_1763 : vector<16x1xi32> to vector<16xi32>
      %gather3A_1765 = tpu.dynamic_gather %add3A_1755[%gather3A_1764] in [0] : vector<16xf32>, vector<16xi32> -> vector<16xf32>
      %add3A_1766 = arith.addf %add3A_1755, %gather3A_1765 : vector<16xf32>
      %bitcast3A_1767 = vector.bitcast %add3A_1766 : vector<16xf32> to vector<16xi32>
      %shift_right_arithmetic3A_1768 = arith.constant 1 : i32
      %shift_right_arithmetic3A_1769 = vector.broadcast %shift_right_arithmetic3A_1768 : i32 to vector<16xi32>
      %shift_right_arithmetic3A_1770 = arith.shrsi %bitcast3A_1767, %shift_right_arithmetic3A_1769 : vector<16xi32>
      %sub3A_1771 = arith.constant 1597463007 : i32
      %sub3A_1772 = vector.broadcast %sub3A_1771 : i32 to vector<16xi32>
      %sub3A_1773 = arith.subi %sub3A_1772, %shift_right_arithmetic3A_1770 : vector<16xi32>
      %bitcast3A_1774 = vector.bitcast %sub3A_1773 : vector<16xi32> to vector<16xf32>
      %mul3A_1775 = arith.constant 5.000000e-01 : f32
      %mul3A_1776 = vector.broadcast %mul3A_1775 : f32 to vector<16xf32>
      %mul3A_1777 = arith.mulf %mul3A_1776, %add3A_1766 : vector<16xf32>
      %mul3A_1778 = arith.mulf %mul3A_1777, %bitcast3A_1774 : vector<16xf32>
      %mul3A_1779 = arith.mulf %mul3A_1778, %bitcast3A_1774 : vector<16xf32>
      %sub3A_1780 = arith.constant 1.500000e+00 : f32
      %sub3A_1781 = vector.broadcast %sub3A_1780 : f32 to vector<16xf32>
      %sub3A_1782 = arith.subf %sub3A_1781, %mul3A_1779 : vector<16xf32>
      %mul3A_1783 = arith.mulf %bitcast3A_1774, %sub3A_1782 : vector<16xf32>
      %mul3A_1784 = arith.mulf %mul3A_1777, %mul3A_1783 : vector<16xf32>
      %mul3A_1785 = arith.mulf %mul3A_1784, %mul3A_1783 : vector<16xf32>
      %sub3A_1786 = arith.constant 1.500000e+00 : f32
      %sub3A_1787 = vector.broadcast %sub3A_1786 : f32 to vector<16xf32>
      %sub3A_1788 = arith.subf %sub3A_1787, %mul3A_1785 : vector<16xf32>
      %mul3A_1789 = arith.mulf %mul3A_1783, %sub3A_1788 : vector<16xf32>
      %mul3A_1790 = arith.mulf %mul3A_1777, %mul3A_1789 : vector<16xf32>
      %mul3A_1791 = arith.mulf %mul3A_1790, %mul3A_1789 : vector<16xf32>
      %sub3A_1792 = arith.constant 1.500000e+00 : f32
      %sub3A_1793 = vector.broadcast %sub3A_1792 : f32 to vector<16xf32>
      %sub3A_1794 = arith.subf %sub3A_1793, %mul3A_1791 : vector<16xf32>
      %mul3A_1795 = arith.mulf %mul3A_1789, %sub3A_1794 : vector<16xf32>
      %gt3A_1796 = arith.constant 1.000000e+00 : f32
      %gt3A_1797 = vector.broadcast %gt3A_1796 : f32 to vector<16xf32>
      %gt3A_1798 = arith.cmpf ogt, %add3A_1766, %gt3A_1797 : vector<16xf32>
      %mul3A_1799 = arith.constant 1.000000e+00 : f32
      %mul3A_1800 = vector.broadcast %mul3A_1799 : f32 to vector<16xf32>
      %mul3A_1801 = arith.mulf %mul3A_1795, %mul3A_1800 : vector<16xf32>
      %jit3A_1802 = arith.constant 1.000000e+00 : f32
      %broadcast_in_dim3A_1803 = vector.broadcast %jit3A_1802 : f32 to vector<16xf32>
      %select_n3A_1804 = arith.select %gt3A_1798, %mul3A_1801, %broadcast_in_dim3A_1803 : vector<16xi1>, vector<16xf32>
      %mul3A_1805 = arith.mulf %get3A_1721, %select_n3A_1804 : vector<16xf32>
      %add3A_1806 = arith.addf %add3A_1716, %mul3A_1805 : vector<16xf32>
      %add3A_1807 = arith.constant 19 : i32
      %add3A_1808 = arith.addi %mul3A_104, %add3A_1807 : i32
      %get3A_1809 = arith.index_cast %add3A_1808 : i32 to index
      %get3A_1810 = arith.constant 0 : index
      %get3A_1811 = tpu.vector_load %arg6[%get3A_1809, %get3A_1810] {strides = array<i32>} : memref<640x16xf32, #tpu.memory_space<vmem>>, vector<16xf32>,
      %mul3A_1812 = arith.mulf %get3A_1811, %get3A_1811 : vector<16xf32>
      %lt3A_1813 = arith.constant 0 : i32
      %lt3A_1814 = vector.broadcast %lt3A_1813 : i32 to vector<16xi32>
      %lt3A_1815 = arith.cmpi slt, %xor3A_43, %lt3A_1814 : vector<16xi32>
      %add3A_1816 = arith.constant 16 : i32
      %add3A_1817 = vector.broadcast %add3A_1816 : i32 to vector<16xi32>
      %add3A_1818 = arith.addi %xor3A_43, %add3A_1817 : vector<16xi32>
      %select_n3A_1819 = arith.select %lt3A_1815, %add3A_1818, %xor3A_43 : vector<16xi1>, vector<16xi32>
      %broadcast_in_dim3A_1820 = vector.shape_cast %select_n3A_1819 : vector<16xi32> to vector<16x1xi32>
      %gather3A_1821 = vector.shape_cast %broadcast_in_dim3A_1820 : vector<16x1xi32> to vector<16xi32>
      %gather3A_1822 = tpu.dynamic_gather %mul3A_1812[%gather3A_1821] in [0] : vector<16xf32>, vector<16xi32> -> vector<16xf32>
      %add3A_1823 = arith.addf %mul3A_1812, %gather3A_1822 : vector<16xf32>
      %lt3A_1824 = arith.constant 0 : i32
      %lt3A_1825 = vector.broadcast %lt3A_1824 : i32 to vector<16xi32>
      %lt3A_1826 = arith.cmpi slt, %xor3A_46, %lt3A_1825 : vector<16xi32>
      %add3A_1827 = arith.constant 16 : i32
      %add3A_1828 = vector.broadcast %add3A_1827 : i32 to vector<16xi32>
      %add3A_1829 = arith.addi %xor3A_46, %add3A_1828 : vector<16xi32>
      %select_n3A_1830 = arith.select %lt3A_1826, %add3A_1829, %xor3A_46 : vector<16xi1>, vector<16xi32>
      %broadcast_in_dim3A_1831 = vector.shape_cast %select_n3A_1830 : vector<16xi32> to vector<16x1xi32>
      %gather3A_1832 = vector.shape_cast %broadcast_in_dim3A_1831 : vector<16x1xi32> to vector<16xi32>
      %gather3A_1833 = tpu.dynamic_gather %add3A_1823[%gather3A_1832] in [0] : vector<16xf32>, vector<16xi32> -> vector<16xf32>
      %add3A_1834 = arith.addf %add3A_1823, %gather3A_1833 : vector<16xf32>
      %lt3A_1835 = arith.constant 0 : i32
      %lt3A_1836 = vector.broadcast %lt3A_1835 : i32 to vector<16xi32>
      %lt3A_1837 = arith.cmpi slt, %xor3A_49, %lt3A_1836 : vector<16xi32>
      %add3A_1838 = arith.constant 16 : i32
      %add3A_1839 = vector.broadcast %add3A_1838 : i32 to vector<16xi32>
      %add3A_1840 = arith.addi %xor3A_49, %add3A_1839 : vector<16xi32>
      %select_n3A_1841 = arith.select %lt3A_1837, %add3A_1840, %xor3A_49 : vector<16xi1>, vector<16xi32>
      %broadcast_in_dim3A_1842 = vector.shape_cast %select_n3A_1841 : vector<16xi32> to vector<16x1xi32>
      %gather3A_1843 = vector.shape_cast %broadcast_in_dim3A_1842 : vector<16x1xi32> to vector<16xi32>
      %gather3A_1844 = tpu.dynamic_gather %add3A_1834[%gather3A_1843] in [0] : vector<16xf32>, vector<16xi32> -> vector<16xf32>
      %add3A_1845 = arith.addf %add3A_1834, %gather3A_1844 : vector<16xf32>
      %lt3A_1846 = arith.constant 0 : i32
      %lt3A_1847 = vector.broadcast %lt3A_1846 : i32 to vector<16xi32>
      %lt3A_1848 = arith.cmpi slt, %xor3A_52, %lt3A_1847 : vector<16xi32>
      %add3A_1849 = arith.constant 16 : i32
      %add3A_1850 = vector.broadcast %add3A_1849 : i32 to vector<16xi32>
      %add3A_1851 = arith.addi %xor3A_52, %add3A_1850 : vector<16xi32>
      %select_n3A_1852 = arith.select %lt3A_1848, %add3A_1851, %xor3A_52 : vector<16xi1>, vector<16xi32>
      %broadcast_in_dim3A_1853 = vector.shape_cast %select_n3A_1852 : vector<16xi32> to vector<16x1xi32>
      %gather3A_1854 = vector.shape_cast %broadcast_in_dim3A_1853 : vector<16x1xi32> to vector<16xi32>
      %gather3A_1855 = tpu.dynamic_gather %add3A_1845[%gather3A_1854] in [0] : vector<16xf32>, vector<16xi32> -> vector<16xf32>
      %add3A_1856 = arith.addf %add3A_1845, %gather3A_1855 : vector<16xf32>
      %bitcast3A_1857 = vector.bitcast %add3A_1856 : vector<16xf32> to vector<16xi32>
      %shift_right_arithmetic3A_1858 = arith.constant 1 : i32
      %shift_right_arithmetic3A_1859 = vector.broadcast %shift_right_arithmetic3A_1858 : i32 to vector<16xi32>
      %shift_right_arithmetic3A_1860 = arith.shrsi %bitcast3A_1857, %shift_right_arithmetic3A_1859 : vector<16xi32>
      %sub3A_1861 = arith.constant 1597463007 : i32
      %sub3A_1862 = vector.broadcast %sub3A_1861 : i32 to vector<16xi32>
      %sub3A_1863 = arith.subi %sub3A_1862, %shift_right_arithmetic3A_1860 : vector<16xi32>
      %bitcast3A_1864 = vector.bitcast %sub3A_1863 : vector<16xi32> to vector<16xf32>
      %mul3A_1865 = arith.constant 5.000000e-01 : f32
      %mul3A_1866 = vector.broadcast %mul3A_1865 : f32 to vector<16xf32>
      %mul3A_1867 = arith.mulf %mul3A_1866, %add3A_1856 : vector<16xf32>
      %mul3A_1868 = arith.mulf %mul3A_1867, %bitcast3A_1864 : vector<16xf32>
      %mul3A_1869 = arith.mulf %mul3A_1868, %bitcast3A_1864 : vector<16xf32>
      %sub3A_1870 = arith.constant 1.500000e+00 : f32
      %sub3A_1871 = vector.broadcast %sub3A_1870 : f32 to vector<16xf32>
      %sub3A_1872 = arith.subf %sub3A_1871, %mul3A_1869 : vector<16xf32>
      %mul3A_1873 = arith.mulf %bitcast3A_1864, %sub3A_1872 : vector<16xf32>
      %mul3A_1874 = arith.mulf %mul3A_1867, %mul3A_1873 : vector<16xf32>
      %mul3A_1875 = arith.mulf %mul3A_1874, %mul3A_1873 : vector<16xf32>
      %sub3A_1876 = arith.constant 1.500000e+00 : f32
      %sub3A_1877 = vector.broadcast %sub3A_1876 : f32 to vector<16xf32>
      %sub3A_1878 = arith.subf %sub3A_1877, %mul3A_1875 : vector<16xf32>
      %mul3A_1879 = arith.mulf %mul3A_1873, %sub3A_1878 : vector<16xf32>
      %mul3A_1880 = arith.mulf %mul3A_1867, %mul3A_1879 : vector<16xf32>
      %mul3A_1881 = arith.mulf %mul3A_1880, %mul3A_1879 : vector<16xf32>
      %sub3A_1882 = arith.constant 1.500000e+00 : f32
      %sub3A_1883 = vector.broadcast %sub3A_1882 : f32 to vector<16xf32>
      %sub3A_1884 = arith.subf %sub3A_1883, %mul3A_1881 : vector<16xf32>
      %mul3A_1885 = arith.mulf %mul3A_1879, %sub3A_1884 : vector<16xf32>
      %gt3A_1886 = arith.constant 1.000000e+00 : f32
      %gt3A_1887 = vector.broadcast %gt3A_1886 : f32 to vector<16xf32>
      %gt3A_1888 = arith.cmpf ogt, %add3A_1856, %gt3A_1887 : vector<16xf32>
      %mul3A_1889 = arith.constant 1.000000e+00 : f32
      %mul3A_1890 = vector.broadcast %mul3A_1889 : f32 to vector<16xf32>
      %mul3A_1891 = arith.mulf %mul3A_1885, %mul3A_1890 : vector<16xf32>
      %jit3A_1892 = arith.constant 1.000000e+00 : f32
      %broadcast_in_dim3A_1893 = vector.broadcast %jit3A_1892 : f32 to vector<16xf32>
      %select_n3A_1894 = arith.select %gt3A_1888, %mul3A_1891, %broadcast_in_dim3A_1893 : vector<16xi1>, vector<16xf32>
      %mul3A_1895 = arith.mulf %get3A_1811, %select_n3A_1894 : vector<16xf32>
      %add3A_1896 = arith.addf %add3A_1806, %mul3A_1895 : vector<16xf32>
      %mul3A_1897 = vector.broadcast %scan3A : f32 to vector<16xf32>
      %mul3A_1898 = arith.mulf %add3A_1896, %mul3A_1897 : vector<16xf32>
      %swap3A = arith.index_cast %scan3A_101 : i32 to index
      %swap3A_1899 = arith.constant 0 : index
      %swap3A_1900 = tpu.vector_load %arg7[%swap3A, %swap3A_1899] {strides = array<i32>} : memref<32x16xf32, #tpu.memory_space<vmem>>, vector<16xf32>,
      tpu.vector_store %arg7[%swap3A, %swap3A_1899], %mul3A_1898 {strides = array<i32>} : memref<32x16xf32, #tpu.memory_space<vmem>>, vector<16xf32>,
      %scan3A_1901 = arith.constant 0 : i32
      scf.yield %scan3A_1901 : i32
    }
    %scan3A_98 = arith.constant 32 : i32
    %mul3A_99 = arith.constant 32 : i32
    %mul3A_100 = arith.muli %add3A, %mul3A_99 : i32
    "tpu.region"() ({
      %run_scoped3A = tpu.sem_alloc : memref<!tpu.dma_semaphore, #tpu.memory_space<semaphore_mem>>
      %dma_start3A_101 = arith.constant 0 : i32
      %dma_start3A_102 = tpu.memref_slice %arg4[%mul3A_100, %dma_start3A_101] : memref<1024x16xf32, #tpu.memory_space<hbm>> -> memref<32x16xf32, #tpu.memory_space<hbm>>
      %dma_start3A_103 = arith.constant 0 : i32
      %dma_start3A_104 = tpu.memref_slice %arg4[%mul3A_100, %dma_start3A_103] : memref<1024x16xf32, #tpu.memory_space<hbm>> -> memref<32x16xf32, #tpu.memory_space<hbm>>
      tpu.enqueue_dma source(%arg7 : memref<32x16xf32, #tpu.memory_space<vmem>>) target(%dma_start3A_104 : memref<32x16xf32, #tpu.memory_space<hbm>>) target_semaphore(%run_scoped3A : memref<!tpu.dma_semaphore, #tpu.memory_space<semaphore_mem>>)
      %dma_wait3A_105 = arith.constant 0 : i32
      %dma_wait3A_106 = tpu.memref_slice %arg4[%mul3A_100, %dma_wait3A_105] : memref<1024x16xf32, #tpu.memory_space<hbm>> -> memref<32x16xf32, #tpu.memory_space<hbm>>
      %dma_wait3A_107 = arith.constant 0 : i32
      %dma_wait3A_108 = tpu.memref_slice %arg4[%mul3A_100, %dma_wait3A_107] : memref<1024x16xf32, #tpu.memory_space<hbm>> -> memref<32x16xf32, #tpu.memory_space<hbm>>
      tpu.wait_dma2 semaphore(%run_scoped3A : memref<!tpu.dma_semaphore, #tpu.memory_space<semaphore_mem>>) src(%arg7 : memref<32x16xf32, #tpu.memory_space<vmem>>) dst(%dma_wait3A_108 : memref<32x16xf32, #tpu.memory_space<hbm>>)
      tpu.yield
    }) : () -> ()
    return
  }
}

module attributes {stable_mosaic.version = 14 : i64} {
  func.func @mm_body(%arg0: i32, %arg1: memref<1024x17xf32, #tpu.memory_space<vmem>>, %arg2: memref<17x2048xf32, #tpu.memory_space<vmem>>, %arg3: memref<2048x1024xf32, #tpu.memory_space<vmem>>) attributes {dimension_semantics = [#tpu.dimension_semantics<arbitrary>], iteration_bounds = array<i64: 49>, scalar_prefetch = 0 : i64, scratch_operands = 0 : i64, tpu.core_type = #tpu.core_type<tc>, window_params = [{pipeline_mode = #tpu.pipeline_mode<synchronous>, transform_indices = @transform_0, window_bounds = array<i64: 1024, 17>}, {transform_indices = @transform_1, window_bounds = array<i64: 17, 2048>}, {transform_indices = @transform_2, window_bounds = array<i64: 2048, 1024>}]} {
    %get3A = arith.constant 0 : index
    %get3A_0 = arith.constant 0 : index
    %get3A_1 = vector.load %arg2[%get3A, %get3A_0] : memref<17x2048xf32, #tpu.memory_space<vmem>>, vector<17x2048xf32>
    %get3A_2 = arith.constant 0 : index
    %get3A_3 = arith.constant 0 : index
    %get3A_4 = vector.load %arg1[%get3A_2, %get3A_3] : memref<1024x17xf32, #tpu.memory_space<vmem>>, vector<1024x17xf32>
    %dot_general3A = arith.constant dense<0.000000e+00> : vector<2048x1024xf32>
    %dot_general3A_5 = tpu.matmul %get3A_1, %get3A_4, %dot_general3A {dimension_numbers = #tpu.dot_dimension_numbers<[0], [1], [1], [0], [0, 1, 1, 0], [], []>, transpose_lhs_hint = false} : vector<17x2048xf32>, vector<1024x17xf32>, vector<2048x1024xf32> -> vector<2048x1024xf32>
    %swap3A = arith.constant 0 : index
    %swap3A_6 = arith.constant 0 : index
    %swap3A_7 = vector.load %arg3[%swap3A, %swap3A_6] : memref<2048x1024xf32, #tpu.memory_space<vmem>>, vector<2048x1024xf32>
    tpu.vector_store %arg3[%swap3A, %swap3A_6], %dot_general3A_5 {strides = array<i32>} : memref<2048x1024xf32, #tpu.memory_space<vmem>>, vector<2048x1024xf32>,
    return
  }
  func.func @transform_0(%arg0: i32) -> (i32, i32) {
    %c0_i32 = arith.constant 0 : i32
    %c0_i32_0 = arith.constant 0 : i32
    %c0_i32_1 = arith.constant 0 : i32
    return %c0_i32, %c0_i32_0 : i32, i32
  }
  func.func @transform_1(%arg0: i32) -> (i32, i32) {
    %c0_i32 = arith.constant 0 : i32
    %c0_i32_0 = arith.constant 0 : i32
    return %c0_i32, %arg0 : i32, i32
  }
  func.func @transform_2(%arg0: i32) -> (i32, i32) {
    %c0_i32 = arith.constant 0 : i32
    %c0_i32_0 = arith.constant 0 : i32
    return %arg0, %c0_i32 : i32, i32
  }
}

</mosaic_0001>

<sc_bundles>
// kernel: kernel.4.cloned.1.call-start
scs
__scs_entry_jumppad:
0x0: {  	(pc) =	sbr.rel $0x88, $3  }
0x1: {  	(tag) =	ssettag $0x0;
	lr =	simm.s32 $0x1  }
0x2: {  	[smem:$0x3F9D] =	sst lr;
	_ =	strace $0xD0000000  }
0x3: {  	_ = 	snop  }
0x4: {  	_ = 	snop  }
0x5: {  	_ = 	snop  }
0x6: {  	_ = 	snop  }
0x7: {  	_ = 	snop  }
__scs_overlays_trampoline_lowered:
0x8: {  	[smem:$0x3FAC] =	sst s0  }
0x9: {  	[smem:$0x3FAD] =	sst s1  }
0xa: {  	[smem:$0x3FAE] =	sst s2  }
0xb: {  	[smem:$0x3FAF] =	sst s3  }
0xc: {  	[smem:$0x3FB0] =	sst s4  }
0xd: {  	[smem:$0x3FB1] =	sst s5  }
0xe: {  	[smem:$0x3FB2] =	sst s6  }
0xf: {  	[smem:$0x3FB3] =	sst s7  }
0x10: {  	[smem:$0x3FB4] =	sst s8  }
0x11: {  	[smem:$0x3FB5] =	sst s9;
	s0 =	simm.s32 @!p0 $0x0  }
0x12: {  	s1 =	sld [smem:$0x3F9B];
	s0 =	simm.s32 @p0 $0x1  }
0x13: {  	[smem:$0x3FB6] =	sst s0;
	s0 =	simm.s32 @!p1 $0x0  }
0x14: {  	s2 =	sld [smem:$0x3F9A];
	s0 =	simm.s32 @p1 $0x1  }
0x15: {  	[smem:$0x3FB7] =	sst s0;
	s0 =	simm.s32 @!p2 $0x0  }
0x16: {  	s3 =	sld [smem:$0x3FDB];
	s0 =	simm.s32 @p2 $0x1  }
0x17: {  	s4 =	simm.s32 $0x1BF5;
	[smem:$0x3FB9] =	sst s0  }
0x18: {  	s0 =	sld [smem:$0x3F9C];
	_ =	swait.ge [sflag:s4], $0x0  }
0x19: {  	s7 =	sld [smem:$0x3F9D]  }
0x1a: {  	s8 =	sadd.s32 $0xFFFFE003, lr  }
0x1b: {  	s9 =	sadd.s32 $0xFFFFFEF7, lr;
	s5 =	simm.s32 $0xFFFFFFFF;
	p2 =	slt.u32 s8, $0xFFFFF086  }
0x1c: {  	p1 =	slt.u32 s9, $0xF7A;
	s5 =	simm.s32 @!p2 $0x0  }
0x1d: {  	s5 =	simm.s32 @p1 $0x1;
	p0 =	seq.s32 s7, s2  }
0x1e: {  	s7 =	smul.u32 @!p0 $0xF7A, s2;
	p2 =	seq.s32 @!p0 s5, $0x0  }
0x1f: {  	s9 =	smul.u32 $0xF7A, s1;
	s8 =	simm.s32 @!p0 $0x1BF5;
	p2 =	por !p2, p0  }
0x20: {  	[sflag:s8] =	ssyncset.s32 @!p0 $0xFFFFF086;
	s6 =	sadd.s32 @!p0 s3, s7;
	s7 =	simm.s32 @!p0 $0x108  }
0x21: {  	s3 =	sadd.s32 s3, s9;
	s6 =	sadd.s32 @!p0 $0x88, s6;
	s7 =	simm.s32 @p2 $0x1082  }
0x22: {  	[simem:s7], [sflag:s8] =	dma.local @!p0 [hbm:s6], $0xF7A  }
0x23: {  	s9 =	sor.u32 $0xD0000000, s2;
	s6 =	simm.s32 $0x108;
	_ =	swait.ge @!p0 [sflag:s8], $0x0  }
0x24: {  	s3 =	sadd.s32 $0x88, s3;
	s6 =	simm.s32 @!p1 $0x1082;
	[sflag:s4] =	ssyncset.s32 $0xFFFFF086  }
0x25: {  	[simem:s6], [sflag:s4] =	dma.local [hbm:s3], $0xF7A  }
0x26: {  	[smem:$0x3F9D] =	sst s1;
	(tag) =	ssettag s2;
	_ =	strace s9  }
0x27: {  	s1 =	sld [smem:$0x3FAD]  }
0x28: {  	s2 =	sld [smem:$0x3FAE]  }
0x29: {  	s4 =	sld [smem:$0x3FB0]  }
0x2a: {  	p0 =	seq.s32 s5, $0x0;
	s5 =	sld [smem:$0x3FB1]  }
0x2b: {  	s6 =	sld [smem:$0x3FB2]  }
0x2c: {  	s7 =	sld [smem:$0x3FB3]  }
0x2d: {  	s3 =	simm.s32 $0x108;
	s8 =	sld [smem:$0x3FB4]  }
0x2e: {  	s3 =	simm.s32 @!p0 $0x1082;
	s9 =	sld [smem:$0x3FB5]  }
0x2f: {  	lr =	sadd.s32 s0, s3;
	s0 =	sld [smem:$0x3FAC]  }
0x30: {  	s3 =	sld [smem:$0x3FAF]  }
0x31: {  	[smem:$0x3FB8] =	sst s10  }
0x32: {  	s10 =	sld [smem:$0x3FB6];
	_ =	sdelay $0x3  }
0x33: {  	p0 =	seq.s32 s10, $0x1;
	s10 =	sld [smem:$0x3FB8];
	_ =	sdelay $0x3  }
0x34: {  	[smem:$0x3FB8] =	sst s10  }
0x35: {  	s10 =	sld [smem:$0x3FB7];
	_ =	sdelay $0x3  }
0x36: {  	p1 =	seq.s32 s10, $0x1;
	s10 =	sld [smem:$0x3FB8];
	_ =	sdelay $0x3  }
0x37: {  	[smem:$0x3FB8] =	sst s10  }
0x38: {  	s10 =	sld [smem:$0x3FB9]  }
0x39: {  	_ = 	snop;
	(pc) =	sbr.ind lr, $3  }
0x3a: {  	_ = 	snop  }
0x3b: {  	_ = 	snop  }
0x3c: {  	p2 =	seq.s32 s10, $0x1;
	s10 =	sld [smem:$0x3FB8]  }
0x3d: {  	_ =	shalt  }
0x3e: {  	_ =	shalt  }
0x3f: {  	_ =	shalt  }
0x40: {  	_ =	shalt  }
0x41: {  	_ =	shalt  }
0x42: {  	_ =	shalt  }
0x43: {  	_ =	shalt  }
0x44: {  	_ =	shalt  }
0x45: {  	_ =	shalt  }
0x46: {  	_ =	shalt  }
0x47: {  	_ =	shalt  }
0x48: {  	_ =	shalt  }
0x49: {  	_ =	shalt  }
0x4a: {  	_ =	shalt  }
0x4b: {  	_ =	shalt  }
0x4c: {  	_ =	shalt  }
0x4d: {  	_ =	shalt  }
0x4e: {  	_ =	shalt  }
0x4f: {  	_ =	shalt  }
0x50: {  	_ =	shalt  }
0x51: {  	_ =	shalt  }
0x52: {  	_ =	shalt  }
0x53: {  	_ =	shalt  }
0x54: {  	_ =	shalt  }
0x55: {  	_ =	shalt  }
0x56: {  	_ =	shalt  }
0x57: {  	_ =	shalt  }
0x58: {  	_ =	shalt  }
0x59: {  	_ =	shalt  }
0x5a: {  	_ =	shalt  }
0x5b: {  	_ =	shalt  }
0x5c: {  	_ =	shalt  }
0x5d: {  	_ =	shalt  }
0x5e: {  	_ =	shalt  }
0x5f: {  	_ =	shalt  }
0x60: {  	_ =	shalt  }
0x61: {  	_ =	shalt  }
0x62: {  	_ =	shalt  }
0x63: {  	_ =	shalt  }
0x64: {  	_ =	shalt  }
0x65: {  	_ =	shalt  }
0x66: {  	_ =	shalt  }
0x67: {  	_ =	shalt  }
0x68: {  	_ =	shalt  }
0x69: {  	_ =	shalt  }
0x6a: {  	_ =	shalt  }
0x6b: {  	_ =	shalt  }
0x6c: {  	_ =	shalt  }
0x6d: {  	_ =	shalt  }
0x6e: {  	_ =	shalt  }
0x6f: {  	_ =	shalt  }
0x70: {  	_ =	shalt  }
0x71: {  	_ =	shalt  }
0x72: {  	_ =	shalt  }
0x73: {  	_ =	shalt  }
0x74: {  	_ =	shalt  }
0x75: {  	_ =	shalt  }
0x76: {  	_ =	shalt  }
0x77: {  	_ =	shalt  }
0x78: {  	_ =	shalt  }
0x79: {  	_ =	shalt  }
0x7a: {  	_ =	shalt  }
0x7b: {  	_ =	shalt  }
0x7c: {  	_ =	shalt  }
0x7d: {  	_ =	shalt  }
0x7e: {  	_ =	shalt  }
0x7f: {  	_ =	shalt  }
0x80: {  	_ =	shalt  }
0x81: {  	_ =	shalt  }
0x82: {  	_ =	shalt  }
0x83: {  	_ =	shalt  }
0x84: {  	_ =	shalt  }
0x85: {  	_ =	shalt  }
0x86: {  	_ =	shalt  }
0x87: {  	_ =	shalt  }
.Lfunc_end0:
.L_simem_size_0:
called_computation_lowered:
.L_overlay_start_0:
0x88: {  	s2 =	sld [smem:$0x3FD9]  }
0x89: {  	s3 =	sld [smem:$0x3FFE];
	_ =	sdelay $0x1  }
0x8a: {  	s1 =	srdreg.scid  }
0x8b: {  	s0 =	sand.u32 $0x1, s1  }
0x8c: {  	s17 =	sshll.u32 s0, $0xA;
	s2 =	sadd.s32 s3, s2  }
0x8d: {  	s2 =	sadd.s32 s2, s17  }
0x8e: {  	[smem:$0x3FC4] =	sst s2  }
0x8f: {  	_ = 	snop  }
0x90: {  	s2 =	sld [smem:$0x3FD0];
	(tm) =	ssettm $0x1  }
0x91: {  	s18 =	sld [smem:$0x3FFB];
	_ =	sdelay $0x3  }
0x92: {  	_ =	strace s18  }
0x93: {  	s3 =	sld [smem:$0x3FFC];
	_ =	sdelay $0x3  }
0x94: {  	_ =	strace s3  }
0x95: {  	s3 =	sld [smem:$0x3FFD];
	_ =	sdelay $0x3  }
0x96: {  	_ =	strace s3  }
0x97: {  	_ =	strace $0x8FFFFFFF  }
0x98: {  	s19 =	sld [smem:$0x3FDB];
	_ =	sdelay $0x1  }
0x99: {  	s4 =	simm.s32 $_scs_section_size  }
0x9a: {  	s5 =	simm.s32 $_size__tile_overlayer_lowered;
	s6 =	simm.s32 $_tile_overlayer_lowered  }
0x9b: {  	s22 =	simm.s32 $0x1BFF;
	s21 =	sshll.u32 s6, $0x1;
	s3 =	sadd.s32 s4, s19  }
0x9c: {  	s7 =	simm.s32 $0x0;
	s20 =	sshll.u32 s5, $0x1;
	s5 =	sadd.s32 s21, s3  }
0x9d: {  	[timem:s7], [sflag:s22] =	dma.local [hbm:s5], s20  }
0x9e: {  	_ =	swait.ge [sflag:s22], s20  }
0x9f: {  	s4 =	ssub.s32 $0x0, s20;
	[sflag:s22] =	ssyncset.done $0x0  }
0xa0: {  	[sflag:s22] =	ssyncadd.s32 s4;
	_ =	sdelay $0x1  }
0xa1: {  	s23 =	simm.s32 $0x1B8B  }
0xa2: {  	_ =	swait.ge [sflag:s23], $0x1  }
0xa3: {  	[sflag:s23] =	ssyncset.done $0x0  }
0xa4: {  	s25 =	simm.s32 $0x1B8E;
	s24 =	sld [smem:$0x3FFE];
	[sflag:s23] =	ssyncadd.s32 $0xFFFFFFFF  }
0xa5: {  	s26 =	simm.s32 $execute0_lowered;
	[smem:$0x3FD2] =	sst s25  }
0xa6: {  	s5 =	sshll.u32 s26, $0x1;
	_ =	strace $0x80000046;
	[dreg:$0x1] =	wrdreg $0xFFFFFFFF  }
0xa7: {  	s28 =	simm.s32 $_size_execute0_lowered;
	s3 =	sadd.s32 s3, s5;
	[dreg:$0x0] =	wrdreg $0x0  }
0xa8: {  	s5 =	sshll.u32 s28, $0x1;
	[dreg:$0x2] =	wrdreg s3  }
0xa9: {  	[dreg:$0x3] =	wrdreg s5  }
0xaa: {  	[dreg:$0x4] =	wrdreg $0xC0  }
0xab: {  	_ =	task [dreg:s7], $0x5FFFF  }
0xac: {  	[dreg:$0x1] =	wrdreg $0xFFFFFFFF  }
0xad: {  	[dreg:$0x0] =	wrdreg $0x60  }
0xae: {  	[dreg:$0x2] =	wrdreg s24  }
0xaf: {  	[dreg:$0x3] =	wrdreg s2  }
0xb0: {  	[dreg:$0x4] =	wrdreg $0x9  }
0xb1: {  	_ =	task.clear_ibuf [dreg:s7], $0x5FFFF;
	_ =	strace $0x90000046  }
0xb2: {  	s29 =	simm.s32 $0x9;
	_ =	strace $0x80000048  }
0xb3: {  	_ =	swait.ge [sflag:s29], $0x1  }
0xb4: {  	[sflag:s29] =	ssyncadd.s32 $0xFFFFFFFF  }
0xb5: {  	_ =	strace $0x90000048  }
0xb6: {  	_ =	sfence  }
0xb7: {  	s30 =	sld [smem:$0x0];
	_ =	sdelay $0x2  }
0xb8: {  	s31 =	sshll.u32 s1, $0xD;
	s1 =	sshrl.u32 s1, $0x2  }
0xb9: {  	s3 =	sand.u32 $0x4000, s31;
	s1 =	sadd.s32 s1, s30  }
0xba: {  	s0 =	sor.u32 s3, s0;
	s1 =	sshll.u32 s1, $0x11  }
0xbb: {  	s0 =	sor.u32 s1, s0  }
0xbc: {  	s0 =	sadd.s32 $0x8F2B, s0  }
0xbd: {  	[sflag:s0] =	ssyncadd.remote.s32 $0x1  }
0xbe: {  	_ =	sfence.sel $0xFFFF  }
0xbf: {  	[dreg:$0x0] =	wrdreg $0xFFFFFFFF;
	(pc) =	sbr.abs _section_cstart, $3  }
0xc0: {  	[dreg:$0x1] =	wrdreg $0xFFFFFFFF  }
0xc1: {  	_ =	task.clear_ibuf [dreg:s7], $0x2FFFF;
	_ =	strace $0x9FFFFFFF  }
0xc2: {  	(tm) =	ssettm $0x7FFFFFFF  }
0xc3: {  	_ =	shalt  }
tec
execute0_lowered:
.L_overlay_start_1:
0x0: {  	(tag) =	ssettag $0x1  }
0x1: {  	s3 =	rddreg [dreg:$0x0];
	v0 =	vimm.s32 $0xFEDCBA98;
	v1 =	vimm.s32 $0x76543210;
	v2 =	vimm.s32 $0xBA98FEDC  }
0x2: {  	s5 =	rddreg [dreg:$0x1];
	s1 =	simm.s32 $0x0;
	s2 =	srdreg.scid;
	v3 =	vimm.s32 $0x32107654;
	v4 =	vimm.s32 $0xDCFE98BA;
	v5 =	vimm.s32 $0x54761032  }
0x3: {  	s0 =	stileid.u32;
	v6 =	vimm.s32 $0xEFCDAB89;
	v7 =	vimm.s32 $0x67452301;
	s9 =	simm.s32 $0x280;
	s10 =	simm.s32 $0xA80  }
0x4: {  	s11 =	simm.s32 $0x100;
	s12 =	simm.s32 $0x1280;
	s13 =	simm.s32 $0x180;
	v0 =	vunpack.c.l.s4.s8 v0;
	v1 =	vunpack.c.l.s4.s8 v1;
	v2 =	vunpack.c.l.s4.s8 v2  }
0x5: {  	s14 =	simm.s32 $0x1A80;
	s15 =	simm.s32 $0x200;
	s16 =	simm.s32 $0x2280;
	v3 =	vunpack.c.l.s4.s8 v3;
	v4 =	vunpack.c.l.s4.s8 v4;
	v5 =	vunpack.c.l.s4.s8 v5  }
0x6: {  	s17 =	simm.s32 $0x1;
	s18 =	simm.s32 $0x2A80;
	s19 =	simm.s32 $0x0;
	v6 =	vunpack.c.l.s4.s8 v6;
	v7 =	vunpack.c.l.s4.s8 v7;
	v0 =	vunpack.c.0.s8.s32 v0  }
0x7: {  	[smem:$0x7FF] =	sst s1;
	s4 =	sand.u32 $0x1, s2;
	s6 =	sshll.u32 s0, $0x1;
	v2 =	vunpack.c.0.s8.s32 v2;
	v3 =	vunpack.c.0.s8.s32 v3;
	v4 =	vunpack.c.0.s8.s32 v4  }
0x8: {  	s2 =	rddreg [dreg:$0x2];
	s6 =	sor.u32 s4, s6;
	s4 =	ssub.s32 $0x2, s4;
	v5 =	vunpack.c.0.s8.s32 v5;
	v6 =	vunpack.c.0.s8.s32 v6;
	v7 =	vunpack.c.0.s8.s32 v7  }
0x9: {  	s7 =	smul.u32 $0x50, s6;
	s8 =	sshrl.u32 s4, $0x1;
	s6 =	sshll.u32 s6, $0x6;
	v1 =	vunpack.c.0.s8.s32 v1;
	v2 =	vcombine.low v3, v2  }
0xa: {  	_ =	strace $0x80000047;
	s8 =	ssub.s32 s4, s8;
	s5 =	sadd.s32 s5, s6;
	v3 =	vcombine.low v5, v4;
	v4 =	vcombine.low v7, v6;
	v0 =	vand.u32 $0xF, v0  }
0xb: {  	s7 =	sadd.s32 s7, s3;
	s3 =	sadd.s32 $0x1800, s3;
	s6 =	smax.u32 s8, $0x1;
	v0 =	vcombine.low v0, v1  }
0xc: {  	s8 =	simm.s32 $0x80;
	s4 =	sadd.s32 $0xE00, s7;
	s7 =	simm.s32 $0x2;
	v1 =	vand.u32 $0xF, v2;
	v2 =	vand.u32 $0xF, v3;
	v3 =	vand.u32 $0xF, v4  }
.LBB2_1:
0xd: {  	[tilespmem:s1], [sflag:$0x2] =	stream.linear.gather [hbm4b:s4+s1], $0x280, $0x38;
	[tilespmem:$0x2C80] =	vst v63  }
0xe: {  	_ =	swait.ge [sflag:s7], $0x280  }
0xf: {  	[sflag:s7] =	ssyncset.done $0x0  }
0x10: {  	[sflag:s7] =	ssyncadd.s32 $0xFFFFFD80  }
0x11: {  	[tilespmem:s9], [sflag:$0x1] =	stream.indirect.gather [hbm4b:s3+s8], $0x10, s1, s8, $0xb8;
	[tilespmem:$0x2C80] =	vst v63  }
0x12: {  	_ = 	snop  }
0x13: {  	[tilespmem:s10], [sflag:$0x1] =	stream.indirect.gather [hbm4b:s3+s8], $0x10, s8, s8, $0xb8;
	[tilespmem:$0x2C80] =	vst v63  }
0x14: {  	_ = 	snop  }
0x15: {  	[tilespmem:s12], [sflag:$0x1] =	stream.indirect.gather [hbm4b:s3+s8], $0x10, s11, s8, $0xb8;
	[tilespmem:$0x2C80] =	vst v63  }
0x16: {  	_ = 	snop  }
0x17: {  	[tilespmem:s14], [sflag:$0x1] =	stream.indirect.gather [hbm4b:s3+s8], $0x10, s13, s8, $0xb8;
	[tilespmem:$0x2C80] =	vst v63  }
0x18: {  	_ = 	snop  }
0x19: {  	[tilespmem:s16], [sflag:$0x1] =	stream.indirect.gather [hbm4b:s3+s8], $0x10, s15, s8, $0xb8;
	[tilespmem:$0x2C80] =	vst v63  }
0x1a: {  	_ =	swait.ge [sflag:s17], $0x800  }
0x1b: {  	[sflag:s17] =	ssyncset.done $0x0  }
0x1c: {  	[sflag:s17] =	ssyncadd.s32 $0xFFFFF800  }
0x1d: {  	_ =	swait.ge [sflag:s17], $0x800  }
0x1e: {  	[sflag:s17] =	ssyncset.done $0x0  }
0x1f: {  	[sflag:s17] =	ssyncadd.s32 $0xFFFFF800  }
0x20: {  	_ =	swait.ge [sflag:s17], $0x800  }
0x21: {  	[sflag:s17] =	ssyncset.done $0x0  }
0x22: {  	[sflag:s17] =	ssyncadd.s32 $0xFFFFF800  }
0x23: {  	_ =	swait.ge [sflag:s17], $0x800  }
0x24: {  	[sflag:s17] =	ssyncset.done $0x0  }
0x25: {  	[sflag:s17] =	ssyncadd.s32 $0xFFFFF800  }
0x26: {  	_ =	swait.ge [sflag:s17], $0x800  }
0x27: {  	[sflag:s17] =	ssyncset.done $0x0  }
0x28: {  	s20 =	simm.s32 $0x320;
	[sflag:s17] =	ssyncadd.s32 $0xFFFFF800  }
0x29: {  	v4 =	vld [tilespmem:s20+$0x90];
	_ =	sdelay $0x4  }
0x2a: {  	[tilespmem:$0x1FE70] =	vst v4;
	v4 =	vmul.f32 v4, v4;
	_ =	sdelay $0x1  }
0x2b: {  	v6 =	vld [tilespmem:s20+$0x80];
	v5 =	vperm.xlane v4, v0;
	_ =	sdelay $0x1  }
0x2c: {  	v4 =	vadd.f32 v5, v4;
	_ =	sdelay $0x1  }
0x2d: {  	v5 =	vperm.xlane v4, v1  }
0x2e: {  	[tilespmem:$0x1FE80] =	vst v6;
	v6 =	vmul.f32 v6, v6  }
0x2f: {  	v8 =	vld [tilespmem:s20+$0x70];
	v4 =	vadd.f32 v5, v4  }
0x30: {  	v5 =	vperm.xlane v6, v0  }
0x31: {  	v7 =	vperm.xlane v4, v2  }
0x32: {  	v5 =	vadd.f32 v5, v6  }
0x33: {  	v4 =	vadd.f32 v7, v4  }
0x34: {  	v6 =	vmul.f32 v8, v8;
	v7 =	vperm.xlane v5, v1  }
0x35: {  	[tilespmem:$0x1FE90] =	vst v8;
	v8 =	vperm.xlane v4, v3  }
0x36: {  	v9 =	vperm.xlane v6, v0;
	v5 =	vadd.f32 v7, v5  }
0x37: {  	v7 =	vadd.f32 v8, v4  }
0x38: {  	v4 =	vadd.f32 v9, v6;
	v6 =	vperm.xlane v5, v2  }
0x39: {  	v8 =	vshra.s32 v7, $0x1;
	v16 =	vmul.f32 $5.000000000e-01, v7  }
0x3a: {  	[tilespmem:$0x1FEA0] =	vst v7;
	v9 =	vperm.xlane v4, v1;
	v7 =	vld [tilespmem:s20+$0x60];
	v5 =	vadd.f32 v6, v5;
	v8 =	vsub.s32 $0x5F3759DF, v8  }
0x3b: {  	v6 =	vmul.f32 v8, v16  }
0x3c: {  	v4 =	vadd.f32 v9, v4;
	v9 =	vperm.xlane v5, v3  }
0x3d: {  	v6 =	vmul.f32 v8, v6  }
0x3e: {  	v11 =	vperm.xlane v4, v2;
	v9 =	vadd.f32 v9, v5  }
0x3f: {  	v5 =	vsub.f32 $1.500000000e+00, v6;
	v6 =	vmul.f32 v7, v7  }
0x40: {  	v10 =	vld [tilespmem:s20+$0x50];
	v4 =	vadd.f32 v11, v4;
	v11 =	vshra.s32 v9, $0x1;
	v17 =	vmul.f32 $5.000000000e-01, v9  }
0x41: {  	v13 =	vsub.s32 $0x5F3759DF, v11;
	v5 =	vmul.f32 v8, v5;
	v8 =	vperm.xlane v6, v0  }
0x42: {  	v12 =	vperm.xlane v4, v3;
	v14 =	vmul.f32 v13, v17  }
0x43: {  	v6 =	vadd.f32 v8, v6  }
0x44: {  	[tilespmem:$0x1FEB0] =	vst v7;
	v7 =	vadd.f32 v12, v4;
	v38 =	vmul.f32 v13, v14  }
0x45: {  	v8 =	vmul.f32 v10, v10;
	v39 =	vperm.xlane v6, v1  }
0x46: {  	v15 =	vshra.s32 v7, $0x1;
	v20 =	vmul.f32 $5.000000000e-01, v7;
	v12 =	vsub.f32 $1.500000000e+00, v38  }
0x47: {  	v18 =	vperm.xlane v8, v0;
	v19 =	vsub.s32 $0x5F3759DF, v15;
	v6 =	vadd.f32 v39, v6  }
0x48: {  	v40 =	vmul.f32 v19, v20;
	v13 =	vmul.f32 v13, v12  }
0x49: {  	v4 =	vmul.f32 v5, v16;
	v8 =	vadd.f32 v18, v8;
	v41 =	vperm.xlane v6, v2  }
0x4a: {  	v14 =	vmul.f32 v19, v40;
	v43 =	vmul.f32 v13, v17  }
0x4b: {  	v4 =	vmul.f32 v4, v5;
	v42 =	vperm.xlane v8, v1  }
0x4c: {  	v11 =	vld [tilespmem:s20+$0x40];
	v6 =	vadd.f32 v41, v6;
	v44 =	vsub.f32 $1.500000000e+00, v14;
	v45 =	vmul.f32 v43, v13  }
0x4d: {  	v4 =	vsub.f32 $1.500000000e+00, v4;
	v8 =	vadd.f32 v42, v8  }
0x4e: {  	[tilespmem:$0x1FED0] =	vst v10;
	v46 =	vperm.xlane v6, v3;
	v21 =	vmul.f32 v19, v44;
	v22 =	vsub.f32 $1.500000000e+00, v45  }
0x4f: {  	[tilespmem:$0x1FEE0] =	vst v7;
	v7 =	vmul.f32 v4, v5;
	v47 =	vperm.xlane v8, v2  }
0x50: {  	[tilespmem:$0x1FEC0] =	vst v9;
	v10 =	vadd.f32 v46, v6;
	v4 =	vmul.f32 v21, v20;
	v9 =	vmul.f32 v22, v13  }
0x51: {  	v5 =	vadd.f32 v47, v8;
	v6 =	vmul.f32 v7, v16;
	v22 =	vmul.f32 v11, v11  }
0x52: {  	v8 =	vshra.s32 v10, $0x1;
	v48 =	vmul.f32 $5.000000000e-01, v10;
	v4 =	vmul.f32 v4, v21  }
0x53: {  	[tilespmem:$0x1FEF0] =	vst v10;
	v10 =	vld [tilespmem:s20+$0x30];
	v19 =	vperm.xlane v5, v3;
	v6 =	vmul.f32 v6, v7;
	v8 =	vsub.s32 $0x5F3759DF, v8  }
0x54: {  	[tilespmem:$0x1FF00] =	vst v11;
	v23 =	vmul.f32 v8, v48;
	v4 =	vsub.f32 $1.500000000e+00, v4  }
0x55: {  	[tilespmem:$0x1FF20] =	vst v6;
	v6 =	vperm.xlane v22, v0;
	v11 =	vadd.f32 v19, v5;
	v5 =	vmul.f32 v9, v17  }
0x56: {  	[tilespmem:$0x1FF10] =	vst v7;
	v23 =	vmul.f32 v8, v23;
	v7 =	vmul.f32 v4, v21  }
0x57: {  	v4 =	vadd.f32 v6, v22;
	v6 =	vshra.s32 v11, $0x1;
	[tilespmem:$0x1FF30] =	vst v11;
	v22 =	vmul.f32 $5.000000000e-01, v11;
	v11 =	vld [tilespmem:s20+$0x20]  }
0x58: {  	v5 =	vmul.f32 v5, v9;
	v24 =	vmul.f32 v10, v10;
	v6 =	vsub.s32 $0x5F3759DF, v6  }
0x59: {  	v23 =	vsub.f32 $1.500000000e+00, v23;
	v25 =	vperm.xlane v4, v1;
	v26 =	vmul.f32 v6, v22  }
0x5a: {  	[tilespmem:$0x1FF50] =	vst v9;
	v20 =	vmul.f32 v7, v20;
	v27 =	vperm.xlane v24, v0  }
0x5b: {  	v9 =	vld [tilespmem:s20+$0x10];
	[tilespmem:$0x1FF60] =	vst v5;
	v8 =	vmul.f32 v8, v23;
	v4 =	vadd.f32 v25, v4;
	v23 =	vmul.f32 v6, v26  }
0x5c: {  	[tilespmem:$0x1FF80] =	vst v7;
	v7 =	vmul.f32 v20, v7;
	v5 =	vadd.f32 v27, v24;
	v26 =	vmul.f32 v11, v11  }
0x5d: {  	v25 =	vmul.f32 v8, v48;
	v27 =	vperm.xlane v4, v2;
	v23 =	vsub.f32 $1.500000000e+00, v23  }
0x5e: {  	v28 =	vperm.xlane v5, v1;
	v29 =	vperm.xlane v26, v0  }
0x5f: {  	v25 =	vmul.f32 v25, v8;
	v4 =	vadd.f32 v27, v4;
	v6 =	vmul.f32 v6, v23  }
0x60: {  	v27 =	vmul.f32 v9, v9;
	v5 =	vadd.f32 v28, v5;
	v20 =	vadd.f32 v29, v26  }
0x61: {  	v23 =	vsub.f32 $1.500000000e+00, v25;
	v25 =	vperm.xlane v4, v3;
	v26 =	vmul.f32 v6, v22  }
0x62: {  	v28 =	vperm.xlane v5, v2;
	v29 =	vperm.xlane v20, v1  }
0x63: {  	v25 =	vadd.f32 v25, v4;
	v23 =	vmul.f32 v23, v8;
	v4 =	vperm.xlane v27, v0  }
0x64: {  	v8 =	vmul.f32 v26, v6;
	v5 =	vadd.f32 v28, v5;
	v20 =	vadd.f32 v29, v20  }
0x65: {  	v26 =	vshra.s32 v25, $0x1;
	v36 =	vmul.f32 $5.000000000e-01, v25;
	v4 =	vadd.f32 v4, v27  }
0x66: {  	v27 =	vperm.xlane v5, v3;
	v28 =	vsub.s32 $0x5F3759DF, v26;
	v26 =	vperm.xlane v20, v2  }
0x67: {  	v8 =	vsub.f32 $1.500000000e+00, v8;
	v29 =	vmul.f32 v28, v36;
	v30 =	vperm.xlane v4, v1  }
0x68: {  	v27 =	vadd.f32 v27, v5;
	v5 =	vmul.f32 v23, v48;
	v49 =	vadd.f32 v26, v20  }
0x69: {  	v26 =	vmul.f32 v8, v6;
	v20 =	vmul.f32 v28, v29;
	v4 =	vadd.f32 v30, v4  }
0x6a: {  	v6 =	vshra.s32 v27, $0x1;
	v8 =	vmul.f32 $5.000000000e-01, v27;
	v29 =	vperm.xlane v49, v3  }
0x6b: {  	v5 =	vmul.f32 v5, v23;
	v6 =	vsub.s32 $0x5F3759DF, v6;
	v20 =	vsub.f32 $1.500000000e+00, v20  }
0x6c: {  	v30 =	vperm.xlane v4, v2;
	v32 =	vmul.f32 v6, v8  }
0x6d: {  	[tilespmem:$0x1FFA0] =	vst v9;
	v29 =	vadd.f32 v29, v49;
	v50 =	vmul.f32 v28, v20  }
0x6e: {  	v9 =	vld [tilespmem:s20+$0x0];
	[tilespmem:$0x1FFB0] =	vst v5;
	v4 =	vadd.f32 v30, v4;
	v20 =	vmul.f32 v26, v22;
	v5 =	vmul.f32 v6, v32  }
0x6f: {  	v32 =	vld [tilespmem:s20+$0xFFFFFFF0];
	v22 =	vshra.s32 v29, $0x1;
	v41 =	vmul.f32 $5.000000000e-01, v29;
	v34 =	vmul.f32 v50, v36  }
0x70: {  	v33 =	vperm.xlane v4, v3;
	v22 =	vsub.s32 $0x5F3759DF, v22;
	v5 =	vsub.f32 $1.500000000e+00, v5  }
0x71: {  	[tilespmem:$0x1FF90] =	vst v7;
	v7 =	vmul.f32 v20, v26;
	v35 =	vmul.f32 v22, v41  }
0x72: {  	v33 =	vadd.f32 v33, v4;
	v4 =	vmul.f32 v6, v5;
	v5 =	vmul.f32 v34, v50  }
0x73: {  	v6 =	vmul.f32 v9, v9;
	v20 =	vmul.f32 v22, v35  }
0x74: {  	v51 =	vmul.f32 v32, v32;
	v52 =	vshra.s32 v33, $0x1;
	v46 =	vmul.f32 $5.000000000e-01, v33  }
0x75: {  	v37 =	vperm.xlane v6, v0;
	v39 =	vsub.s32 $0x5F3759DF, v52;
	v53 =	vmul.f32 v4, v8  }
0x76: {  	v20 =	vsub.f32 $1.500000000e+00, v20;
	v5 =	vsub.f32 $1.500000000e+00, v5;
	v38 =	vperm.xlane v51, v0  }
0x77: {  	v40 =	vmul.f32 v39, v46;
	v6 =	vadd.f32 v37, v6;
	v35 =	vmul.f32 v53, v4  }
0x78: {  	v20 =	vmul.f32 v22, v20;
	v34 =	vmul.f32 v5, v50;
	v54 =	vadd.f32 v38, v51  }
0x79: {  	v55 =	vmul.f32 v39, v40;
	v22 =	vperm.xlane v6, v1;
	v35 =	vsub.f32 $1.500000000e+00, v35  }
0x7a: {  	v57 =	vmul.f32 v20, v41;
	v5 =	vperm.xlane v54, v1  }
0x7b: {  	v56 =	vsub.f32 $1.500000000e+00, v55;
	v6 =	vadd.f32 v22, v6;
	v35 =	vmul.f32 v35, v4  }
0x7c: {  	v4 =	vmul.f32 v34, v36;
	v22 =	vmul.f32 v57, v20  }
0x7d: {  	v38 =	vld [tilespmem:s20+$0xFFFFFFE0];
	v5 =	vadd.f32 v5, v54;
	v16 =	vmul.f32 v39, v56;
	v58 =	vperm.xlane v6, v2  }
0x7e: {  	v40 =	vld [tilespmem:s20+$0xFFFFFFD0];
	v8 =	vmul.f32 v35, v8;
	v4 =	vmul.f32 v4, v34  }
0x7f: {  	v22 =	vsub.f32 $1.500000000e+00, v22;
	v59 =	vperm.xlane v5, v2;
	v42 =	vmul.f32 v16, v46  }
0x80: {  	v45 =	vld [tilespmem:s20+$0xFFFFFFC0];
	[tilespmem:$0x1FFC0] =	vst v7;
	v6 =	vadd.f32 v58, v6;
	v7 =	vmul.f32 v8, v35  }
0x81: {  	[tilespmem:$0x1FFF0] =	vst v4;
	v39 =	vmul.f32 v22, v20;
	v4 =	vadd.f32 v59, v5;
	v5 =	vmul.f32 v42, v16  }
0x82: {  	v8 =	vmul.f32 v38, v38;
	v20 =	vperm.xlane v6, v3  }
0x83: {  	v47 =	vmul.f32 v40, v40;
	v22 =	vperm.xlane v4, v3;
	v5 =	vsub.f32 $1.500000000e+00, v5  }
0x84: {  	v60 =	vmul.f32 v39, v41;
	v48 =	vperm.xlane v8, v0;
	v41 =	vadd.f32 v20, v6  }
0x85: {  	v61 =	vmul.f32 v45, v45;
	v44 =	vadd.f32 v22, v4;
	v43 =	vmul.f32 v5, v16  }
0x86: {  	v4 =	vperm.xlane v47, v0;
	v5 =	vadd.f32 v48, v8;
	v6 =	vshra.s32 v41, $0x1  }
0x87: {  	v16 =	vmul.f32 $5.000000000e-01, v41;
	v8 =	vshra.s32 v44, $0x1;
	v6 =	vsub.s32 $0x5F3759DF, v6  }
0x88: {  	v4 =	vadd.f32 v4, v47;
	v20 =	vperm.xlane v5, v1;
	v22 =	vmul.f32 $5.000000000e-01, v44  }
0x89: {  	v50 =	vperm.xlane v61, v0;
	v8 =	vsub.s32 $0x5F3759DF, v8;
	v62 =	vmul.f32 v6, v16  }
0x8a: {  	v49 =	vperm.xlane v4, v1;
	v5 =	vadd.f32 v20, v5;
	v20 =	vmul.f32 v8, v22  }
0x8b: {  	v42 =	vmul.f32 v60, v39;
	v48 =	vmul.f32 v6, v62  }
0x8c: {  	v4 =	vadd.f32 v49, v4;
	v63 =	vperm.xlane v5, v2;
	v20 =	vmul.f32 v8, v20  }
0x8d: {  	v47 =	vadd.f32 v50, v61;
	v46 =	vmul.f32 v43, v46;
	v12 =	vsub.f32 $1.500000000e+00, v48  }
0x8e: {  	v48 =	vld [tilespmem:s20+$0xFFFFFFB0];
	v51 =	vperm.xlane v4, v2;
	v5 =	vadd.f32 v63, v5;
	v20 =	vsub.f32 $1.500000000e+00, v20  }
0x8f: {  	v13 =	vperm.xlane v47, v1;
	v6 =	vmul.f32 v6, v12  }
0x90: {  	v4 =	vadd.f32 v51, v4;
	v14 =	vperm.xlane v5, v3;
	v8 =	vmul.f32 v8, v20  }
0x91: {  	v46 =	vmul.f32 v46, v43;
	v20 =	vadd.f32 v13, v47;
	v52 =	vmul.f32 v6, v16  }
0x92: {  	v15 =	vperm.xlane v4, v3;
	v47 =	vadd.f32 v14, v5;
	v5 =	vmul.f32 v8, v22  }
0x93: {  	v17 =	vmul.f32 v48, v48;
	v19 =	vperm.xlane v20, v2  }
0x94: {  	v49 =	vadd.f32 v15, v4;
	v4 =	vshra.s32 v47, $0x1;
	v60 =	vmul.f32 $5.000000000e-01, v47  }
0x95: {  	v53 =	vperm.xlane v17, v0;
	v20 =	vadd.f32 v19, v20;
	v4 =	vsub.s32 $0x5F3759DF, v4  }
0x96: {  	v36 =	vshra.s32 v49, $0x1;
	v61 =	vmul.f32 $5.000000000e-01, v49;
	v54 =	vmul.f32 v4, v60  }
0x97: {  	v50 =	vadd.f32 v53, v17;
	v37 =	vperm.xlane v20, v3;
	v55 =	vsub.s32 $0x5F3759DF, v36  }
0x98: {  	v5 =	vmul.f32 v5, v8;
	v56 =	vmul.f32 v55, v61  }
0x99: {  	v54 =	vmul.f32 v4, v54;
	v57 =	vperm.xlane v50, v1;
	v51 =	vadd.f32 v37, v20  }
0x9a: {  	v20 =	vmul.f32 v52, v6;
	v59 =	vmul.f32 v55, v56  }
0x9b: {  	v12 =	vsub.f32 $1.500000000e+00, v54;
	v13 =	vshra.s32 v51, $0x1;
	v62 =	vmul.f32 $5.000000000e-01, v51  }
0x9c: {  	v50 =	vadd.f32 v57, v50;
	v54 =	vsub.s32 $0x5F3759DF, v13;
	v52 =	vsub.f32 $1.500000000e+00, v59  }
0x9d: {  	v5 =	vsub.f32 $1.500000000e+00, v5;
	v14 =	vmul.f32 v4, v12;
	v17 =	vmul.f32 v54, v62  }
0x9e: {  	v20 =	vsub.f32 $1.500000000e+00, v20;
	v4 =	vperm.xlane v50, v2;
	v58 =	vmul.f32 v55, v52  }
0x9f: {  	v19 =	vmul.f32 v14, v60;
	v53 =	vmul.f32 v54, v17  }
0xa0: {  	v4 =	vadd.f32 v4, v50;
	v50 =	vmul.f32 v20, v6;
	v55 =	vld [tilespmem:s20+$0xFFFFFFA0];
	v52 =	vmul.f32 v5, v8  }
0xa1: {  	v6 =	vmul.f32 v58, v61;
	v20 =	vmul.f32 v19, v14  }
0xa2: {  	v36 =	vperm.xlane v4, v3;
	v53 =	vsub.f32 $1.500000000e+00, v53;
	v16 =	vmul.f32 v50, v16  }
0xa3: {  	v63 =	vmul.f32 v52, v22;
	v6 =	vmul.f32 v6, v58  }
0xa4: {  	v20 =	vsub.f32 $1.500000000e+00, v20;
	v56 =	vadd.f32 v36, v4;
	v4 =	vmul.f32 v54, v53  }
0xa5: {  	[tilespmem:$0x1FF40] =	vst v10;
	v53 =	vmul.f32 v16, v50;
	v8 =	vmul.f32 v55, v55;
	v5 =	vsub.f32 $1.500000000e+00, v6  }
0xa6: {  	[tilespmem:$0x1FF70] =	vst v11;
	v6 =	vshra.s32 v56, $0x1;
	v59 =	vmul.f32 $5.000000000e-01, v56;
	v37 =	vmul.f32 v4, v62  }
0xa7: {  	[tilespmem:$0x1FFD0] =	vst v9;
	v54 =	vmul.f32 v20, v14;
	v6 =	vsub.s32 $0x5F3759DF, v6;
	v57 =	vmul.f32 v5, v58  }
0xa8: {  	s22 =	simm.s32 $0x40;
	s21 =	simm.s32 $0x0;
	[tilespmem:$0x1FFE0] =	vst v7;
	v58 =	vld [tilespmem:s20+$0xFFFFFF60];
	v22 =	vmul.f32 v37, v4;
	v5 =	vmul.f32 v6, v59  }
.LBB2_2:
0xa9: {  	v16 =	vld [tilespmem:s20+$0xFFFFFF90];
	v10 =	vperm.xlane v8, v0  }
0xaa: {  	v20 =	vld [tilespmem:s20+$0xFFFFFF70];
	v28 =	vmul.f32 v6, v5;
	v22 =	vsub.f32 $1.500000000e+00, v22;
	v15 =	vmul.f32 v57, v61  }
0xab: {  	v60 =	vmul.f32 v54, v60;
	v5 =	vld [tilespmem:s20+$0xFFFFFF80];
	v7 =	vmul.f32 v63, v52;
	v8 =	vadd.f32 v10, v8  }
0xac: {  	v10 =	vsub.f32 $1.500000000e+00, v28;
	v63 =	vmul.f32 v22, v4;
	v4 =	vmul.f32 v15, v57  }
0xad: {  	v36 =	vmul.f32 v58, v58;
	v22 =	vperm.xlane v8, v1  }
0xae: {  	v10 =	vmul.f32 v6, v10;
	v6 =	vmul.f32 v63, v62  }
0xaf: {  	v37 =	vmul.f32 v20, v20;
	v28 =	vperm.xlane v36, v0;
	v8 =	vadd.f32 v22, v8  }
0xb0: {  	v30 =	vmul.f32 v16, v16;
	v22 =	vmul.f32 v5, v5  }
0xb1: {  	[tilespmem:$0x1FE60] =	vst v7;
	v15 =	vadd.f32 v28, v36;
	v28 =	vperm.xlane v37, v0;
	v7 =	vperm.xlane v8, v2  }
0xb2: {  	v9 =	vperm.xlane v30, v0;
	v18 =	vperm.xlane v22, v0  }
0xb3: {  	v21 =	vperm.xlane v15, v1;
	v28 =	vadd.f32 v28, v37;
	v7 =	vadd.f32 v7, v8  }
0xb4: {  	v36 =	vmul.f32 v10, v59;
	v9 =	vadd.f32 v9, v30;
	v8 =	vadd.f32 v18, v22  }
0xb5: {  	v15 =	vadd.f32 v21, v15;
	v21 =	vperm.xlane v28, v1;
	v22 =	vperm.xlane v7, v3  }
0xb6: {  	v11 =	vperm.xlane v9, v1;
	v30 =	vperm.xlane v8, v1  }
0xb7: {  	v24 =	vperm.xlane v15, v2;
	v21 =	vadd.f32 v21, v28;
	v62 =	vadd.f32 v22, v7  }
0xb8: {  	v61 =	vmul.f32 v60, v54;
	v7 =	vadd.f32 v30, v8;
	v8 =	vadd.f32 v11, v9  }
0xb9: {  	v9 =	vadd.f32 v24, v15;
	v11 =	vperm.xlane v21, v2;
	v15 =	vmul.f32 v36, v10  }
0xba: {  	v37 =	vperm.xlane v7, v2;
	v22 =	vperm.xlane v8, v2;
	v24 =	vshra.s32 v62, $0x1  }
0xbb: {  	v28 =	vperm.xlane v9, v3;
	v11 =	vadd.f32 v11, v21;
	v21 =	vmul.f32 $5.000000000e-01, v62  }
0xbc: {  	v18 =	vsub.s32 $0x5F3759DF, v24;
	v7 =	vadd.f32 v37, v7;
	v8 =	vadd.f32 v22, v8  }
0xbd: {  	v9 =	vadd.f32 v28, v9;
	v22 =	vperm.xlane v11, v3;
	v24 =	vmul.f32 v18, v21  }
0xbe: {  	v28 =	vperm.xlane v7, v3;
	v30 =	vperm.xlane v8, v3  }
0xbf: {  	v12 =	vshra.s32 v9, $0x1;
	v36 =	vmul.f32 $5.000000000e-01, v9;
	v11 =	vadd.f32 v22, v11  }
0xc0: {  	v12 =	vsub.s32 $0x5F3759DF, v12;
	v7 =	vadd.f32 v28, v7;
	v8 =	vadd.f32 v30, v8  }
0xc1: {  	v22 =	vmul.f32 v12, v36;
	v28 =	vshra.s32 v11, $0x1;
	v30 =	vmul.f32 $5.000000000e-01, v11  }
0xc2: {  	v28 =	vsub.s32 $0x5F3759DF, v28;
	v13 =	vshra.s32 v7, $0x1;
	v37 =	vmul.f32 $5.000000000e-01, v7  }
0xc3: {  	v22 =	vmul.f32 v12, v22;
	v14 =	vmul.f32 v28, v30;
	v13 =	vsub.s32 $0x5F3759DF, v13  }
0xc4: {  	v60 =	vmovc v23;
	v23 =	vmovc v42;
	v19 =	vshra.s32 v8, $0x1;
	v42 =	vmul.f32 $5.000000000e-01, v8;
	v17 =	vmul.f32 v13, v37  }
0xc5: {  	v19 =	vsub.s32 $0x5F3759DF, v19;
	v22 =	vsub.f32 $1.500000000e+00, v22;
	v14 =	vmul.f32 v28, v14  }
0xc6: {  	v31 =	vmul.f32 v19, v42;
	v17 =	vmul.f32 v13, v17  }
0xc7: {  	v15 =	vsub.f32 $1.500000000e+00, v15;
	v12 =	vmul.f32 v12, v22;
	v14 =	vsub.f32 $1.500000000e+00, v14  }
0xc8: {  	v24 =	vmul.f32 v18, v24;
	v22 =	vmul.f32 v19, v31;
	v17 =	vsub.f32 $1.500000000e+00, v17  }
0xc9: {  	v31 =	vmul.f32 v12, v36;
	v14 =	vmul.f32 v28, v14  }
0xca: {  	v10 =	vmul.f32 v15, v10;
	v13 =	vmul.f32 v13, v17;
	v17 =	vsub.f32 $1.500000000e+00, v22  }
0xcb: {  	v24 =	vsub.f32 $1.500000000e+00, v24;
	v15 =	vmul.f32 v31, v12;
	v22 =	vmul.f32 v14, v30  }
0xcc: {  	v28 =	vmul.f32 v13, v37;
	v17 =	vmul.f32 v19, v17  }
0xcd: {  	v18 =	vmul.f32 v18, v24;
	v15 =	vsub.f32 $1.500000000e+00, v15;
	v19 =	vmul.f32 v22, v14  }
0xce: {  	v22 =	vmul.f32 v28, v13;
	v24 =	vmul.f32 v17, v42  }
0xcf: {  	v28 =	vmul.f32 v18, v21;
	v12 =	vmul.f32 v15, v12;
	v15 =	vsub.f32 $1.500000000e+00, v19  }
0xd0: {  	v19 =	vmul.f32 v10, v59;
	v22 =	vsub.f32 $1.500000000e+00, v22;
	v24 =	vmul.f32 v24, v17  }
0xd1: {  	v31 =	vmul.f32 v12, v36;
	v14 =	vmul.f32 v15, v14  }
0xd2: {  	v13 =	vmul.f32 v22, v13;
	v59 =	vsub.f32 $1.500000000e+00, v24;
	v22 =	vmul.f32 v28, v18  }
0xd3: {  	v24 =	vmul.f32 v31, v12;
	v28 =	vmul.f32 v14, v30  }
0xd4: {  	v15 =	vmul.f32 v59, v17;
	v36 =	vsub.f32 $1.500000000e+00, v22  }
0xd5: {  	v22 =	vsub.f32 $1.500000000e+00, v24;
	v24 =	vmul.f32 v28, v14;
	v28 =	vmul.f32 v13, v37  }
0xd6: {  	vm0 =	vgt.f32 v9, $1.000000000e+00;
	v30 =	vmul.f32 v15, v42;
	v17 =	vmul.f32 v36, v18  }
0xd7: {  	v12 =	vmul.f32 v22, v12;
	v37 =	vsub.f32 $1.500000000e+00, v24;
	v22 =	vmul.f32 v28, v13  }
0xd8: {  	vm9 =	vgt.f32 v11, $1.000000000e+00;
	v9 =	vmul.f32 v30, v15;
	v21 =	vmul.f32 v17, v21  }
0xd9: {  	v12 =	vnsel vm0, $0x3F800000, v12;
	v14 =	vmul.f32 v37, v14;
	v42 =	vsub.f32 $1.500000000e+00, v22  }
0xda: {  	vm10 =	vgt.f32 v7, $1.000000000e+00;
	v12 =	vmul.f32 v12, v58;
	v11 =	vmul.f32 v21, v17  }
0xdb: {  	v9 =	vsub.f32 $1.500000000e+00, v9;
	v14 =	vnsel vm9, $0x3F800000, v14;
	v13 =	vmul.f32 v42, v13  }
0xdc: {  	v19 =	vmul.f32 v19, v10;
	v12 =	vadd.f32 $0.0e+00, v12;
	v14 =	vmul.f32 v14, v20  }
0xdd: {  	v9 =	vmul.f32 v9, v15;
	v11 =	vsub.f32 $1.500000000e+00, v11;
	v7 =	vnsel vm10, $0x3F800000, v13  }
0xde: {  	vm11 =	vgt.f32 v8, $1.000000000e+00;
	v12 =	vadd.f32 v14, v12;
	v5 =	vmul.f32 v7, v5  }
0xdf: {  	v7 =	vnsel vm11, $0x3F800000, v9;
	v8 =	vmul.f32 v11, v17;
	v9 =	vsub.f32 $1.500000000e+00, v19  }
0xe0: {  	vm12 =	vgt.f32 v62, $1.000000000e+00;
	v7 =	vmul.f32 v7, v16;
	v5 =	vadd.f32 v5, v12  }
0xe1: {  	v8 =	vnsel vm12, $0x3F800000, v8;
	v9 =	vmul.f32 v9, v10  }
0xe2: {  	vm13 =	vgt.f32 v56, $1.000000000e+00;
	v5 =	vadd.f32 v7, v5;
	v7 =	vmul.f32 v8, v55  }
0xe3: {  	v6 =	vmul.f32 v6, v63;
	v8 =	vnsel vm13, $0x3F800000, v9  }
0xe4: {  	v5 =	vadd.f32 v7, v5;
	v7 =	vmul.f32 v8, v48;
	v8 =	vsub.f32 $1.500000000e+00, v61  }
0xe5: {  	v6 =	vsub.f32 $1.500000000e+00, v6  }
0xe6: {  	v5 =	vadd.f32 v7, v5;
	v7 =	vmul.f32 v8, v54;
	v8 =	vld [tilespmem:$0x1FE60]  }
0xe7: {  	v4 =	vsub.f32 $1.500000000e+00, v4;
	v6 =	vmul.f32 v6, v63  }
0xe8: {  	vm14 =	vgt.f32 v51, $1.000000000e+00  }
0xe9: {  	v4 =	vmul.f32 v4, v57;
	v6 =	vnsel vm14, $0x3F800000, v6  }
0xea: {  	vm15 =	vgt.f32 v49, $1.000000000e+00;
	v6 =	vmul.f32 v6, v45  }
0xeb: {  	v4 =	vnsel vm15, $0x3F800000, v4;
	v8 =	vsub.f32 $1.500000000e+00, v8  }
0xec: {  	vm4 =	vgt.f32 v47, $1.000000000e+00;
	v4 =	vmul.f32 v4, v40;
	v5 =	vadd.f32 v6, v5  }
0xed: {  	v6 =	vnsel vm4, $0x3F800000, v7;
	v7 =	vmul.f32 v8, v52  }
0xee: {  	vm5 =	vgt.f32 v44, $1.000000000e+00;
	v4 =	vadd.f32 v4, v5;
	v5 =	vmul.f32 v6, v38  }
0xef: {  	v6 =	vnsel vm5, $0x3F800000, v7  }
0xf0: {  	v4 =	vadd.f32 v5, v4;
	v5 =	vmul.f32 v6, v32;
	_ =	sdelay $0x1  }
0xf1: {  	v8 =	vsub.f32 $1.500000000e+00, v53;
	v4 =	vadd.f32 v5, v4;
	v5 =	vld [tilespmem:$0x1FFD0];
	_ =	sdelay $0x1  }
0xf2: {  	v7 =	vmul.f32 v8, v50  }
0xf3: {  	vm6 =	vgt.f32 v41, $1.000000000e+00  }
0xf4: {  	v6 =	vnsel vm6, $0x3F800000, v7  }
0xf5: {  	v5 =	vmul.f32 v6, v5;
	_ =	sdelay $0x1  }
0xf6: {  	v8 =	vsub.f32 $1.500000000e+00, v46;
	v4 =	vadd.f32 v5, v4;
	v5 =	vld [tilespmem:$0x1FFA0];
	_ =	sdelay $0x1  }
0xf7: {  	v7 =	vmul.f32 v8, v43  }
0xf8: {  	vm7 =	vgt.f32 v33, $1.000000000e+00  }
0xf9: {  	v6 =	vnsel vm7, $0x3F800000, v7  }
0xfa: {  	v5 =	vmul.f32 v6, v5;
	_ =	sdelay $0x1  }
0xfb: {  	v8 =	vsub.f32 $1.500000000e+00, v23;
	v4 =	vadd.f32 v5, v4;
	v5 =	vld [tilespmem:$0x1FF70];
	_ =	sdelay $0x1  }
0xfc: {  	v7 =	vmul.f32 v8, v39;
	v8 =	vld [tilespmem:$0x1FFE0]  }
0xfd: {  	vm8 =	vgt.f32 v29, $1.000000000e+00  }
0xfe: {  	v6 =	vnsel vm8, $0x3F800000, v7  }
0xff: {  	v5 =	vmul.f32 v6, v5;
	_ =	sdelay $0x1  }
0x100: {  	v8 =	vsub.f32 $1.500000000e+00, v8;
	v4 =	vadd.f32 v5, v4;
	v5 =	vld [tilespmem:$0x1FF40];
	_ =	sdelay $0x1  }
0x101: {  	v7 =	vmul.f32 v8, v35;
	v8 =	vld [tilespmem:$0x1FFF0]  }
0x102: {  	vm9 =	vgt.f32 v27, $1.000000000e+00  }
0x103: {  	v6 =	vnsel vm9, $0x3F800000, v7  }
0x104: {  	v5 =	vmul.f32 v6, v5;
	_ =	sdelay $0x1  }
0x105: {  	v8 =	vsub.f32 $1.500000000e+00, v8;
	v4 =	vadd.f32 v5, v4;
	v5 =	vld [tilespmem:$0x1FF00];
	_ =	sdelay $0x1  }
0x106: {  	v7 =	vmul.f32 v8, v34;
	v8 =	vld [tilespmem:$0x1FFC0]  }
0x107: {  	vm10 =	vgt.f32 v25, $1.000000000e+00  }
0x108: {  	v6 =	vnsel vm10, $0x3F800000, v7  }
0x109: {  	v5 =	vmul.f32 v6, v5;
	v6 =	vld [tilespmem:$0x1FF30];
	_ =	sdelay $0x1  }
0x10a: {  	v8 =	vsub.f32 $1.500000000e+00, v8;
	v4 =	vadd.f32 v5, v4;
	v5 =	vld [tilespmem:$0x1FED0];
	_ =	sdelay $0x1  }
0x10b: {  	v7 =	vmul.f32 v8, v26;
	v8 =	vld [tilespmem:$0x1FFB0]  }
0x10c: {  	vm11 =	vgt.f32 v6, $1.000000000e+00  }
0x10d: {  	v6 =	vnsel vm11, $0x3F800000, v7  }
0x10e: {  	v5 =	vmul.f32 v6, v5;
	v6 =	vld [tilespmem:$0x1FEF0];
	_ =	sdelay $0x1  }
0x10f: {  	v8 =	vsub.f32 $1.500000000e+00, v8;
	v4 =	vadd.f32 v5, v4;
	v5 =	vld [tilespmem:$0x1FEB0];
	_ =	sdelay $0x1  }
0x110: {  	v7 =	vmul.f32 v8, v60;
	v8 =	vld [tilespmem:$0x1FF90]  }
0x111: {  	vm12 =	vgt.f32 v6, $1.000000000e+00  }
0x112: {  	v6 =	vnsel vm12, $0x3F800000, v7;
	v7 =	vld [tilespmem:$0x1FF80]  }
0x113: {  	v5 =	vmul.f32 v6, v5;
	v6 =	vld [tilespmem:$0x1FEE0];
	_ =	sdelay $0x1  }
0x114: {  	v8 =	vsub.f32 $1.500000000e+00, v8;
	v4 =	vadd.f32 v5, v4;
	v5 =	vld [tilespmem:$0x1FE90];
	_ =	sdelay $0x1  }
0x115: {  	v7 =	vmul.f32 v8, v7;
	v8 =	vld [tilespmem:$0x1FF60]  }
0x116: {  	vm13 =	vgt.f32 v6, $1.000000000e+00  }
0x117: {  	v6 =	vnsel vm13, $0x3F800000, v7;
	v7 =	vld [tilespmem:$0x1FF50]  }
0x118: {  	v5 =	vmul.f32 v6, v5;
	v6 =	vld [tilespmem:$0x1FEC0];
	_ =	sdelay $0x1  }
0x119: {  	v8 =	vsub.f32 $1.500000000e+00, v8;
	v4 =	vadd.f32 v5, v4;
	v5 =	vld [tilespmem:$0x1FE80];
	_ =	sdelay $0x1  }
0x11a: {  	v7 =	vmul.f32 v8, v7;
	v8 =	vld [tilespmem:$0x1FF20]  }
0x11b: {  	vm14 =	vgt.f32 v6, $1.000000000e+00  }
0x11c: {  	v6 =	vnsel vm14, $0x3F800000, v7;
	v7 =	vld [tilespmem:$0x1FF10]  }
0x11d: {  	v5 =	vmul.f32 v6, v5;
	v6 =	vld [tilespmem:$0x1FEA0];
	_ =	sdelay $0x1  }
0x11e: {  	v8 =	vsub.f32 $1.500000000e+00, v8;
	v4 =	vadd.f32 v5, v4;
	v5 =	vld [tilespmem:$0x1FE70];
	_ =	sdelay $0x1  }
0x11f: {  	v7 =	vmul.f32 v8, v7  }
0x120: {  	vm15 =	vgt.f32 v6, $1.000000000e+00  }
0x121: {  	v6 =	vnsel vm15, $0x3F800000, v7  }
0x122: {  	v5 =	vmul.f32 v6, v5;
	_ =	sdelay $0x1  }
0x123: {  	v4 =	vadd.f32 v5, v4;
	_ =	sdelay $0x1  }
0x124: {  	v4 =	vmul.f32 $5.000000070e-02, v4  }
0x125: {  	s23 =	sshra.s32 s21, $0x2  }
0x126: {  	s20 =	sadd.s32 $0x140, s20;
	[tilespmem:s23+$0x2A80] =	vst v4  }
0x127: {  	v4 =	vld [tilespmem:s20+$0x90];
	_ =	sdelay $0x4  }
0x128: {  	[tilespmem:$0x1FE70] =	vst v4;
	v4 =	vmul.f32 v4, v4;
	_ =	sdelay $0x1  }
0x129: {  	v6 =	vld [tilespmem:s20+$0x80];
	v5 =	vperm.xlane v4, v0;
	_ =	sdelay $0x1  }
0x12a: {  	v4 =	vadd.f32 v5, v4;
	_ =	sdelay $0x1  }
0x12b: {  	v5 =	vperm.xlane v4, v1  }
0x12c: {  	[tilespmem:$0x1FE80] =	vst v6;
	v6 =	vmul.f32 v6, v6  }
0x12d: {  	v8 =	vld [tilespmem:s20+$0x70];
	v4 =	vadd.f32 v5, v4  }
0x12e: {  	v5 =	vperm.xlane v6, v0  }
0x12f: {  	v7 =	vperm.xlane v4, v2  }
0x130: {  	v5 =	vadd.f32 v5, v6  }
0x131: {  	v4 =	vadd.f32 v7, v4  }
0x132: {  	v6 =	vmul.f32 v8, v8;
	v7 =	vperm.xlane v5, v1  }
0x133: {  	[tilespmem:$0x1FE90] =	vst v8;
	v8 =	vperm.xlane v4, v3  }
0x134: {  	v9 =	vperm.xlane v6, v0;
	v5 =	vadd.f32 v7, v5  }
0x135: {  	v8 =	vadd.f32 v8, v4  }
0x136: {  	v4 =	vadd.f32 v9, v6;
	v6 =	vperm.xlane v5, v2  }
0x137: {  	v7 =	vshra.s32 v8, $0x1;
	[tilespmem:$0x1FEA0] =	vst v8;
	v8 =	vmul.f32 $5.000000000e-01, v8  }
0x138: {  	v11 =	vld [tilespmem:s20+$0x60];
	v9 =	vperm.xlane v4, v1;
	v5 =	vadd.f32 v6, v5;
	v7 =	vsub.s32 $0x5F3759DF, v7  }
0x139: {  	v6 =	vmul.f32 v7, v8  }
0x13a: {  	v4 =	vadd.f32 v9, v4;
	v9 =	vperm.xlane v5, v3  }
0x13b: {  	v6 =	vmul.f32 v7, v6  }
0x13c: {  	v10 =	vperm.xlane v4, v2;
	v50 =	vadd.f32 v9, v5  }
0x13d: {  	v5 =	vsub.f32 $1.500000000e+00, v6;
	v6 =	vmul.f32 v11, v11  }
0x13e: {  	v51 =	vld [tilespmem:s20+$0x50];
	v4 =	vadd.f32 v10, v4;
	v9 =	vshra.s32 v50, $0x1;
	v10 =	vmul.f32 $5.000000000e-01, v50  }
0x13f: {  	v9 =	vsub.s32 $0x5F3759DF, v9;
	v5 =	vmul.f32 v7, v5;
	v7 =	vperm.xlane v6, v0  }
0x140: {  	[tilespmem:$0x1FEB0] =	vst v11;
	v11 =	vperm.xlane v4, v3;
	v12 =	vmul.f32 v9, v10  }
0x141: {  	v6 =	vadd.f32 v7, v6  }
0x142: {  	v52 =	vadd.f32 v11, v4;
	v11 =	vmul.f32 v9, v12  }
0x143: {  	v7 =	vmul.f32 v51, v51;
	v53 =	vperm.xlane v6, v1  }
0x144: {  	v54 =	vshra.s32 v52, $0x1;
	v14 =	vmul.f32 $5.000000000e-01, v52;
	v11 =	vsub.f32 $1.500000000e+00, v11  }
0x145: {  	v55 =	vperm.xlane v7, v0;
	v13 =	vsub.s32 $0x5F3759DF, v54;
	v6 =	vadd.f32 v53, v6  }
0x146: {  	v56 =	vmul.f32 v13, v14;
	v9 =	vmul.f32 v9, v11  }
0x147: {  	v4 =	vmul.f32 v5, v8;
	v7 =	vadd.f32 v55, v7;
	v11 =	vperm.xlane v6, v2  }
0x148: {  	v12 =	vmul.f32 v13, v56;
	v57 =	vmul.f32 v9, v10  }
0x149: {  	v4 =	vmul.f32 v4, v5;
	v15 =	vperm.xlane v7, v1  }
0x14a: {  	v59 =	vld [tilespmem:s20+$0x40];
	v6 =	vadd.f32 v11, v6;
	v11 =	vsub.f32 $1.500000000e+00, v12;
	v58 =	vmul.f32 v57, v9  }
0x14b: {  	v4 =	vsub.f32 $1.500000000e+00, v4;
	v7 =	vadd.f32 v15, v7  }
0x14c: {  	v60 =	vperm.xlane v6, v3;
	v11 =	vmul.f32 v13, v11;
	v12 =	vsub.f32 $1.500000000e+00, v58  }
0x14d: {  	v62 =	vmul.f32 v4, v5;
	v61 =	vperm.xlane v7, v2  }
0x14e: {  	v15 =	vadd.f32 v60, v6;
	v4 =	vmul.f32 v11, v14;
	v63 =	vmul.f32 v12, v9  }
0x14f: {  	v5 =	vadd.f32 v61, v7;
	v6 =	vmul.f32 v62, v8;
	v9 =	vmul.f32 v59, v59  }
0x150: {  	v7 =	vshra.s32 v15, $0x1;
	v8 =	vmul.f32 $5.000000000e-01, v15;
	v4 =	vmul.f32 v4, v11  }
0x151: {  	v32 =	vld [tilespmem:s20+$0x30];
	v33 =	vperm.xlane v5, v3;
	v6 =	vmul.f32 v6, v62;
	v7 =	vsub.s32 $0x5F3759DF, v7  }
0x152: {  	v34 =	vmul.f32 v7, v8  }
0x153: {  	v4 =	vsub.f32 $1.500000000e+00, v4;
	[tilespmem:$0x1FF20] =	vst v6;
	v6 =	vperm.xlane v9, v0;
	v12 =	vadd.f32 v33, v5  }
0x154: {  	v5 =	vmul.f32 v63, v10;
	v10 =	vmul.f32 v7, v34  }
0x155: {  	v36 =	vld [tilespmem:s20+$0x20];
	v35 =	vmul.f32 v4, v11;
	v4 =	vadd.f32 v6, v9;
	v9 =	vmul.f32 $5.000000000e-01, v12  }
0x156: {  	v6 =	vshra.s32 v12, $0x1;
	v11 =	vmul.f32 v32, v32;
	v5 =	vmul.f32 v5, v63  }
0x157: {  	v40 =	vld [tilespmem:s20+$0x10];
	v6 =	vsub.s32 $0x5F3759DF, v6;
	v10 =	vsub.f32 $1.500000000e+00, v10;
	v37 =	vperm.xlane v4, v1  }
0x158: {  	[tilespmem:$0x1FEF0] =	vst v15;
	v38 =	vmul.f32 v6, v9;
	v15 =	vperm.xlane v11, v0  }
0x159: {  	v7 =	vmul.f32 v7, v10;
	v4 =	vadd.f32 v37, v4  }
0x15a: {  	v41 =	vmul.f32 v36, v36;
	[tilespmem:$0x1FF60] =	vst v5;
	v10 =	vmul.f32 v6, v38;
	v5 =	vadd.f32 v15, v11  }
0x15b: {  	v11 =	vmul.f32 v7, v8;
	v42 =	vperm.xlane v4, v2  }
0x15c: {  	v45 =	vmul.f32 v40, v40;
	v10 =	vsub.f32 $1.500000000e+00, v10;
	v15 =	vperm.xlane v5, v1  }
0x15d: {  	v39 =	vmul.f32 v35, v14;
	v11 =	vmul.f32 v11, v7;
	v4 =	vadd.f32 v42, v4  }
0x15e: {  	v16 =	vperm.xlane v41, v0;
	v6 =	vmul.f32 v6, v10;
	v5 =	vadd.f32 v15, v5  }
0x15f: {  	[tilespmem:$0x1FFA0] =	vst v40;
	v40 =	vld [tilespmem:s20+$0xFFFFFFD0];
	v10 =	vsub.f32 $1.500000000e+00, v11;
	v11 =	vmul.f32 v39, v35;
	v43 =	vperm.xlane v4, v3  }
0x160: {  	v15 =	vperm.xlane v5, v2  }
0x161: {  	v44 =	vmul.f32 v6, v9;
	[tilespmem:$0x1FF90] =	vst v11;
	v11 =	vadd.f32 v16, v41;
	v25 =	vadd.f32 v43, v4  }
0x162: {  	v23 =	vmul.f32 v10, v7;
	v4 =	vperm.xlane v45, v0;
	v5 =	vadd.f32 v15, v5  }
0x163: {  	v7 =	vmul.f32 v44, v6;
	v16 =	vperm.xlane v11, v1  }
0x164: {  	v17 =	vmul.f32 v40, v40;
	v4 =	vadd.f32 v4, v45;
	v46 =	vperm.xlane v5, v3  }
0x165: {  	[tilespmem:$0x1FF30] =	vst v12;
	v12 =	vmul.f32 $5.000000000e-01, v25;
	v7 =	vsub.f32 $1.500000000e+00, v7;
	v10 =	vadd.f32 v16, v11  }
0x166: {  	v11 =	vshra.s32 v25, $0x1;
	v49 =	vperm.xlane v4, v1;
	v27 =	vadd.f32 v46, v5  }
0x167: {  	[tilespmem:$0x1FF40] =	vst v32;
	v32 =	vld [tilespmem:s20+$0xFFFFFFF0];
	v5 =	vmul.f32 v23, v8;
	v26 =	vmul.f32 v7, v6;
	v11 =	vsub.s32 $0x5F3759DF, v11  }
0x168: {  	v47 =	vperm.xlane v10, v2;
	v48 =	vmul.f32 v11, v12;
	v4 =	vadd.f32 v49, v4  }
0x169: {  	v6 =	vshra.s32 v27, $0x1;
	v7 =	vmul.f32 $5.000000000e-01, v27;
	v5 =	vmul.f32 v5, v23  }
0x16a: {  	[tilespmem:$0x1FED0] =	vst v51;
	v6 =	vsub.s32 $0x5F3759DF, v6;
	v8 =	vadd.f32 v47, v10;
	v10 =	vmul.f32 v11, v48  }
0x16b: {  	[tilespmem:$0x1FEE0] =	vst v52;
	v51 =	vperm.xlane v4, v2;
	v52 =	vmul.f32 v6, v7  }
0x16c: {  	[tilespmem:$0x1FEC0] =	vst v50;
	v56 =	vmul.f32 v32, v32;
	v50 =	vperm.xlane v8, v3;
	v10 =	vsub.f32 $1.500000000e+00, v10  }
0x16d: {  	v53 =	vld [tilespmem:s20+$0x0];
	v9 =	vmul.f32 v26, v9;
	[tilespmem:$0x1FFB0] =	vst v5;
	v4 =	vadd.f32 v51, v4;
	v5 =	vmul.f32 v6, v52  }
0x16e: {  	[tilespmem:$0x1FF00] =	vst v59;
	v59 =	vperm.xlane v56, v0;
	v29 =	vadd.f32 v50, v8;
	v8 =	vmul.f32 v11, v10  }
0x16f: {  	v9 =	vmul.f32 v9, v26;
	v14 =	vperm.xlane v4, v3;
	v5 =	vsub.f32 $1.500000000e+00, v5  }
0x170: {  	v10 =	vshra.s32 v29, $0x1;
	v11 =	vmul.f32 $5.000000000e-01, v29;
	v54 =	vmul.f32 v8, v12  }
0x171: {  	v33 =	vadd.f32 v14, v4;
	v4 =	vmul.f32 v6, v5;
	v10 =	vsub.s32 $0x5F3759DF, v10  }
0x172: {  	v6 =	vmul.f32 v53, v53;
	v55 =	vmul.f32 v10, v11  }
0x173: {  	v5 =	vmul.f32 v54, v8;
	v14 =	vshra.s32 v33, $0x1;
	v57 =	vmul.f32 $5.000000000e-01, v33  }
0x174: {  	v16 =	vperm.xlane v6, v0;
	v58 =	vmul.f32 v4, v7;
	v14 =	vsub.s32 $0x5F3759DF, v14  }
0x175: {  	[tilespmem:$0x1FFC0] =	vst v9;
	v9 =	vmul.f32 v10, v55;
	v60 =	vmul.f32 v14, v57  }
0x176: {  	v13 =	vadd.f32 v59, v56;
	v61 =	vmul.f32 v58, v4;
	v5 =	vsub.f32 $1.500000000e+00, v5  }
0x177: {  	[tilespmem:$0x1FF10] =	vst v62;
	v6 =	vadd.f32 v16, v6;
	v9 =	vsub.f32 $1.500000000e+00, v9;
	v62 =	vmul.f32 v14, v60  }
0x178: {  	v16 =	vsub.f32 $1.500000000e+00, v61;
	v34 =	vmul.f32 v5, v8;
	v5 =	vperm.xlane v13, v1  }
0x179: {  	v9 =	vmul.f32 v10, v9;
	v10 =	vperm.xlane v6, v1;
	v8 =	vsub.f32 $1.500000000e+00, v62  }
0x17a: {  	[tilespmem:$0x1FF80] =	vst v35;
	v48 =	vld [tilespmem:s20+$0xFFFFFFB0];
	v35 =	vmul.f32 v16, v4;
	v4 =	vmul.f32 v34, v12;
	v5 =	vadd.f32 v5, v13  }
0x17b: {  	[tilespmem:$0x1FF50] =	vst v63;
	v63 =	vmul.f32 v9, v11;
	v8 =	vmul.f32 v14, v8  }
0x17c: {  	v38 =	vld [tilespmem:s20+$0xFFFFFFE0];
	v6 =	vadd.f32 v10, v6;
	v7 =	vmul.f32 v35, v7;
	v13 =	vperm.xlane v5, v2  }
0x17d: {  	v4 =	vmul.f32 v4, v34;
	v10 =	vmul.f32 v63, v9  }
0x17e: {  	v16 =	vperm.xlane v6, v2;
	v14 =	vmul.f32 v8, v57  }
0x17f: {  	v56 =	vmul.f32 v48, v48;
	v7 =	vmul.f32 v7, v35;
	v10 =	vsub.f32 $1.500000000e+00, v10  }
0x180: {  	[tilespmem:$0x1FFF0] =	vst v4;
	v4 =	vadd.f32 v13, v5;
	v6 =	vadd.f32 v16, v6;
	v5 =	vmul.f32 v14, v8  }
0x181: {  	[tilespmem:$0x1FFE0] =	vst v7;
	v7 =	vmul.f32 v38, v38;
	v39 =	vmul.f32 v10, v9  }
0x182: {  	v9 =	vperm.xlane v6, v3;
	v10 =	vperm.xlane v4, v3;
	v5 =	vsub.f32 $1.500000000e+00, v5  }
0x183: {  	v45 =	vld [tilespmem:s20+$0xFFFFFFC0];
	v18 =	vperm.xlane v7, v0;
	v11 =	vmul.f32 v39, v11  }
0x184: {  	v41 =	vadd.f32 v9, v6;
	v44 =	vadd.f32 v10, v4;
	v43 =	vmul.f32 v5, v8  }
0x185: {  	v4 =	vperm.xlane v17, v0;
	v5 =	vadd.f32 v18, v7;
	v42 =	vmul.f32 v11, v39  }
0x186: {  	v6 =	vshra.s32 v41, $0x1;
	v7 =	vshra.s32 v44, $0x1;
	v8 =	vmul.f32 $5.000000000e-01, v41  }
0x187: {  	v4 =	vadd.f32 v4, v17;
	v9 =	vperm.xlane v5, v1;
	v10 =	vmul.f32 $5.000000000e-01, v44  }
0x188: {  	v11 =	vmul.f32 v45, v45;
	v6 =	vsub.s32 $0x5F3759DF, v6;
	v7 =	vsub.s32 $0x5F3759DF, v7  }
0x189: {  	[tilespmem:$0x1FF70] =	vst v36;
	v19 =	vmul.f32 v6, v8;
	v36 =	vperm.xlane v4, v1;
	v5 =	vadd.f32 v9, v5  }
0x18a: {  	v9 =	vmul.f32 v7, v10;
	v37 =	vperm.xlane v11, v0  }
0x18b: {  	v12 =	vmul.f32 v6, v19;
	v4 =	vadd.f32 v36, v4;
	v46 =	vperm.xlane v5, v2  }
0x18c: {  	v58 =	vperm.xlane v56, v0;
	v9 =	vmul.f32 v7, v9;
	v11 =	vadd.f32 v37, v11  }
0x18d: {  	v12 =	vsub.f32 $1.500000000e+00, v12;
	v52 =	vperm.xlane v4, v2;
	v5 =	vadd.f32 v46, v5  }
0x18e: {  	[tilespmem:$0x1FFD0] =	vst v53;
	v47 =	vmul.f32 v43, v57;
	v9 =	vsub.f32 $1.500000000e+00, v9;
	v53 =	vperm.xlane v11, v1  }
0x18f: {  	v6 =	vmul.f32 v6, v12;
	v4 =	vadd.f32 v52, v4;
	v54 =	vperm.xlane v5, v3  }
0x190: {  	v46 =	vmul.f32 v47, v43;
	v7 =	vmul.f32 v7, v9;
	v9 =	vadd.f32 v53, v11  }
0x191: {  	v11 =	vmul.f32 v6, v8;
	v55 =	vperm.xlane v4, v3;
	v47 =	vadd.f32 v54, v5  }
0x192: {  	v12 =	vadd.f32 v58, v56;
	v5 =	vmul.f32 v7, v10;
	v57 =	vperm.xlane v9, v2  }
0x193: {  	v49 =	vadd.f32 v55, v4;
	v4 =	vshra.s32 v47, $0x1;
	v60 =	vmul.f32 $5.000000000e-01, v47  }
0x194: {  	v9 =	vadd.f32 v57, v9;
	v5 =	vmul.f32 v5, v7;
	v4 =	vsub.s32 $0x5F3759DF, v4  }
0x195: {  	v59 =	vshra.s32 v49, $0x1;
	v61 =	vmul.f32 $5.000000000e-01, v49;
	v63 =	vmul.f32 v4, v60  }
0x196: {  	v54 =	vperm.xlane v12, v1;
	v36 =	vperm.xlane v9, v3;
	v14 =	vsub.s32 $0x5F3759DF, v59  }
0x197: {  	v5 =	vsub.f32 $1.500000000e+00, v5;
	v37 =	vmul.f32 v14, v61;
	v15 =	vmul.f32 v4, v63  }
0x198: {  	v12 =	vadd.f32 v54, v12;
	v51 =	vadd.f32 v36, v9;
	v9 =	vmul.f32 v11, v6  }
0x199: {  	v52 =	vmul.f32 v5, v7;
	v11 =	vmul.f32 v14, v37;
	v55 =	vsub.f32 $1.500000000e+00, v15  }
0x19a: {  	v56 =	vshra.s32 v51, $0x1;
	v62 =	vmul.f32 $5.000000000e-01, v51;
	v9 =	vsub.f32 $1.500000000e+00, v9  }
0x19b: {  	v15 =	vsub.s32 $0x5F3759DF, v56;
	v11 =	vsub.f32 $1.500000000e+00, v11;
	v13 =	vmul.f32 v4, v55  }
0x19c: {  	v4 =	vperm.xlane v12, v2;
	v57 =	vmul.f32 v15, v62  }
0x19d: {  	v50 =	vmul.f32 v9, v6;
	v55 =	vld [tilespmem:s20+$0xFFFFFFA0];
	v11 =	vmul.f32 v14, v11  }
0x19e: {  	v58 =	vmul.f32 v13, v60;
	v4 =	vadd.f32 v4, v12;
	v59 =	vmul.f32 v15, v57  }
0x19f: {  	v8 =	vmul.f32 v50, v8;
	v6 =	vmul.f32 v11, v61  }
0x1a0: {  	v9 =	vmul.f32 v58, v13;
	v63 =	vperm.xlane v4, v3;
	v12 =	vsub.f32 $1.500000000e+00, v59  }
0x1a1: {  	p0 =	sne.s32 s22, $0x7C0;
	v53 =	vmul.f32 v8, v50;
	v6 =	vmul.f32 v6, v11  }
.Ltmp0:
0x1a2: {  	v8 =	vmul.f32 v55, v55;
	v56 =	vadd.f32 v63, v4;
	v4 =	vmul.f32 v15, v12;
	(pc) =	sbr.rel @p0 .LBB2_2-.Ltmp0, $4  }
0x1a3: {  	v9 =	vsub.f32 $1.500000000e+00, v9;
	v63 =	vmul.f32 v52, v10;
	v5 =	vsub.f32 $1.500000000e+00, v6  }
0x1a4: {  	v6 =	vshra.s32 v56, $0x1;
	v59 =	vmul.f32 $5.000000000e-01, v56;
	v7 =	vmul.f32 v4, v62  }
0x1a5: {  	v54 =	vmul.f32 v9, v13;
	v6 =	vsub.s32 $0x5F3759DF, v6;
	v57 =	vmul.f32 v5, v11  }
0x1a6: {  	s21 =	smov.u32 s22;
	s22 =	sadd.s32 $0x40, s22;
	v58 =	vld [tilespmem:s20+$0xFFFFFF60];
	v5 =	vmul.f32 v6, v59;
	v22 =	vmul.f32 v7, v4  }
0x1a7: {  	v16 =	vld [tilespmem:s20+$0xFFFFFF70]  }
0x1a8: {  	v20 =	vld [tilespmem:s20+$0xFFFFFF80];
	_ =	sdelay $0x2  }
0x1a9: {  	v13 =	vld [tilespmem:s20+$0xFFFFFF90];
	v7 =	vmul.f32 v58, v58  }
0x1aa: {  	v10 =	vmul.f32 v16, v16  }
0x1ab: {  	v37 =	vmul.f32 v20, v20;
	v9 =	vperm.xlane v7, v0;
	_ =	sdelay $0x1  }
0x1ac: {  	v11 =	vperm.xlane v10, v0;
	v17 =	vperm.xlane v37, v0;
	v7 =	vadd.f32 v9, v7  }
0x1ad: {  	v19 =	vperm.xlane v8, v0;
	v18 =	vmul.f32 v13, v13  }
0x1ae: {  	v10 =	vadd.f32 v11, v10;
	v9 =	vadd.f32 v17, v37;
	v12 =	vperm.xlane v7, v1  }
0x1af: {  	v8 =	vadd.f32 v19, v8;
	v14 =	vperm.xlane v18, v0  }
0x1b0: {  	v21 =	vperm.xlane v10, v1;
	v24 =	vperm.xlane v9, v1;
	v7 =	vadd.f32 v12, v7  }
0x1b1: {  	v28 =	vperm.xlane v8, v1;
	v12 =	vadd.f32 v14, v18  }
0x1b2: {  	v10 =	vadd.f32 v21, v10;
	v9 =	vadd.f32 v24, v9;
	v15 =	vperm.xlane v7, v2  }
0x1b3: {  	v5 =	vmul.f32 v6, v5;
	v8 =	vadd.f32 v28, v8;
	v14 =	vperm.xlane v12, v1  }
0x1b4: {  	[tilespmem:$0x1FE50] =	vst v13;
	v13 =	vperm.xlane v10, v2;
	v30 =	vperm.xlane v9, v2;
	v7 =	vadd.f32 v15, v7  }
0x1b5: {  	v5 =	vsub.f32 $1.500000000e+00, v5;
	v31 =	vperm.xlane v8, v2;
	v12 =	vadd.f32 v14, v12  }
0x1b6: {  	v10 =	vadd.f32 v13, v10;
	v9 =	vadd.f32 v30, v9;
	v15 =	vperm.xlane v7, v3  }
0x1b7: {  	v5 =	vmul.f32 v6, v5;
	v8 =	vadd.f32 v31, v8;
	v14 =	vperm.xlane v12, v2  }
0x1b8: {  	v13 =	vperm.xlane v10, v3;
	v36 =	vperm.xlane v9, v3;
	v7 =	vadd.f32 v15, v7  }
0x1b9: {  	v24 =	vperm.xlane v8, v3;
	v37 =	vadd.f32 v14, v12;
	v14 =	vsub.f32 $1.500000000e+00, v22  }
0x1ba: {  	v10 =	vadd.f32 v13, v10;
	v9 =	vadd.f32 v36, v9;
	v15 =	vshra.s32 v7, $0x1  }
0x1bb: {  	v17 =	vmul.f32 $5.000000000e-01, v7;
	v19 =	vperm.xlane v37, v3;
	v13 =	vsub.s32 $0x5F3759DF, v15  }
0x1bc: {  	v36 =	vshra.s32 v10, $0x1;
	v18 =	vmul.f32 $5.000000000e-01, v10;
	v21 =	vshra.s32 v9, $0x1  }
0x1bd: {  	v22 =	vmul.f32 $5.000000000e-01, v9;
	v31 =	vmul.f32 v13, v17;
	v15 =	vsub.s32 $0x5F3759DF, v36  }
0x1be: {  	v21 =	vsub.s32 $0x5F3759DF, v21;
	v11 =	vadd.f32 v19, v37;
	v28 =	vmul.f32 v15, v18  }
0x1bf: {  	v8 =	vadd.f32 v24, v8;
	v37 =	vmul.f32 v21, v22;
	v12 =	vmul.f32 v13, v31  }
0x1c0: {  	v36 =	vshra.s32 v11, $0x1;
	v24 =	vmul.f32 $5.000000000e-01, v11;
	v30 =	vmul.f32 v15, v28  }
0x1c1: {  	v4 =	vmul.f32 v14, v4;
	v19 =	vsub.s32 $0x5F3759DF, v36;
	v12 =	vsub.f32 $1.500000000e+00, v12  }
0x1c2: {  	v31 =	vmul.f32 v21, v37;
	v36 =	vmul.f32 v19, v24;
	v14 =	vsub.f32 $1.500000000e+00, v30  }
0x1c3: {  	v37 =	vshra.s32 v8, $0x1;
	v30 =	vmul.f32 $5.000000000e-01, v8;
	v12 =	vmul.f32 v13, v12  }
0x1c4: {  	v13 =	vsub.f32 $1.500000000e+00, v31;
	v14 =	vmul.f32 v15, v14;
	v15 =	vsub.s32 $0x5F3759DF, v37  }
0x1c5: {  	v28 =	vmul.f32 v19, v36;
	v37 =	vmul.f32 v15, v30  }
0x1c6: {  	v13 =	vmul.f32 v21, v13;
	v31 =	vmul.f32 v12, v17  }
0x1c7: {  	v28 =	vsub.f32 $1.500000000e+00, v28;
	v36 =	vmul.f32 v14, v18;
	v21 =	vmul.f32 v15, v37  }
0x1c8: {  	v37 =	vmul.f32 v13, v22;
	v31 =	vmul.f32 v31, v12  }
0x1c9: {  	v6 =	vmul.f32 v19, v28;
	v36 =	vmul.f32 v36, v14  }
0x1ca: {  	v21 =	vsub.f32 $1.500000000e+00, v21;
	v37 =	vmul.f32 v37, v13;
	v19 =	vsub.f32 $1.500000000e+00, v31  }
0x1cb: {  	v31 =	vmul.f32 v5, v59;
	v36 =	vsub.f32 $1.500000000e+00, v36  }
0x1cc: {  	v15 =	vmul.f32 v15, v21;
	v37 =	vsub.f32 $1.500000000e+00, v37;
	v12 =	vmul.f32 v19, v12  }
0x1cd: {  	v19 =	vmul.f32 v31, v5;
	v14 =	vmul.f32 v36, v14  }
0x1ce: {  	vm13 =	vgt.f32 v56, $1.000000000e+00;
	v36 =	vmul.f32 v6, v24;
	v13 =	vmul.f32 v37, v13  }
0x1cf: {  	vm14 =	vgt.f32 v51, $1.000000000e+00;
	v17 =	vmul.f32 v12, v17;
	v37 =	vmul.f32 v15, v30  }
0x1d0: {  	vm12 =	vgt.f32 v8, $1.000000000e+00;
	v18 =	vmul.f32 v14, v18;
	v21 =	vmul.f32 v36, v6  }
0x1d1: {  	v19 =	vsub.f32 $1.500000000e+00, v19;
	v17 =	vmul.f32 v17, v12;
	v28 =	vmul.f32 v37, v15  }
0x1d2: {  	vm0 =	vgt.f32 v7, $1.000000000e+00;
	v22 =	vmul.f32 v13, v22;
	v18 =	vmul.f32 v18, v14  }
0x1d3: {  	v5 =	vmul.f32 v19, v5;
	v19 =	vsub.f32 $1.500000000e+00, v21;
	v17 =	vsub.f32 $1.500000000e+00, v17  }
0x1d4: {  	v31 =	vsub.f32 $1.500000000e+00, v28;
	v37 =	vmul.f32 v22, v13;
	v36 =	vsub.f32 $1.500000000e+00, v18  }
0x1d5: {  	vm9 =	vgt.f32 v10, $1.000000000e+00;
	v6 =	vmul.f32 v19, v6;
	v12 =	vmul.f32 v17, v12  }
0x1d6: {  	v15 =	vmul.f32 v31, v15;
	v22 =	vsub.f32 $1.500000000e+00, v37;
	v21 =	vmul.f32 v36, v14  }
0x1d7: {  	vm10 =	vgt.f32 v9, $1.000000000e+00;
	v28 =	vmul.f32 v6, v24;
	v36 =	vmul.f32 v5, v59  }
0x1d8: {  	vm11 =	vgt.f32 v11, $1.000000000e+00;
	v59 =	vmul.f32 v4, v62;
	v13 =	vmul.f32 v22, v13  }
0x1d9: {  	v12 =	vnsel vm0, $0x3F800000, v12;
	v31 =	vmul.f32 v15, v30;
	v10 =	vmul.f32 v28, v6  }
0x1da: {  	v12 =	vmul.f32 v12, v58;
	v7 =	vnsel vm9, $0x3F800000, v21;
	v9 =	vmul.f32 v36, v5  }
0x1db: {  	v17 =	vld [tilespmem:$0x1FE50];
	v21 =	vmul.f32 v54, v60;
	v14 =	vmul.f32 v31, v15;
	v10 =	vsub.f32 $1.500000000e+00, v10  }
0x1dc: {  	v7 =	vmul.f32 v7, v16;
	v37 =	vnsel vm10, $0x3F800000, v13;
	v12 =	vadd.f32 $0.0e+00, v12  }
0x1dd: {  	v16 =	vmul.f32 v57, v61;
	v58 =	vsub.f32 $1.500000000e+00, v14;
	v6 =	vmul.f32 v10, v6  }
0x1de: {  	v9 =	vsub.f32 $1.500000000e+00, v9;
	v7 =	vadd.f32 v7, v12;
	v12 =	vmul.f32 v37, v20  }
0x1df: {  	v10 =	vmul.f32 v59, v4;
	v62 =	vmul.f32 v58, v15;
	v6 =	vnsel vm11, $0x3F800000, v6  }
0x1e0: {  	v18 =	vmul.f32 v16, v57;
	v7 =	vadd.f32 v12, v7;
	v6 =	vmul.f32 v6, v17  }
0x1e1: {  	v5 =	vmul.f32 v9, v5;
	v10 =	vsub.f32 $1.500000000e+00, v10;
	v19 =	vnsel vm12, $0x3F800000, v62  }
0x1e2: {  	v22 =	vmul.f32 v21, v54;
	v20 =	vmul.f32 v19, v55;
	v6 =	vadd.f32 v6, v7  }
0x1e3: {  	v8 =	vsub.f32 $1.500000000e+00, v18;
	v5 =	vnsel vm13, $0x3F800000, v5;
	v4 =	vmul.f32 v10, v4  }
0x1e4: {  	v24 =	vmul.f32 v63, v52;
	v5 =	vmul.f32 v5, v48;
	v6 =	vadd.f32 v20, v6  }
0x1e5: {  	v8 =	vmul.f32 v8, v57;
	v7 =	vsub.f32 $1.500000000e+00, v22;
	v4 =	vnsel vm14, $0x3F800000, v4  }
0x1e6: {  	vm15 =	vgt.f32 v49, $1.000000000e+00;
	v4 =	vmul.f32 v4, v45;
	v5 =	vadd.f32 v5, v6  }
0x1e7: {  	v31 =	vsub.f32 $1.500000000e+00, v24;
	v30 =	vnsel vm15, $0x3F800000, v8;
	v28 =	vmul.f32 v7, v54  }
0x1e8: {  	vm4 =	vgt.f32 v47, $1.000000000e+00;
	v4 =	vadd.f32 v4, v5;
	v5 =	vmul.f32 v30, v40  }
0x1e9: {  	v36 =	vmul.f32 v31, v52;
	v6 =	vnsel vm4, $0x3F800000, v28  }
0x1ea: {  	vm5 =	vgt.f32 v44, $1.000000000e+00;
	v4 =	vadd.f32 v5, v4;
	v5 =	vmul.f32 v6, v38  }
0x1eb: {  	v7 =	vnsel vm5, $0x3F800000, v36  }
0x1ec: {  	v4 =	vadd.f32 v5, v4;
	v5 =	vmul.f32 v7, v32;
	_ =	sdelay $0x1  }
0x1ed: {  	v37 =	vsub.f32 $1.500000000e+00, v53;
	v4 =	vadd.f32 v5, v4;
	v5 =	vld [tilespmem:$0x1FFD0];
	_ =	sdelay $0x1  }
0x1ee: {  	v38 =	vmul.f32 v37, v50  }
0x1ef: {  	vm6 =	vgt.f32 v41, $1.000000000e+00  }
0x1f0: {  	v6 =	vnsel vm6, $0x3F800000, v38  }
0x1f1: {  	v5 =	vmul.f32 v6, v5;
	_ =	sdelay $0x1  }
0x1f2: {  	v40 =	vsub.f32 $1.500000000e+00, v46;
	v4 =	vadd.f32 v5, v4;
	v5 =	vld [tilespmem:$0x1FFA0];
	_ =	sdelay $0x1  }
0x1f3: {  	v41 =	vmul.f32 v40, v43  }
0x1f4: {  	vm7 =	vgt.f32 v33, $1.000000000e+00  }
0x1f5: {  	v7 =	vnsel vm7, $0x3F800000, v41  }
0x1f6: {  	v5 =	vmul.f32 v7, v5;
	_ =	sdelay $0x1  }
0x1f7: {  	v43 =	vsub.f32 $1.500000000e+00, v42;
	v4 =	vadd.f32 v5, v4;
	v5 =	vld [tilespmem:$0x1FF70];
	_ =	sdelay $0x1  }
0x1f8: {  	v45 =	vld [tilespmem:$0x1FFE0];
	v44 =	vmul.f32 v43, v39  }
0x1f9: {  	vm8 =	vgt.f32 v29, $1.000000000e+00  }
0x1fa: {  	v6 =	vnsel vm8, $0x3F800000, v44  }
0x1fb: {  	v5 =	vmul.f32 v6, v5;
	_ =	sdelay $0x1  }
0x1fc: {  	v8 =	vsub.f32 $1.500000000e+00, v45;
	v4 =	vadd.f32 v5, v4;
	v5 =	vld [tilespmem:$0x1FF40];
	_ =	sdelay $0x1  }
0x1fd: {  	v47 =	vld [tilespmem:$0x1FFF0];
	v46 =	vmul.f32 v8, v35  }
0x1fe: {  	vm9 =	vgt.f32 v27, $1.000000000e+00  }
0x1ff: {  	v7 =	vnsel vm9, $0x3F800000, v46  }
0x200: {  	v5 =	vmul.f32 v7, v5;
	_ =	sdelay $0x1  }
0x201: {  	v8 =	vsub.f32 $1.500000000e+00, v47;
	v4 =	vadd.f32 v5, v4;
	v5 =	vld [tilespmem:$0x1FF00];
	_ =	sdelay $0x1  }
0x202: {  	v49 =	vld [tilespmem:$0x1FFC0];
	v48 =	vmul.f32 v8, v34  }
0x203: {  	vm10 =	vgt.f32 v25, $1.000000000e+00  }
0x204: {  	v6 =	vnsel vm10, $0x3F800000, v48  }
0x205: {  	v52 =	vld [tilespmem:$0x1FF30];
	v5 =	vmul.f32 v6, v5;
	_ =	sdelay $0x1  }
0x206: {  	v8 =	vsub.f32 $1.500000000e+00, v49;
	v4 =	vadd.f32 v5, v4;
	v5 =	vld [tilespmem:$0x1FED0];
	_ =	sdelay $0x1  }
0x207: {  	v51 =	vld [tilespmem:$0x1FFB0];
	v50 =	vmul.f32 v8, v26  }
0x208: {  	vm11 =	vgt.f32 v52, $1.000000000e+00  }
0x209: {  	v7 =	vnsel vm11, $0x3F800000, v50  }
0x20a: {  	v55 =	vld [tilespmem:$0x1FEF0];
	v5 =	vmul.f32 v7, v5;
	_ =	sdelay $0x1  }
0x20b: {  	v8 =	vsub.f32 $1.500000000e+00, v51;
	v4 =	vadd.f32 v5, v4;
	v5 =	vld [tilespmem:$0x1FEB0];
	_ =	sdelay $0x1  }
0x20c: {  	v54 =	vld [tilespmem:$0x1FF90];
	v53 =	vmul.f32 v8, v23  }
0x20d: {  	vm12 =	vgt.f32 v55, $1.000000000e+00  }
0x20e: {  	v56 =	vld [tilespmem:$0x1FF80];
	v6 =	vnsel vm12, $0x3F800000, v53  }
0x20f: {  	v58 =	vld [tilespmem:$0x1FEE0];
	v5 =	vmul.f32 v6, v5;
	_ =	sdelay $0x1  }
0x210: {  	v8 =	vsub.f32 $1.500000000e+00, v54;
	v4 =	vadd.f32 v5, v4;
	v5 =	vld [tilespmem:$0x1FE90];
	_ =	sdelay $0x1  }
0x211: {  	v57 =	vld [tilespmem:$0x1FF60];
	v7 =	vmul.f32 v8, v56  }
0x212: {  	vm13 =	vgt.f32 v58, $1.000000000e+00  }
0x213: {  	v59 =	vld [tilespmem:$0x1FF50];
	v7 =	vnsel vm13, $0x3F800000, v7  }
0x214: {  	v61 =	vld [tilespmem:$0x1FEC0];
	v5 =	vmul.f32 v7, v5;
	_ =	sdelay $0x1  }
0x215: {  	v8 =	vsub.f32 $1.500000000e+00, v57;
	v4 =	vadd.f32 v5, v4;
	v5 =	vld [tilespmem:$0x1FE80];
	_ =	sdelay $0x1  }
0x216: {  	v60 =	vld [tilespmem:$0x1FF20];
	v6 =	vmul.f32 v8, v59  }
0x217: {  	vm14 =	vgt.f32 v61, $1.000000000e+00  }
0x218: {  	v62 =	vld [tilespmem:$0x1FF10];
	v6 =	vnsel vm14, $0x3F800000, v6  }
0x219: {  	v63 =	vld [tilespmem:$0x1FEA0];
	v5 =	vmul.f32 v6, v5;
	_ =	sdelay $0x1  }
0x21a: {  	v8 =	vsub.f32 $1.500000000e+00, v60;
	v4 =	vadd.f32 v5, v4;
	v5 =	vld [tilespmem:$0x1FE70];
	_ =	sdelay $0x1  }
0x21b: {  	v7 =	vmul.f32 v8, v62  }
0x21c: {  	vm15 =	vgt.f32 v63, $1.000000000e+00  }
0x21d: {  	v6 =	vnsel vm15, $0x3F800000, v7  }
0x21e: {  	v5 =	vmul.f32 v6, v5;
	_ =	sdelay $0x1  }
0x21f: {  	v4 =	vadd.f32 v5, v4;
	_ =	sdelay $0x1  }
0x220: {  	s19 =	sadd.s32 $0x1, s19;
	v4 =	vmul.f32 $5.000000070e-02, v4  }
0x221: {  	s31 =	sshra.s32 s21, $0x2;
	p0 =	sne.s32 s19, s6  }
.Ltmp1:
0x222: {  	[tilespmem:s31+$0x2A80] =	vst v4;
	(pc) =	sbr.rel @p0 .LBB2_1-.Ltmp1, $4  }
0x223: {  	[hbm4b:s5+s1] =	stream.linear.scatter [tilespmem:s18], [sflag:$0x2], $0x200, $0x38;
	[tilespmem:$0x2C80] =	vst v63  }
0x224: {  	_ =	swait.ge [sflag:s7], $0x200  }
0x225: {  	[sflag:s7] =	ssyncset.done $0x0  }
0x226: {  	[sflag:s7] =	ssyncadd.s32 $0xFFFFFE00  }
0x227: {  	_ =	sfence.sel $0x180000  }
0x228: {  	[bflag:$0x0] =	sbarrier.arrive $0xFFFF  }
0x229: {  	p0 =	sne.s32 s0, $0x0;
	_ =	strace $0x90000047  }
0x22a: {  	s0 =	sadd.s32 @!p0 $0x100000, s2;
	[bflag:$0x2] =	sbarrier.arrive $0xFFFF  }
0x22b: {  	[sflag:s0] =	ssyncadd.tile.s32 @!p0 $0x1;
	_ =	shalt  }
.Lfunc_end2:
_tile_overlayer_lowered:
.L_overlay_start_2:
0x22c: {  	(tag) =	ssettag $0x2  }
0x22d: {  	s0 =	rddreg [dreg:$0x0];
	s2 =	stileid.u32  }
0x22e: {  	s1 =	rddreg [dreg:$0x1];
	p0 =	sne.s32 s2, $0x0  }
0x22f: {  	s3 =	rddreg [dreg:$0x2];
	[bflag:$0x3] =	sbarrier.arrive $0xFFFF;
	s2 =	simm.s32 @!p0 $0x1C02  }
0x230: {  	[timem:s3], [sflag:s2] =	dma.local @!p0 [hbm:s0], s1  }
0x231: {  	s0 =	simm.s32 @!p0 $0x2  }
0x232: {  	_ =	swait.ge @!p0 [sflag:s0], s1  }
0x233: {  	s1 =	ssub.s32 @!p0 $0x0, s1;
	[sflag:s0] =	ssyncset.done @!p0 $0x0  }
0x234: {  	[sflag:s0] =	ssyncadd.s32 @!p0 s1  }
0x235: {  	[bflag:$0x3] =	sbarrier.arrive $0xFFFF  }
0x236: {  	_ =	shalt  }

</sc_bundles>
